<compile_context>
chip_gen: v7x
topology: tpu7x:2x2x1
jax: 0.10.2.dev20260603
libtpu: 0.0.44.dev20260713+nightly
codegen_flags: <defaults>
</compile_context>

<pallas_src>
import functools

import jax
import jax.numpy as jnp
from jax import lax
from jax.experimental import pallas as pl
from jax.experimental.pallas import tpu as pltpu
from jax.experimental.pallas import tpu_sc as plsc

_L = 16


def _k_of(frac, n):
    if frac <= 0:
        return 0
    elif frac < 1:
        return int(round(frac * n))
    elif frac > n:
        return int(n)
    else:
        return int(frac)


@functools.partial(jax.jit, static_argnums=(1, 2, 3))
def _weldon_sc(x_flat, rows, n, k):
    info = plsc.get_sparse_core_info()
    nc, ns = info.num_cores, info.num_subcores
    nw = nc * ns
    assert rows % (nw * _L) == 0
    rpw = rows // nw
    ch = 48
    while rpw % ch or (rpw // ch) % 2:
        ch //= 2
    nchunks = rpw // ch
    ngrp = ch // _L
    kl = ch + 1
    assert n % 16 == 0

    mesh = plsc.VectorSubcoreMesh(core_axis_name="c", subcore_axis_name="s")

    @functools.partial(
        pl.kernel,
        out_type=jax.ShapeDtypeStruct((rows,), jnp.float32),
        mesh=mesh,
        scratch_types=[
            pltpu.VMEM((ch * n,), jnp.float32),
            pltpu.VMEM((ch * n,), jnp.float32),
            pltpu.VMEM((n * kl,), jnp.int32),
            pltpu.VMEM((256 * _L,), jnp.int32),
            pltpu.VMEM((256 * _L,), jnp.int32),
            pltpu.VMEM((256 * _L,), jnp.int32),
            pltpu.VMEM((256 * _L,), jnp.int32),
            pltpu.VMEM((rpw,), jnp.float32),
            pltpu.SemaphoreType.DMA,
            pltpu.SemaphoreType.DMA,
        ],
        compiler_params=pltpu.CompilerParams(needs_layout_passes=False),
    )
    def kern(
        x_hbm, out_hbm, dbuf0, dbuf1, keyst, hist, histb, cumt, cumb, outb,
        sem0, sem1,
    ):
        wid = lax.axis_index("s") * nc + lax.axis_index("c")
        base = wid * rpw

        lanes = lax.iota(jnp.int32, _L)
        iotakl = lanes * kl
        zero_i = jnp.zeros((_L,), jnp.int32)
        one_i = jnp.ones((_L,), jnp.int32)
        m7f = jnp.int32(0x7FFFFFFF)
        n_v = jnp.full((_L,), n, jnp.int32)
        k_v = jnp.full((_L,), k, jnp.int32)
        kf = jnp.float32(k)

        def clr(b, _):
            hist[pl.ds(b * _L, _L)] = zero_i
            histb[pl.ds(b * _L, _L)] = zero_i
            return 0

        lax.fori_loop(0, 256, clr, 0)

        def scan2(same, tott, rt, totb, rb):
            def sbody(j, st):
                cumtv, cumbv, b1, b2 = st
                for u in range(4):
                    o = (j * 4 + u) * _L
                    ht = hist[pl.ds(o, _L)]
                    hb = ht if same else histb[pl.ds(o, _L)]
                    hist[pl.ds(o, _L)] = zero_i
                    if not same:
                        histb[pl.ds(o, _L)] = zero_i
                    cumtv = cumtv + ht
                    cumbv = cumtv if same else cumbv + hb
                    cumt[pl.ds(o, _L)] = cumtv
                    if not same:
                        cumb[pl.ds(o, _L)] = cumbv
                    b1 = b1 + jnp.where(tott - cumtv >= rt, 1, 0)
                    b2 = b2 + jnp.where(cumbv < rb, 1, 0)
                return cumtv, cumbv, b1, b2

            _, _, b1, b2 = lax.fori_loop(
                0, 64, sbody, (zero_i, zero_i, zero_i, zero_i)
            )
            cumi_t = plsc.load_gather(cumt, [(b1 << 4) + lanes])
            cume_t = plsc.load_gather(
                cumt, [(jnp.maximum(b1 - 1, 0) << 4) + lanes]
            )
            cume_t = jnp.where(b1 > 0, cume_t, 0)
            cref = cumt if same else cumb
            cumi_b = plsc.load_gather(cref, [(b2 << 4) + lanes])
            cume_b = plsc.load_gather(
                cref, [(jnp.maximum(b2 - 1, 0) << 4) + lanes]
            )
            cume_b = jnp.where(b2 > 0, cume_b, 0)
            rt_n = rt - (tott - cumi_t)
            tott_n = cumi_t - cume_t
            rb_n = rb - cume_b
            totb_n = cumi_b - cume_b
            return b1, rt_n, tott_n, b2, rb_n, totb_n

        def grp_select(goff):
            def b1body(j, _):
                for u in range(8):
                    e = j * 8 + u
                    key = keyst[pl.ds(e * kl + goff, _L)]
                    f = ((key >> 24) & 0xFF) ^ 0x80
                    plsc.addupdate_scatter(hist, [(f << 4) + lanes], one_i)
                return 0

            lax.fori_loop(0, n // 8, b1body, 0)
            b1, rt, tott, b2, rb, totb = scan2(True, n_v, k_v, n_v, k_v)
            pt = ((b1 ^ 0x80) << 24) >> 24
            pb = ((b2 ^ 0x80) << 24) >> 24

            for shift in (16,):

                def blbody(j, _, shift=shift, pt=pt, pb=pb):
                    for u in range(8):
                        e = j * 8 + u
                        key = keyst[pl.ds(e * kl + goff, _L)]
                        f = (key >> shift) & 0xFF if shift else key & 0xFF
                        idx = (f << 4) + lanes
                        hi = key >> (shift + 8)
                        plsc.addupdate_scatter(
                            hist, [idx], one_i, mask=hi == pt
                        )
                        plsc.addupdate_scatter(
                            histb, [idx], one_i, mask=hi == pb
                        )
                    return 0

                lax.fori_loop(0, n // 8, blbody, 0)
                b1, rt, tott, b2, rb, totb = scan2(False, tott, rt, totb, rb)
                pt = (pt << 8) | b1
                pb = (pb << 8) | b2

            t1k = (pt << 16) | 0xFFFF
            t2k = pb << 16

            def fin(j, acc):
                s1a, s2a, s1b, s2b = acc
                for u in range(8):
                    e = j * 8 + u
                    key = keyst[pl.ds(e * kl + goff, _L)]
                    v = plsc.bitcast(key ^ ((key >> 31) & m7f), jnp.float32)
                    if u % 2 == 0:
                        s1a = s1a + jnp.where(key > t1k, v, 0.0)
                        s2a = s2a + jnp.where(key < t2k, v, 0.0)
                    else:
                        s1b = s1b + jnp.where(key > t1k, v, 0.0)
                        s2b = s2b + jnp.where(key < t2k, v, 0.0)
                return s1a, s2a, s1b, s2b

            z = jnp.zeros((_L,), jnp.float32)
            s1a, s2a, s1b, s2b = lax.fori_loop(0, n // 8, fin, (z, z, z, z))
            t1m = (pt << 16) | 0x8000
            t2m = (pb << 16) | 0x8000
            t1f = plsc.bitcast(t1m ^ ((t1m >> 31) & m7f), jnp.float32)
            t2f = plsc.bitcast(t2m ^ ((t2m >> 31) & m7f), jnp.float32)
            s1 = (s1a + s1b) + rt.astype(jnp.float32) * t1f
            s2 = (s2a + s2b) + rb.astype(jnp.float32) * t2f
            return (s1 / kf + s2 / kf) * 0.5

        def hbm_chunk(ci):
            return x_hbm.at[pl.ds((base + ci * ch) * n, ch * n)]

        pltpu.async_copy(hbm_chunk(0), dbuf0, sem0)
        pltpu.async_copy(hbm_chunk(1), dbuf1, sem1)

        def chunk_pair(cj, _):
            for db, sem, b in ((dbuf0, sem0, 0), (dbuf1, sem1, 1)):
                ci = cj * 2 + b
                pltpu.make_async_copy(hbm_chunk(ci), db, sem).wait()

                def kg_row(rr, _r, db=db):
                    bs = rr * n

                    def kg_j(j, _j):
                        jj = j * (4 * _L)
                        for u in range(4):
                            off = jj + u * _L
                            v = db[pl.ds(bs + off, _L)]
                            bits = plsc.bitcast(v, jnp.int32)
                            key = bits ^ ((bits >> 31) & m7f)
                            plsc.store_scatter(
                                keyst, [iotakl + (off * kl + rr)], key
                            )
                        return 0

                    lax.fori_loop(0, n // (4 * _L), kg_j, 0)
                    return 0

                lax.fori_loop(0, ch, kg_row, 0)

                @pl.when(ci + 2 < nchunks)
                def _(db=db, sem=sem, ci=ci):
                    pltpu.async_copy(hbm_chunk(ci + 2), db, sem)

                def grp_body(g, _g, ci=ci):
                    outb[pl.ds(ci * ch + g * _L, _L)] = grp_select(g * _L)
                    return 0

                lax.fori_loop(0, ngrp, grp_body, 0)
            return 0

        lax.fori_loop(0, nchunks // 2, chunk_pair, 0)
        pltpu.sync_copy(outb, out_hbm.at[pl.ds(base, rpw)])

    return kern(x_flat)


def kernel(input):
    B, C, H, W = input.shape
    n = H * W
    k = _k_of(0.1, n)
    x = input.reshape(B * C * n)
    out = _weldon_sc(x, B * C, n, k)
    return out.reshape(B, C)

# --- scband reference (transcript-rebuilt; emitter-appended) ---
"""Pipeline reference for scband-weldon-pool2d-4209067950178 (READ-ONLY COPY).

The authoritative reference and input builder live on the scoring server;
editing this copy changes nothing except your own understanding.
"""

import jax, jax.numpy as jnp
import numpy as np

KMAX = 0.1
KMIN = 0.1


def _num_instances(k, n):
    if k <= 0:
        return 0
    elif k < 1:
        return int(round(k * n))
    elif k > n:
        return int(n)
    else:
        return int(k)


def setup_inputs(seed: int = 0) -> dict:
    key = jax.random.key(seed)
    x = jax.random.normal(key, (32, 768, 24, 24), dtype=jnp.float32)
    return {"input": x}


def reference(input):
    B, C, H, W = input.shape
    n = H * W
    kmax = _num_instances(KMAX, n)
    kmin = _num_instances(KMIN, n)
    # sort descending along the flattened spatial dim
    s = jnp.sort(input.reshape(B, C, n), axis=2)[:, :, ::-1]
    out = s[:, :, :kmax].sum(axis=2) / kmax
    if kmin > 0:
        out = (out + s[:, :, n - kmin:].sum(axis=2) / kmin) / 2.0
    return out.reshape(B, C)

if __name__ == "__main__":
    import jax
    _d = setup_inputs()
    print(jax.jit(kernel)(*tuple(_d.values())))

</pallas_src>

<mosaic_0001>
#map = affine_map<(d0, d1) -> (0)>
module attributes {stable_mosaic.version = 14 : i64} {
  func.func @kern(%arg0: i32, %arg1: i32, %arg2: memref<14155776xf32, #tpu.memory_space<hbm>>, %arg3: memref<24576xf32, #tpu.memory_space<hbm>>, %arg4: memref<27648xf32, #tpu.memory_space<vmem>>, %arg5: memref<27648xf32, #tpu.memory_space<vmem>>, %arg6: memref<28224xi32, #tpu.memory_space<vmem>>, %arg7: memref<4096xi32, #tpu.memory_space<vmem>>, %arg8: memref<4096xi32, #tpu.memory_space<vmem>>, %arg9: memref<4096xi32, #tpu.memory_space<vmem>>, %arg10: memref<4096xi32, #tpu.memory_space<vmem>>, %arg11: memref<768xf32, #tpu.memory_space<vmem>>, %arg12: memref<!tpu.dma_semaphore, #tpu.memory_space<semaphore_mem>>, %arg13: memref<!tpu.dma_semaphore, #tpu.memory_space<semaphore_mem>>) attributes {dimension_semantics = [#tpu.dimension_semantics<core_parallel>, #tpu.dimension_semantics<subcore_parallel>], iteration_bounds = array<i64: 2, 16>, scalar_prefetch = 0 : i64, scratch_operands = 10 : i64, tpu.core_type = #tpu.core_type<sc_vector_subcore>, window_params = [{transform_indices = #map}, {transform_indices = #map}]} {
    %mul3A = arith.constant 2 : i32
    %mul3A_0 = arith.muli %arg1, %mul3A : i32
    %add3A = arith.addi %mul3A_0, %arg0 : i32
    %mul3A_1 = arith.constant 768 : i32
    %mul3A_2 = arith.muli %add3A, %mul3A_1 : i32
    %iota3A = tpu.iota {dimensions = array<i32: 0>} : vector<16xi32>
    %mul3A_3 = arith.constant 49 : i32
    %mul3A_4 = vector.broadcast %mul3A_3 : i32 to vector<16xi32>
    %mul3A_5 = arith.muli %iota3A, %mul3A_4 : vector<16xi32>
    %broadcast_in_dim3A = arith.constant 0 : i32
    %broadcast_in_dim3A_6 = vector.broadcast %broadcast_in_dim3A : i32 to vector<16xi32>
    %broadcast_in_dim3A_7 = arith.constant 1 : i32
    %broadcast_in_dim3A_8 = vector.broadcast %broadcast_in_dim3A_7 : i32 to vector<16xi32>
    %broadcast_in_dim3A_9 = arith.constant 576 : i32
    %broadcast_in_dim3A_10 = vector.broadcast %broadcast_in_dim3A_9 : i32 to vector<16xi32>
    %broadcast_in_dim3A_11 = arith.constant 58 : i32
    %broadcast_in_dim3A_12 = vector.broadcast %broadcast_in_dim3A_11 : i32 to vector<16xi32>
    %scan3A = arith.constant 0 : i32
    %scan3A_13 = arith.constant 0 : i32
    %scan3A_14 = arith.constant 256 : i32
    %scan3A_15 = arith.addi %scan3A_13, %scan3A_14 : i32
    %scan3A_16 = arith.constant 1 : i32
    %scan3A_17 = scf.for %scan3A_39 = %scan3A_13 to %scan3A_15 step %scan3A_16 iter_args(%scan3A_40 = %scan3A) -> (i32)  : i32 {
      %mul3A_41 = arith.constant 16 : i32
      %mul3A_42 = arith.muli %scan3A_39, %mul3A_41 : i32
      %swap3A = arith.index_cast %mul3A_42 : i32 to index
      %swap3A_43 = tpu.vector_load %arg7[%swap3A] {strides = array<i32>} : memref<4096xi32, #tpu.memory_space<vmem>>, vector<16xi32>,
      tpu.vector_store %arg7[%swap3A], %broadcast_in_dim3A_6 {strides = array<i32>} : memref<4096xi32, #tpu.memory_space<vmem>>, vector<16xi32>,
      %mul3A_44 = arith.constant 16 : i32
      %mul3A_45 = arith.muli %scan3A_39, %mul3A_44 : i32
      %swap3A_46 = arith.index_cast %mul3A_45 : i32 to index
      %swap3A_47 = tpu.vector_load %arg8[%swap3A_46] {strides = array<i32>} : memref<4096xi32, #tpu.memory_space<vmem>>, vector<16xi32>,
      tpu.vector_store %arg8[%swap3A_46], %broadcast_in_dim3A_6 {strides = array<i32>} : memref<4096xi32, #tpu.memory_space<vmem>>, vector<16xi32>,
      %scan3A_48 = arith.constant 0 : i32
      scf.yield %scan3A_48 : i32
    }
    %scan3A_18 = arith.constant 256 : i32
    %add3A_19 = arith.constant 0 : i32
    %add3A_20 = arith.addi %mul3A_2, %add3A_19 : i32
    %mul3A_21 = arith.constant 576 : i32
    %mul3A_22 = arith.muli %add3A_20, %mul3A_21 : i32
    %dma_start3A = tpu.memref_slice %arg2[%mul3A_22] : memref<14155776xf32, #tpu.memory_space<hbm>> -> memref<27648xf32, #tpu.memory_space<hbm>>
    %dma_start3A_23 = tpu.memref_slice %arg2[%mul3A_22] : memref<14155776xf32, #tpu.memory_space<hbm>> -> memref<27648xf32, #tpu.memory_space<hbm>>
    tpu.enqueue_dma source(%dma_start3A_23 : memref<27648xf32, #tpu.memory_space<hbm>>) target(%arg4 : memref<27648xf32, #tpu.memory_space<vmem>>) target_semaphore(%arg12 : memref<!tpu.dma_semaphore, #tpu.memory_space<semaphore_mem>>)
    %add3A_24 = arith.constant 48 : i32
    %add3A_25 = arith.addi %mul3A_2, %add3A_24 : i32
    %mul3A_26 = arith.constant 576 : i32
    %mul3A_27 = arith.muli %add3A_25, %mul3A_26 : i32
    %dma_start3A_28 = tpu.memref_slice %arg2[%mul3A_27] : memref<14155776xf32, #tpu.memory_space<hbm>> -> memref<27648xf32, #tpu.memory_space<hbm>>
    %dma_start3A_29 = tpu.memref_slice %arg2[%mul3A_27] : memref<14155776xf32, #tpu.memory_space<hbm>> -> memref<27648xf32, #tpu.memory_space<hbm>>
    tpu.enqueue_dma source(%dma_start3A_29 : memref<27648xf32, #tpu.memory_space<hbm>>) target(%arg5 : memref<27648xf32, #tpu.memory_space<vmem>>) target_semaphore(%arg13 : memref<!tpu.dma_semaphore, #tpu.memory_space<semaphore_mem>>)
    %scan3A_30 = arith.constant 2147483647 : i32
    %scan3A_31 = arith.constant 5.800000e+01 : f32
    %scan3A_32 = arith.constant 0 : i32
    %scan3A_33 = arith.constant 0 : i32
    %scan3A_34 = arith.constant 8 : i32
    %scan3A_35 = arith.addi %scan3A_33, %scan3A_34 : i32
    %scan3A_36 = arith.constant 1 : i32
    %scan3A_37 = scf.for %scan3A_39 = %scan3A_33 to %scan3A_35 step %scan3A_36 iter_args(%scan3A_40 = %scan3A_32) -> (i32)  : i32 {
      %mul3A_41 = arith.constant 2 : i32
      %mul3A_42 = arith.muli %scan3A_39, %mul3A_41 : i32
      %add3A_43 = arith.constant 0 : i32
      %add3A_44 = arith.addi %mul3A_42, %add3A_43 : i32
      %mul3A_45 = arith.constant 48 : i32
      %mul3A_46 = arith.muli %add3A_44, %mul3A_45 : i32
      %add3A_47 = arith.addi %mul3A_2, %mul3A_46 : i32
      %mul3A_48 = arith.constant 576 : i32
      %mul3A_49 = arith.muli %add3A_47, %mul3A_48 : i32
      %dma_wait3A = tpu.memref_slice %arg2[%mul3A_49] : memref<14155776xf32, #tpu.memory_space<hbm>> -> memref<27648xf32, #tpu.memory_space<hbm>>
      %dma_wait3A_50 = tpu.memref_slice %arg2[%mul3A_49] : memref<14155776xf32, #tpu.memory_space<hbm>> -> memref<27648xf32, #tpu.memory_space<hbm>>
      tpu.wait_dma2 semaphore(%arg12 : memref<!tpu.dma_semaphore, #tpu.memory_space<semaphore_mem>>) src(%dma_wait3A_50 : memref<27648xf32, #tpu.memory_space<hbm>>) dst(%arg4 : memref<27648xf32, #tpu.memory_space<vmem>>)
      %scan3A_51 = arith.constant 0 : i32
      %scan3A_52 = arith.constant 0 : i32
      %scan3A_53 = arith.constant 48 : i32
      %scan3A_54 = arith.addi %scan3A_52, %scan3A_53 : i32
      %scan3A_55 = arith.constant 1 : i32
      %scan3A_56 = scf.for %scan3A_102 = %scan3A_52 to %scan3A_54 step %scan3A_55 iter_args(%scan3A_103 = %scan3A_51) -> (i32)  : i32 {
        %mul3A_104 = arith.constant 576 : i32
        %mul3A_105 = arith.muli %scan3A_102, %mul3A_104 : i32
        %scan3A_106 = arith.constant 0 : i32
        %scan3A_107 = arith.constant 0 : i32
        %scan3A_108 = arith.constant 9 : i32
        %scan3A_109 = arith.addi %scan3A_107, %scan3A_108 : i32
        %scan3A_110 = arith.constant 1 : i32
        %scan3A_111 = scf.for %scan3A_114 = %scan3A_107 to %scan3A_109 step %scan3A_110 iter_args(%scan3A_115 = %scan3A_106) -> (i32)  : i32 {
          %mul3A_116 = arith.constant 64 : i32
          %mul3A_117 = arith.muli %scan3A_114, %mul3A_116 : i32
          %add3A_118 = arith.constant 0 : i32
          %add3A_119 = arith.addi %mul3A_117, %add3A_118 : i32
          %add3A_120 = arith.addi %mul3A_105, %add3A_119 : i32
          %get3A = arith.index_cast %add3A_120 : i32 to index
          %get3A_121 = tpu.vector_load %arg4[%get3A] {strides = array<i32>} : memref<27648xf32, #tpu.memory_space<vmem>>, vector<16xf32>,
          %bitcast3A = vector.bitcast %get3A_121 : vector<16xf32> to vector<16xi32>
          %shift_right_arithmetic3A = arith.constant 31 : i32
          %shift_right_arithmetic3A_122 = vector.broadcast %shift_right_arithmetic3A : i32 to vector<16xi32>
          %shift_right_arithmetic3A_123 = arith.shrsi %bitcast3A, %shift_right_arithmetic3A_122 : vector<16xi32>
          %and3A = vector.broadcast %scan3A_30 : i32 to vector<16xi32>
          %and3A_124 = arith.andi %shift_right_arithmetic3A_123, %and3A : vector<16xi32>
          %xor3A = arith.xori %bitcast3A, %and3A_124 : vector<16xi32>
          %mul3A_125 = arith.constant 49 : i32
          %mul3A_126 = arith.muli %add3A_119, %mul3A_125 : i32
          %add3A_127 = arith.addi %mul3A_126, %scan3A_102 : i32
          %add3A_128 = vector.broadcast %add3A_127 : i32 to vector<16xi32>
          %add3A_129 = arith.addi %mul3A_5, %add3A_128 : vector<16xi32>
          tpu.vector_store_idx %arg6[%add3A_129], %xor3A : memref<28224xi32, #tpu.memory_space<vmem>>[vector<16xi32>], vector<16xi32>,
          %add3A_130 = arith.constant 16 : i32
          %add3A_131 = arith.addi %mul3A_117, %add3A_130 : i32
          %add3A_132 = arith.addi %mul3A_105, %add3A_131 : i32
          %get3A_133 = arith.index_cast %add3A_132 : i32 to index
          %get3A_134 = tpu.vector_load %arg4[%get3A_133] {strides = array<i32>} : memref<27648xf32, #tpu.memory_space<vmem>>, vector<16xf32>,
          %bitcast3A_135 = vector.bitcast %get3A_134 : vector<16xf32> to vector<16xi32>
          %shift_right_arithmetic3A_136 = arith.constant 31 : i32
          %shift_right_arithmetic3A_137 = vector.broadcast %shift_right_arithmetic3A_136 : i32 to vector<16xi32>
          %shift_right_arithmetic3A_138 = arith.shrsi %bitcast3A_135, %shift_right_arithmetic3A_137 : vector<16xi32>
          %and3A_139 = vector.broadcast %scan3A_30 : i32 to vector<16xi32>
          %and3A_140 = arith.andi %shift_right_arithmetic3A_138, %and3A_139 : vector<16xi32>
          %xor3A_141 = arith.xori %bitcast3A_135, %and3A_140 : vector<16xi32>
          %mul3A_142 = arith.constant 49 : i32
          %mul3A_143 = arith.muli %add3A_131, %mul3A_142 : i32
          %add3A_144 = arith.addi %mul3A_143, %scan3A_102 : i32
          %add3A_145 = vector.broadcast %add3A_144 : i32 to vector<16xi32>
          %add3A_146 = arith.addi %mul3A_5, %add3A_145 : vector<16xi32>
          tpu.vector_store_idx %arg6[%add3A_146], %xor3A_141 : memref<28224xi32, #tpu.memory_space<vmem>>[vector<16xi32>], vector<16xi32>,
          %add3A_147 = arith.constant 32 : i32
          %add3A_148 = arith.addi %mul3A_117, %add3A_147 : i32
          %add3A_149 = arith.addi %mul3A_105, %add3A_148 : i32
          %get3A_150 = arith.index_cast %add3A_149 : i32 to index
          %get3A_151 = tpu.vector_load %arg4[%get3A_150] {strides = array<i32>} : memref<27648xf32, #tpu.memory_space<vmem>>, vector<16xf32>,
          %bitcast3A_152 = vector.bitcast %get3A_151 : vector<16xf32> to vector<16xi32>
          %shift_right_arithmetic3A_153 = arith.constant 31 : i32
          %shift_right_arithmetic3A_154 = vector.broadcast %shift_right_arithmetic3A_153 : i32 to vector<16xi32>
          %shift_right_arithmetic3A_155 = arith.shrsi %bitcast3A_152, %shift_right_arithmetic3A_154 : vector<16xi32>
          %and3A_156 = vector.broadcast %scan3A_30 : i32 to vector<16xi32>
          %and3A_157 = arith.andi %shift_right_arithmetic3A_155, %and3A_156 : vector<16xi32>
          %xor3A_158 = arith.xori %bitcast3A_152, %and3A_157 : vector<16xi32>
          %mul3A_159 = arith.constant 49 : i32
          %mul3A_160 = arith.muli %add3A_148, %mul3A_159 : i32
          %add3A_161 = arith.addi %mul3A_160, %scan3A_102 : i32
          %add3A_162 = vector.broadcast %add3A_161 : i32 to vector<16xi32>
          %add3A_163 = arith.addi %mul3A_5, %add3A_162 : vector<16xi32>
          tpu.vector_store_idx %arg6[%add3A_163], %xor3A_158 : memref<28224xi32, #tpu.memory_space<vmem>>[vector<16xi32>], vector<16xi32>,
          %add3A_164 = arith.constant 48 : i32
          %add3A_165 = arith.addi %mul3A_117, %add3A_164 : i32
          %add3A_166 = arith.addi %mul3A_105, %add3A_165 : i32
          %get3A_167 = arith.index_cast %add3A_166 : i32 to index
          %get3A_168 = tpu.vector_load %arg4[%get3A_167] {strides = array<i32>} : memref<27648xf32, #tpu.memory_space<vmem>>, vector<16xf32>,
          %bitcast3A_169 = vector.bitcast %get3A_168 : vector<16xf32> to vector<16xi32>
          %shift_right_arithmetic3A_170 = arith.constant 31 : i32
          %shift_right_arithmetic3A_171 = vector.broadcast %shift_right_arithmetic3A_170 : i32 to vector<16xi32>
          %shift_right_arithmetic3A_172 = arith.shrsi %bitcast3A_169, %shift_right_arithmetic3A_171 : vector<16xi32>
          %and3A_173 = vector.broadcast %scan3A_30 : i32 to vector<16xi32>
          %and3A_174 = arith.andi %shift_right_arithmetic3A_172, %and3A_173 : vector<16xi32>
          %xor3A_175 = arith.xori %bitcast3A_169, %and3A_174 : vector<16xi32>
          %mul3A_176 = arith.constant 49 : i32
          %mul3A_177 = arith.muli %add3A_165, %mul3A_176 : i32
          %add3A_178 = arith.addi %mul3A_177, %scan3A_102 : i32
          %add3A_179 = vector.broadcast %add3A_178 : i32 to vector<16xi32>
          %add3A_180 = arith.addi %mul3A_5, %add3A_179 : vector<16xi32>
          tpu.vector_store_idx %arg6[%add3A_180], %xor3A_175 : memref<28224xi32, #tpu.memory_space<vmem>>[vector<16xi32>], vector<16xi32>,
          %scan3A_181 = arith.constant 0 : i32
          scf.yield %scan3A_181 : i32
        }
        %scan3A_112 = arith.constant 9 : i32
        %scan3A_113 = arith.constant 0 : i32
        scf.yield %scan3A_113 : i32
      }
      %scan3A_57 = arith.constant 48 : i32
      %add3A_58 = arith.constant 2 : i32
      %add3A_59 = arith.addi %add3A_44, %add3A_58 : i32
      %lt3A = arith.constant 16 : i32
      %lt3A_60 = arith.cmpi slt, %add3A_59, %lt3A : i32
      %convert_element_type3A = arith.extui %lt3A_60 : i1 to i32
      %cond3A = arith.constant 0 : i32
      %cond3A_61 = arith.cmpi ne, %convert_element_type3A, %cond3A : i32
      scf.if %cond3A_61 {
        %add3A_102 = arith.constant 2 : i32
        %add3A_103 = arith.addi %add3A_44, %add3A_102 : i32
        %mul3A_104 = arith.constant 48 : i32
        %mul3A_105 = arith.muli %add3A_103, %mul3A_104 : i32
        %add3A_106 = arith.addi %mul3A_2, %mul3A_105 : i32
        %mul3A_107 = arith.constant 576 : i32
        %mul3A_108 = arith.muli %add3A_106, %mul3A_107 : i32
        %dma_start3A_109 = tpu.memref_slice %arg2[%mul3A_108] : memref<14155776xf32, #tpu.memory_space<hbm>> -> memref<27648xf32, #tpu.memory_space<hbm>>
        %dma_start3A_110 = tpu.memref_slice %arg2[%mul3A_108] : memref<14155776xf32, #tpu.memory_space<hbm>> -> memref<27648xf32, #tpu.memory_space<hbm>>
        tpu.enqueue_dma source(%dma_start3A_110 : memref<27648xf32, #tpu.memory_space<hbm>>) target(%arg4 : memref<27648xf32, #tpu.memory_space<vmem>>) target_semaphore(%arg12 : memref<!tpu.dma_semaphore, #tpu.memory_space<semaphore_mem>>)
      } else {
      }
      %scan3A_62 = arith.constant 0 : i32
      %scan3A_63 = arith.constant 0 : i32
      %scan3A_64 = arith.constant 3 : i32
      %scan3A_65 = arith.addi %scan3A_63, %scan3A_64 : i32
      %scan3A_66 = arith.constant 1 : i32
      %scan3A_67 = scf.for %scan3A_102 = %scan3A_63 to %scan3A_65 step %scan3A_66 iter_args(%scan3A_103 = %scan3A_62) -> (i32)  : i32 {
        %mul3A_104 = arith.constant 16 : i32
        %mul3A_105 = arith.muli %scan3A_102, %mul3A_104 : i32
        %scan3A_106 = arith.constant 0 : i32
        %scan3A_107 = arith.constant 0 : i32
        %scan3A_108 = arith.constant 72 : i32
        %scan3A_109 = arith.addi %scan3A_107, %scan3A_108 : i32
        %scan3A_110 = arith.constant 1 : i32
        %scan3A_111 = scf.for %scan3A_309 = %scan3A_107 to %scan3A_109 step %scan3A_110 iter_args(%scan3A_310 = %scan3A_106) -> (i32)  : i32 {
          %mul3A_311 = arith.constant 8 : i32
          %mul3A_312 = arith.muli %scan3A_309, %mul3A_311 : i32
          %add3A_313 = arith.constant 0 : i32
          %add3A_314 = arith.addi %mul3A_312, %add3A_313 : i32
          %mul3A_315 = arith.constant 49 : i32
          %mul3A_316 = arith.muli %add3A_314, %mul3A_315 : i32
          %add3A_317 = arith.addi %mul3A_316, %mul3A_105 : i32
          %get3A = arith.index_cast %add3A_317 : i32 to index
          %get3A_318 = tpu.vector_load %arg6[%get3A] {strides = array<i32>} : memref<28224xi32, #tpu.memory_space<vmem>>, vector<16xi32>,
          %shift_right_arithmetic3A_319 = arith.constant 24 : i32
          %shift_right_arithmetic3A_320 = vector.broadcast %shift_right_arithmetic3A_319 : i32 to vector<16xi32>
          %shift_right_arithmetic3A_321 = arith.shrsi %get3A_318, %shift_right_arithmetic3A_320 : vector<16xi32>
          %and3A_322 = arith.constant 255 : i32
          %and3A_323 = vector.broadcast %and3A_322 : i32 to vector<16xi32>
          %and3A_324 = arith.andi %shift_right_arithmetic3A_321, %and3A_323 : vector<16xi32>
          %xor3A_325 = arith.constant 128 : i32
          %xor3A_326 = vector.broadcast %xor3A_325 : i32 to vector<16xi32>
          %xor3A_327 = arith.xori %and3A_324, %xor3A_326 : vector<16xi32>
          %shift_left3A_328 = arith.constant 4 : i32
          %shift_left3A_329 = vector.broadcast %shift_left3A_328 : i32 to vector<16xi32>
          %shift_left3A_330 = arith.shli %xor3A_327, %shift_left3A_329 : vector<16xi32>
          %add3A_331 = arith.addi %shift_left3A_330, %iota3A : vector<16xi32>
          tpu.vector_store_idx %arg7[%add3A_331], %broadcast_in_dim3A_8 {add = true} : memref<4096xi32, #tpu.memory_space<vmem>>[vector<16xi32>], vector<16xi32>,
          %mul3A_332 = arith.constant 8 : i32
          %mul3A_333 = arith.muli %scan3A_309, %mul3A_332 : i32
          %add3A_334 = arith.constant 1 : i32
          %add3A_335 = arith.addi %mul3A_333, %add3A_334 : i32
          %mul3A_336 = arith.constant 49 : i32
          %mul3A_337 = arith.muli %add3A_335, %mul3A_336 : i32
          %add3A_338 = arith.addi %mul3A_337, %mul3A_105 : i32
          %get3A_339 = arith.index_cast %add3A_338 : i32 to index
          %get3A_340 = tpu.vector_load %arg6[%get3A_339] {strides = array<i32>} : memref<28224xi32, #tpu.memory_space<vmem>>, vector<16xi32>,
          %shift_right_arithmetic3A_341 = arith.constant 24 : i32
          %shift_right_arithmetic3A_342 = vector.broadcast %shift_right_arithmetic3A_341 : i32 to vector<16xi32>
          %shift_right_arithmetic3A_343 = arith.shrsi %get3A_340, %shift_right_arithmetic3A_342 : vector<16xi32>
          %and3A_344 = arith.constant 255 : i32
          %and3A_345 = vector.broadcast %and3A_344 : i32 to vector<16xi32>
          %and3A_346 = arith.andi %shift_right_arithmetic3A_343, %and3A_345 : vector<16xi32>
          %xor3A_347 = arith.constant 128 : i32
          %xor3A_348 = vector.broadcast %xor3A_347 : i32 to vector<16xi32>
          %xor3A_349 = arith.xori %and3A_346, %xor3A_348 : vector<16xi32>
          %shift_left3A_350 = arith.constant 4 : i32
          %shift_left3A_351 = vector.broadcast %shift_left3A_350 : i32 to vector<16xi32>
          %shift_left3A_352 = arith.shli %xor3A_349, %shift_left3A_351 : vector<16xi32>
          %add3A_353 = arith.addi %shift_left3A_352, %iota3A : vector<16xi32>
          tpu.vector_store_idx %arg7[%add3A_353], %broadcast_in_dim3A_8 {add = true} : memref<4096xi32, #tpu.memory_space<vmem>>[vector<16xi32>], vector<16xi32>,
          %mul3A_354 = arith.constant 8 : i32
          %mul3A_355 = arith.muli %scan3A_309, %mul3A_354 : i32
          %add3A_356 = arith.constant 2 : i32
          %add3A_357 = arith.addi %mul3A_355, %add3A_356 : i32
          %mul3A_358 = arith.constant 49 : i32
          %mul3A_359 = arith.muli %add3A_357, %mul3A_358 : i32
          %add3A_360 = arith.addi %mul3A_359, %mul3A_105 : i32
          %get3A_361 = arith.index_cast %add3A_360 : i32 to index
          %get3A_362 = tpu.vector_load %arg6[%get3A_361] {strides = array<i32>} : memref<28224xi32, #tpu.memory_space<vmem>>, vector<16xi32>,
          %shift_right_arithmetic3A_363 = arith.constant 24 : i32
          %shift_right_arithmetic3A_364 = vector.broadcast %shift_right_arithmetic3A_363 : i32 to vector<16xi32>
          %shift_right_arithmetic3A_365 = arith.shrsi %get3A_362, %shift_right_arithmetic3A_364 : vector<16xi32>
          %and3A_366 = arith.constant 255 : i32
          %and3A_367 = vector.broadcast %and3A_366 : i32 to vector<16xi32>
          %and3A_368 = arith.andi %shift_right_arithmetic3A_365, %and3A_367 : vector<16xi32>
          %xor3A_369 = arith.constant 128 : i32
          %xor3A_370 = vector.broadcast %xor3A_369 : i32 to vector<16xi32>
          %xor3A_371 = arith.xori %and3A_368, %xor3A_370 : vector<16xi32>
          %shift_left3A_372 = arith.constant 4 : i32
          %shift_left3A_373 = vector.broadcast %shift_left3A_372 : i32 to vector<16xi32>
          %shift_left3A_374 = arith.shli %xor3A_371, %shift_left3A_373 : vector<16xi32>
          %add3A_375 = arith.addi %shift_left3A_374, %iota3A : vector<16xi32>
          tpu.vector_store_idx %arg7[%add3A_375], %broadcast_in_dim3A_8 {add = true} : memref<4096xi32, #tpu.memory_space<vmem>>[vector<16xi32>], vector<16xi32>,
          %mul3A_376 = arith.constant 8 : i32
          %mul3A_377 = arith.muli %scan3A_309, %mul3A_376 : i32
          %add3A_378 = arith.constant 3 : i32
          %add3A_379 = arith.addi %mul3A_377, %add3A_378 : i32
          %mul3A_380 = arith.constant 49 : i32
          %mul3A_381 = arith.muli %add3A_379, %mul3A_380 : i32
          %add3A_382 = arith.addi %mul3A_381, %mul3A_105 : i32
          %get3A_383 = arith.index_cast %add3A_382 : i32 to index
          %get3A_384 = tpu.vector_load %arg6[%get3A_383] {strides = array<i32>} : memref<28224xi32, #tpu.memory_space<vmem>>, vector<16xi32>,
          %shift_right_arithmetic3A_385 = arith.constant 24 : i32
          %shift_right_arithmetic3A_386 = vector.broadcast %shift_right_arithmetic3A_385 : i32 to vector<16xi32>
          %shift_right_arithmetic3A_387 = arith.shrsi %get3A_384, %shift_right_arithmetic3A_386 : vector<16xi32>
          %and3A_388 = arith.constant 255 : i32
          %and3A_389 = vector.broadcast %and3A_388 : i32 to vector<16xi32>
          %and3A_390 = arith.andi %shift_right_arithmetic3A_387, %and3A_389 : vector<16xi32>
          %xor3A_391 = arith.constant 128 : i32
          %xor3A_392 = vector.broadcast %xor3A_391 : i32 to vector<16xi32>
          %xor3A_393 = arith.xori %and3A_390, %xor3A_392 : vector<16xi32>
          %shift_left3A_394 = arith.constant 4 : i32
          %shift_left3A_395 = vector.broadcast %shift_left3A_394 : i32 to vector<16xi32>
          %shift_left3A_396 = arith.shli %xor3A_393, %shift_left3A_395 : vector<16xi32>
          %add3A_397 = arith.addi %shift_left3A_396, %iota3A : vector<16xi32>
          tpu.vector_store_idx %arg7[%add3A_397], %broadcast_in_dim3A_8 {add = true} : memref<4096xi32, #tpu.memory_space<vmem>>[vector<16xi32>], vector<16xi32>,
          %mul3A_398 = arith.constant 8 : i32
          %mul3A_399 = arith.muli %scan3A_309, %mul3A_398 : i32
          %add3A_400 = arith.constant 4 : i32
          %add3A_401 = arith.addi %mul3A_399, %add3A_400 : i32
          %mul3A_402 = arith.constant 49 : i32
          %mul3A_403 = arith.muli %add3A_401, %mul3A_402 : i32
          %add3A_404 = arith.addi %mul3A_403, %mul3A_105 : i32
          %get3A_405 = arith.index_cast %add3A_404 : i32 to index
          %get3A_406 = tpu.vector_load %arg6[%get3A_405] {strides = array<i32>} : memref<28224xi32, #tpu.memory_space<vmem>>, vector<16xi32>,
          %shift_right_arithmetic3A_407 = arith.constant 24 : i32
          %shift_right_arithmetic3A_408 = vector.broadcast %shift_right_arithmetic3A_407 : i32 to vector<16xi32>
          %shift_right_arithmetic3A_409 = arith.shrsi %get3A_406, %shift_right_arithmetic3A_408 : vector<16xi32>
          %and3A_410 = arith.constant 255 : i32
          %and3A_411 = vector.broadcast %and3A_410 : i32 to vector<16xi32>
          %and3A_412 = arith.andi %shift_right_arithmetic3A_409, %and3A_411 : vector<16xi32>
          %xor3A_413 = arith.constant 128 : i32
          %xor3A_414 = vector.broadcast %xor3A_413 : i32 to vector<16xi32>
          %xor3A_415 = arith.xori %and3A_412, %xor3A_414 : vector<16xi32>
          %shift_left3A_416 = arith.constant 4 : i32
          %shift_left3A_417 = vector.broadcast %shift_left3A_416 : i32 to vector<16xi32>
          %shift_left3A_418 = arith.shli %xor3A_415, %shift_left3A_417 : vector<16xi32>
          %add3A_419 = arith.addi %shift_left3A_418, %iota3A : vector<16xi32>
          tpu.vector_store_idx %arg7[%add3A_419], %broadcast_in_dim3A_8 {add = true} : memref<4096xi32, #tpu.memory_space<vmem>>[vector<16xi32>], vector<16xi32>,
          %mul3A_420 = arith.constant 8 : i32
          %mul3A_421 = arith.muli %scan3A_309, %mul3A_420 : i32
          %add3A_422 = arith.constant 5 : i32
          %add3A_423 = arith.addi %mul3A_421, %add3A_422 : i32
          %mul3A_424 = arith.constant 49 : i32
          %mul3A_425 = arith.muli %add3A_423, %mul3A_424 : i32
          %add3A_426 = arith.addi %mul3A_425, %mul3A_105 : i32
          %get3A_427 = arith.index_cast %add3A_426 : i32 to index
          %get3A_428 = tpu.vector_load %arg6[%get3A_427] {strides = array<i32>} : memref<28224xi32, #tpu.memory_space<vmem>>, vector<16xi32>,
          %shift_right_arithmetic3A_429 = arith.constant 24 : i32
          %shift_right_arithmetic3A_430 = vector.broadcast %shift_right_arithmetic3A_429 : i32 to vector<16xi32>
          %shift_right_arithmetic3A_431 = arith.shrsi %get3A_428, %shift_right_arithmetic3A_430 : vector<16xi32>
          %and3A_432 = arith.constant 255 : i32
          %and3A_433 = vector.broadcast %and3A_432 : i32 to vector<16xi32>
          %and3A_434 = arith.andi %shift_right_arithmetic3A_431, %and3A_433 : vector<16xi32>
          %xor3A_435 = arith.constant 128 : i32
          %xor3A_436 = vector.broadcast %xor3A_435 : i32 to vector<16xi32>
          %xor3A_437 = arith.xori %and3A_434, %xor3A_436 : vector<16xi32>
          %shift_left3A_438 = arith.constant 4 : i32
          %shift_left3A_439 = vector.broadcast %shift_left3A_438 : i32 to vector<16xi32>
          %shift_left3A_440 = arith.shli %xor3A_437, %shift_left3A_439 : vector<16xi32>
          %add3A_441 = arith.addi %shift_left3A_440, %iota3A : vector<16xi32>
          tpu.vector_store_idx %arg7[%add3A_441], %broadcast_in_dim3A_8 {add = true} : memref<4096xi32, #tpu.memory_space<vmem>>[vector<16xi32>], vector<16xi32>,
          %mul3A_442 = arith.constant 8 : i32
          %mul3A_443 = arith.muli %scan3A_309, %mul3A_442 : i32
          %add3A_444 = arith.constant 6 : i32
          %add3A_445 = arith.addi %mul3A_443, %add3A_444 : i32
          %mul3A_446 = arith.constant 49 : i32
          %mul3A_447 = arith.muli %add3A_445, %mul3A_446 : i32
          %add3A_448 = arith.addi %mul3A_447, %mul3A_105 : i32
          %get3A_449 = arith.index_cast %add3A_448 : i32 to index
          %get3A_450 = tpu.vector_load %arg6[%get3A_449] {strides = array<i32>} : memref<28224xi32, #tpu.memory_space<vmem>>, vector<16xi32>,
          %shift_right_arithmetic3A_451 = arith.constant 24 : i32
          %shift_right_arithmetic3A_452 = vector.broadcast %shift_right_arithmetic3A_451 : i32 to vector<16xi32>
          %shift_right_arithmetic3A_453 = arith.shrsi %get3A_450, %shift_right_arithmetic3A_452 : vector<16xi32>
          %and3A_454 = arith.constant 255 : i32
          %and3A_455 = vector.broadcast %and3A_454 : i32 to vector<16xi32>
          %and3A_456 = arith.andi %shift_right_arithmetic3A_453, %and3A_455 : vector<16xi32>
          %xor3A_457 = arith.constant 128 : i32
          %xor3A_458 = vector.broadcast %xor3A_457 : i32 to vector<16xi32>
          %xor3A_459 = arith.xori %and3A_456, %xor3A_458 : vector<16xi32>
          %shift_left3A_460 = arith.constant 4 : i32
          %shift_left3A_461 = vector.broadcast %shift_left3A_460 : i32 to vector<16xi32>
          %shift_left3A_462 = arith.shli %xor3A_459, %shift_left3A_461 : vector<16xi32>
          %add3A_463 = arith.addi %shift_left3A_462, %iota3A : vector<16xi32>
          tpu.vector_store_idx %arg7[%add3A_463], %broadcast_in_dim3A_8 {add = true} : memref<4096xi32, #tpu.memory_space<vmem>>[vector<16xi32>], vector<16xi32>,
          %mul3A_464 = arith.constant 8 : i32
          %mul3A_465 = arith.muli %scan3A_309, %mul3A_464 : i32
          %add3A_466 = arith.constant 7 : i32
          %add3A_467 = arith.addi %mul3A_465, %add3A_466 : i32
          %mul3A_468 = arith.constant 49 : i32
          %mul3A_469 = arith.muli %add3A_467, %mul3A_468 : i32
          %add3A_470 = arith.addi %mul3A_469, %mul3A_105 : i32
          %get3A_471 = arith.index_cast %add3A_470 : i32 to index
          %get3A_472 = tpu.vector_load %arg6[%get3A_471] {strides = array<i32>} : memref<28224xi32, #tpu.memory_space<vmem>>, vector<16xi32>,
          %shift_right_arithmetic3A_473 = arith.constant 24 : i32
          %shift_right_arithmetic3A_474 = vector.broadcast %shift_right_arithmetic3A_473 : i32 to vector<16xi32>
          %shift_right_arithmetic3A_475 = arith.shrsi %get3A_472, %shift_right_arithmetic3A_474 : vector<16xi32>
          %and3A_476 = arith.constant 255 : i32
          %and3A_477 = vector.broadcast %and3A_476 : i32 to vector<16xi32>
          %and3A_478 = arith.andi %shift_right_arithmetic3A_475, %and3A_477 : vector<16xi32>
          %xor3A_479 = arith.constant 128 : i32
          %xor3A_480 = vector.broadcast %xor3A_479 : i32 to vector<16xi32>
          %xor3A_481 = arith.xori %and3A_478, %xor3A_480 : vector<16xi32>
          %shift_left3A_482 = arith.constant 4 : i32
          %shift_left3A_483 = vector.broadcast %shift_left3A_482 : i32 to vector<16xi32>
          %shift_left3A_484 = arith.shli %xor3A_481, %shift_left3A_483 : vector<16xi32>
          %add3A_485 = arith.addi %shift_left3A_484, %iota3A : vector<16xi32>
          tpu.vector_store_idx %arg7[%add3A_485], %broadcast_in_dim3A_8 {add = true} : memref<4096xi32, #tpu.memory_space<vmem>>[vector<16xi32>], vector<16xi32>,
          %scan3A_486 = arith.constant 0 : i32
          scf.yield %scan3A_486 : i32
        }
        %scan3A_112 = arith.constant 72 : i32
        %scan3A_113 = arith.constant 0 : i32
        %scan3A_114 = arith.constant 64 : i32
        %scan3A_115 = arith.addi %scan3A_113, %scan3A_114 : i32
        %scan3A_116 = arith.constant 1 : i32
        %scan3A_117:4 = scf.for %scan3A_309 = %scan3A_113 to %scan3A_115 step %scan3A_116 iter_args(%scan3A_310 = %broadcast_in_dim3A_6, %scan3A_311 = %broadcast_in_dim3A_6, %scan3A_312 = %broadcast_in_dim3A_6, %scan3A_313 = %broadcast_in_dim3A_6) -> (vector<16xi32>, vector<16xi32>, vector<16xi32>, vector<16xi32>)  : i32 {
          %mul3A_314 = arith.constant 4 : i32
          %mul3A_315 = arith.muli %scan3A_309, %mul3A_314 : i32
          %add3A_316 = arith.constant 0 : i32
          %add3A_317 = arith.addi %mul3A_315, %add3A_316 : i32
          %mul3A_318 = arith.constant 16 : i32
          %mul3A_319 = arith.muli %add3A_317, %mul3A_318 : i32
          %get3A = arith.index_cast %mul3A_319 : i32 to index
          %get3A_320 = tpu.vector_load %arg7[%get3A] {strides = array<i32>} : memref<4096xi32, #tpu.memory_space<vmem>>, vector<16xi32>,
          %swap3A_321 = arith.index_cast %mul3A_319 : i32 to index
          %swap3A_322 = tpu.vector_load %arg7[%swap3A_321] {strides = array<i32>} : memref<4096xi32, #tpu.memory_space<vmem>>, vector<16xi32>,
          tpu.vector_store %arg7[%swap3A_321], %broadcast_in_dim3A_6 {strides = array<i32>} : memref<4096xi32, #tpu.memory_space<vmem>>, vector<16xi32>,
          %add3A_323 = arith.addi %scan3A_310, %get3A_320 : vector<16xi32>
          %swap3A_324 = arith.index_cast %mul3A_319 : i32 to index
          %swap3A_325 = tpu.vector_load %arg9[%swap3A_324] {strides = array<i32>} : memref<4096xi32, #tpu.memory_space<vmem>>, vector<16xi32>,
          tpu.vector_store %arg9[%swap3A_324], %add3A_323 {strides = array<i32>} : memref<4096xi32, #tpu.memory_space<vmem>>, vector<16xi32>,
          %sub3A_326 = arith.subi %broadcast_in_dim3A_10, %add3A_323 : vector<16xi32>
          %ge3A = arith.cmpi sge, %sub3A_326, %broadcast_in_dim3A_12 : vector<16xi32>
          %jit3A_327 = arith.constant 1 : i32
          %jit3A_328 = arith.constant 0 : i32
          %broadcast_in_dim3A_329 = vector.broadcast %jit3A_327 : i32 to vector<16xi32>
          %broadcast_in_dim3A_330 = vector.broadcast %jit3A_328 : i32 to vector<16xi32>
          %select_n3A_331 = arith.select %ge3A, %broadcast_in_dim3A_329, %broadcast_in_dim3A_330 : vector<16xi1>, vector<16xi32>
          %add3A_332 = arith.addi %scan3A_312, %select_n3A_331 : vector<16xi32>
          %lt3A_333 = arith.cmpi slt, %add3A_323, %broadcast_in_dim3A_12 : vector<16xi32>
          %jit3A_334 = arith.constant 1 : i32
          %jit3A_335 = arith.constant 0 : i32
          %broadcast_in_dim3A_336 = vector.broadcast %jit3A_334 : i32 to vector<16xi32>
          %broadcast_in_dim3A_337 = vector.broadcast %jit3A_335 : i32 to vector<16xi32>
          %select_n3A_338 = arith.select %lt3A_333, %broadcast_in_dim3A_336, %broadcast_in_dim3A_337 : vector<16xi1>, vector<16xi32>
          %add3A_339 = arith.addi %scan3A_313, %select_n3A_338 : vector<16xi32>
          %mul3A_340 = arith.constant 4 : i32
          %mul3A_341 = arith.muli %scan3A_309, %mul3A_340 : i32
          %add3A_342 = arith.constant 1 : i32
          %add3A_343 = arith.addi %mul3A_341, %add3A_342 : i32
          %mul3A_344 = arith.constant 16 : i32
          %mul3A_345 = arith.muli %add3A_343, %mul3A_344 : i32
          %get3A_346 = arith.index_cast %mul3A_345 : i32 to index
          %get3A_347 = tpu.vector_load %arg7[%get3A_346] {strides = array<i32>} : memref<4096xi32, #tpu.memory_space<vmem>>, vector<16xi32>,
          %swap3A_348 = arith.index_cast %mul3A_345 : i32 to index
          %swap3A_349 = tpu.vector_load %arg7[%swap3A_348] {strides = array<i32>} : memref<4096xi32, #tpu.memory_space<vmem>>, vector<16xi32>,
          tpu.vector_store %arg7[%swap3A_348], %broadcast_in_dim3A_6 {strides = array<i32>} : memref<4096xi32, #tpu.memory_space<vmem>>, vector<16xi32>,
          %add3A_350 = arith.addi %add3A_323, %get3A_347 : vector<16xi32>
          %swap3A_351 = arith.index_cast %mul3A_345 : i32 to index
          %swap3A_352 = tpu.vector_load %arg9[%swap3A_351] {strides = array<i32>} : memref<4096xi32, #tpu.memory_space<vmem>>, vector<16xi32>,
          tpu.vector_store %arg9[%swap3A_351], %add3A_350 {strides = array<i32>} : memref<4096xi32, #tpu.memory_space<vmem>>, vector<16xi32>,
          %sub3A_353 = arith.subi %broadcast_in_dim3A_10, %add3A_350 : vector<16xi32>
          %ge3A_354 = arith.cmpi sge, %sub3A_353, %broadcast_in_dim3A_12 : vector<16xi32>
          %jit3A_355 = arith.constant 1 : i32
          %jit3A_356 = arith.constant 0 : i32
          %broadcast_in_dim3A_357 = vector.broadcast %jit3A_355 : i32 to vector<16xi32>
          %broadcast_in_dim3A_358 = vector.broadcast %jit3A_356 : i32 to vector<16xi32>
          %select_n3A_359 = arith.select %ge3A_354, %broadcast_in_dim3A_357, %broadcast_in_dim3A_358 : vector<16xi1>, vector<16xi32>
          %add3A_360 = arith.addi %add3A_332, %select_n3A_359 : vector<16xi32>
          %lt3A_361 = arith.cmpi slt, %add3A_350, %broadcast_in_dim3A_12 : vector<16xi32>
          %jit3A_362 = arith.constant 1 : i32
          %jit3A_363 = arith.constant 0 : i32
          %broadcast_in_dim3A_364 = vector.broadcast %jit3A_362 : i32 to vector<16xi32>
          %broadcast_in_dim3A_365 = vector.broadcast %jit3A_363 : i32 to vector<16xi32>
          %select_n3A_366 = arith.select %lt3A_361, %broadcast_in_dim3A_364, %broadcast_in_dim3A_365 : vector<16xi1>, vector<16xi32>
          %add3A_367 = arith.addi %add3A_339, %select_n3A_366 : vector<16xi32>
          %mul3A_368 = arith.constant 4 : i32
          %mul3A_369 = arith.muli %scan3A_309, %mul3A_368 : i32
          %add3A_370 = arith.constant 2 : i32
          %add3A_371 = arith.addi %mul3A_369, %add3A_370 : i32
          %mul3A_372 = arith.constant 16 : i32
          %mul3A_373 = arith.muli %add3A_371, %mul3A_372 : i32
          %get3A_374 = arith.index_cast %mul3A_373 : i32 to index
          %get3A_375 = tpu.vector_load %arg7[%get3A_374] {strides = array<i32>} : memref<4096xi32, #tpu.memory_space<vmem>>, vector<16xi32>,
          %swap3A_376 = arith.index_cast %mul3A_373 : i32 to index
          %swap3A_377 = tpu.vector_load %arg7[%swap3A_376] {strides = array<i32>} : memref<4096xi32, #tpu.memory_space<vmem>>, vector<16xi32>,
          tpu.vector_store %arg7[%swap3A_376], %broadcast_in_dim3A_6 {strides = array<i32>} : memref<4096xi32, #tpu.memory_space<vmem>>, vector<16xi32>,
          %add3A_378 = arith.addi %add3A_350, %get3A_375 : vector<16xi32>
          %swap3A_379 = arith.index_cast %mul3A_373 : i32 to index
          %swap3A_380 = tpu.vector_load %arg9[%swap3A_379] {strides = array<i32>} : memref<4096xi32, #tpu.memory_space<vmem>>, vector<16xi32>,
          tpu.vector_store %arg9[%swap3A_379], %add3A_378 {strides = array<i32>} : memref<4096xi32, #tpu.memory_space<vmem>>, vector<16xi32>,
          %sub3A_381 = arith.subi %broadcast_in_dim3A_10, %add3A_378 : vector<16xi32>
          %ge3A_382 = arith.cmpi sge, %sub3A_381, %broadcast_in_dim3A_12 : vector<16xi32>
          %jit3A_383 = arith.constant 1 : i32
          %jit3A_384 = arith.constant 0 : i32
          %broadcast_in_dim3A_385 = vector.broadcast %jit3A_383 : i32 to vector<16xi32>
          %broadcast_in_dim3A_386 = vector.broadcast %jit3A_384 : i32 to vector<16xi32>
          %select_n3A_387 = arith.select %ge3A_382, %broadcast_in_dim3A_385, %broadcast_in_dim3A_386 : vector<16xi1>, vector<16xi32>
          %add3A_388 = arith.addi %add3A_360, %select_n3A_387 : vector<16xi32>
          %lt3A_389 = arith.cmpi slt, %add3A_378, %broadcast_in_dim3A_12 : vector<16xi32>
          %jit3A_390 = arith.constant 1 : i32
          %jit3A_391 = arith.constant 0 : i32
          %broadcast_in_dim3A_392 = vector.broadcast %jit3A_390 : i32 to vector<16xi32>
          %broadcast_in_dim3A_393 = vector.broadcast %jit3A_391 : i32 to vector<16xi32>
          %select_n3A_394 = arith.select %lt3A_389, %broadcast_in_dim3A_392, %broadcast_in_dim3A_393 : vector<16xi1>, vector<16xi32>
          %add3A_395 = arith.addi %add3A_367, %select_n3A_394 : vector<16xi32>
          %mul3A_396 = arith.constant 4 : i32
          %mul3A_397 = arith.muli %scan3A_309, %mul3A_396 : i32
          %add3A_398 = arith.constant 3 : i32
          %add3A_399 = arith.addi %mul3A_397, %add3A_398 : i32
          %mul3A_400 = arith.constant 16 : i32
          %mul3A_401 = arith.muli %add3A_399, %mul3A_400 : i32
          %get3A_402 = arith.index_cast %mul3A_401 : i32 to index
          %get3A_403 = tpu.vector_load %arg7[%get3A_402] {strides = array<i32>} : memref<4096xi32, #tpu.memory_space<vmem>>, vector<16xi32>,
          %swap3A_404 = arith.index_cast %mul3A_401 : i32 to index
          %swap3A_405 = tpu.vector_load %arg7[%swap3A_404] {strides = array<i32>} : memref<4096xi32, #tpu.memory_space<vmem>>, vector<16xi32>,
          tpu.vector_store %arg7[%swap3A_404], %broadcast_in_dim3A_6 {strides = array<i32>} : memref<4096xi32, #tpu.memory_space<vmem>>, vector<16xi32>,
          %add3A_406 = arith.addi %add3A_378, %get3A_403 : vector<16xi32>
          %swap3A_407 = arith.index_cast %mul3A_401 : i32 to index
          %swap3A_408 = tpu.vector_load %arg9[%swap3A_407] {strides = array<i32>} : memref<4096xi32, #tpu.memory_space<vmem>>, vector<16xi32>,
          tpu.vector_store %arg9[%swap3A_407], %add3A_406 {strides = array<i32>} : memref<4096xi32, #tpu.memory_space<vmem>>, vector<16xi32>,
          %sub3A_409 = arith.subi %broadcast_in_dim3A_10, %add3A_406 : vector<16xi32>
          %ge3A_410 = arith.cmpi sge, %sub3A_409, %broadcast_in_dim3A_12 : vector<16xi32>
          %jit3A_411 = arith.constant 1 : i32
          %jit3A_412 = arith.constant 0 : i32
          %broadcast_in_dim3A_413 = vector.broadcast %jit3A_411 : i32 to vector<16xi32>
          %broadcast_in_dim3A_414 = vector.broadcast %jit3A_412 : i32 to vector<16xi32>
          %select_n3A_415 = arith.select %ge3A_410, %broadcast_in_dim3A_413, %broadcast_in_dim3A_414 : vector<16xi1>, vector<16xi32>
          %add3A_416 = arith.addi %add3A_388, %select_n3A_415 : vector<16xi32>
          %lt3A_417 = arith.cmpi slt, %add3A_406, %broadcast_in_dim3A_12 : vector<16xi32>
          %jit3A_418 = arith.constant 1 : i32
          %jit3A_419 = arith.constant 0 : i32
          %broadcast_in_dim3A_420 = vector.broadcast %jit3A_418 : i32 to vector<16xi32>
          %broadcast_in_dim3A_421 = vector.broadcast %jit3A_419 : i32 to vector<16xi32>
          %select_n3A_422 = arith.select %lt3A_417, %broadcast_in_dim3A_420, %broadcast_in_dim3A_421 : vector<16xi1>, vector<16xi32>
          %add3A_423 = arith.addi %add3A_395, %select_n3A_422 : vector<16xi32>
          scf.yield %add3A_406, %add3A_406, %add3A_416, %add3A_423 : vector<16xi32>, vector<16xi32>, vector<16xi32>, vector<16xi32>
        }
        %scan3A_118 = arith.constant 64 : i32
        %shift_left3A = arith.constant 4 : i32
        %shift_left3A_119 = vector.broadcast %shift_left3A : i32 to vector<16xi32>
        %shift_left3A_120 = arith.shli %scan3A_117#2, %shift_left3A_119 : vector<16xi32>
        %add3A_121 = arith.addi %shift_left3A_120, %iota3A : vector<16xi32>
        %gather3A = tpu.vector_load_idx %arg9[%add3A_121] : memref<4096xi32, #tpu.memory_space<vmem>>[vector<16xi32>], vector<16xi32>,
        %sub3A = arith.constant 1 : i32
        %sub3A_122 = vector.broadcast %sub3A : i32 to vector<16xi32>
        %sub3A_123 = arith.subi %scan3A_117#2, %sub3A_122 : vector<16xi32>
        %max3A = arith.constant 0 : i32
        %max3A_124 = vector.broadcast %max3A : i32 to vector<16xi32>
        %max3A_125 = arith.maxsi %sub3A_123, %max3A_124 : vector<16xi32>
        %shift_left3A_126 = arith.constant 4 : i32
        %shift_left3A_127 = vector.broadcast %shift_left3A_126 : i32 to vector<16xi32>
        %shift_left3A_128 = arith.shli %max3A_125, %shift_left3A_127 : vector<16xi32>
        %add3A_129 = arith.addi %shift_left3A_128, %iota3A : vector<16xi32>
        %gather3A_130 = tpu.vector_load_idx %arg9[%add3A_129] : memref<4096xi32, #tpu.memory_space<vmem>>[vector<16xi32>], vector<16xi32>,
        %gt3A = arith.constant 0 : i32
        %gt3A_131 = vector.broadcast %gt3A : i32 to vector<16xi32>
        %gt3A_132 = arith.cmpi sgt, %scan3A_117#2, %gt3A_131 : vector<16xi32>
        %jit3A = arith.constant 0 : i32
        %broadcast_in_dim3A_133 = vector.broadcast %jit3A : i32 to vector<16xi32>
        %select_n3A = arith.select %gt3A_132, %gather3A_130, %broadcast_in_dim3A_133 : vector<16xi1>, vector<16xi32>
        %shift_left3A_134 = arith.constant 4 : i32
        %shift_left3A_135 = vector.broadcast %shift_left3A_134 : i32 to vector<16xi32>
        %shift_left3A_136 = arith.shli %scan3A_117#3, %shift_left3A_135 : vector<16xi32>
        %add3A_137 = arith.addi %shift_left3A_136, %iota3A : vector<16xi32>
        %gather3A_138 = tpu.vector_load_idx %arg9[%add3A_137] : memref<4096xi32, #tpu.memory_space<vmem>>[vector<16xi32>], vector<16xi32>,
        %sub3A_139 = arith.constant 1 : i32
        %sub3A_140 = vector.broadcast %sub3A_139 : i32 to vector<16xi32>
        %sub3A_141 = arith.subi %scan3A_117#3, %sub3A_140 : vector<16xi32>
        %max3A_142 = arith.constant 0 : i32
        %max3A_143 = vector.broadcast %max3A_142 : i32 to vector<16xi32>
        %max3A_144 = arith.maxsi %sub3A_141, %max3A_143 : vector<16xi32>
        %shift_left3A_145 = arith.constant 4 : i32
        %shift_left3A_146 = vector.broadcast %shift_left3A_145 : i32 to vector<16xi32>
        %shift_left3A_147 = arith.shli %max3A_144, %shift_left3A_146 : vector<16xi32>
        %add3A_148 = arith.addi %shift_left3A_147, %iota3A : vector<16xi32>
        %gather3A_149 = tpu.vector_load_idx %arg9[%add3A_148] : memref<4096xi32, #tpu.memory_space<vmem>>[vector<16xi32>], vector<16xi32>,
        %gt3A_150 = arith.constant 0 : i32
        %gt3A_151 = vector.broadcast %gt3A_150 : i32 to vector<16xi32>
        %gt3A_152 = arith.cmpi sgt, %scan3A_117#3, %gt3A_151 : vector<16xi32>
        %jit3A_153 = arith.constant 0 : i32
        %broadcast_in_dim3A_154 = vector.broadcast %jit3A_153 : i32 to vector<16xi32>
        %select_n3A_155 = arith.select %gt3A_152, %gather3A_149, %broadcast_in_dim3A_154 : vector<16xi1>, vector<16xi32>
        %sub3A_156 = arith.subi %broadcast_in_dim3A_10, %gather3A : vector<16xi32>
        %sub3A_157 = arith.subi %broadcast_in_dim3A_12, %sub3A_156 : vector<16xi32>
        %sub3A_158 = arith.subi %gather3A, %select_n3A : vector<16xi32>
        %sub3A_159 = arith.subi %broadcast_in_dim3A_12, %select_n3A_155 : vector<16xi32>
        %sub3A_160 = arith.subi %gather3A_138, %select_n3A_155 : vector<16xi32>
        %xor3A = arith.constant 128 : i32
        %xor3A_161 = vector.broadcast %xor3A : i32 to vector<16xi32>
        %xor3A_162 = arith.xori %scan3A_117#2, %xor3A_161 : vector<16xi32>
        %shift_left3A_163 = arith.constant 24 : i32
        %shift_left3A_164 = vector.broadcast %shift_left3A_163 : i32 to vector<16xi32>
        %shift_left3A_165 = arith.shli %xor3A_162, %shift_left3A_164 : vector<16xi32>
        %shift_right_arithmetic3A = arith.constant 24 : i32
        %shift_right_arithmetic3A_166 = vector.broadcast %shift_right_arithmetic3A : i32 to vector<16xi32>
        %shift_right_arithmetic3A_167 = arith.shrsi %shift_left3A_165, %shift_right_arithmetic3A_166 : vector<16xi32>
        %xor3A_168 = arith.constant 128 : i32
        %xor3A_169 = vector.broadcast %xor3A_168 : i32 to vector<16xi32>
        %xor3A_170 = arith.xori %scan3A_117#3, %xor3A_169 : vector<16xi32>
        %shift_left3A_171 = arith.constant 24 : i32
        %shift_left3A_172 = vector.broadcast %shift_left3A_171 : i32 to vector<16xi32>
        %shift_left3A_173 = arith.shli %xor3A_170, %shift_left3A_172 : vector<16xi32>
        %shift_right_arithmetic3A_174 = arith.constant 24 : i32
        %shift_right_arithmetic3A_175 = vector.broadcast %shift_right_arithmetic3A_174 : i32 to vector<16xi32>
        %shift_right_arithmetic3A_176 = arith.shrsi %shift_left3A_173, %shift_right_arithmetic3A_175 : vector<16xi32>
        %scan3A_177 = arith.constant 0 : i32
        %scan3A_178 = arith.constant 0 : i32
        %scan3A_179 = arith.constant 72 : i32
        %scan3A_180 = arith.addi %scan3A_178, %scan3A_179 : i32
        %scan3A_181 = arith.constant 1 : i32
        %scan3A_182 = scf.for %scan3A_309 = %scan3A_178 to %scan3A_180 step %scan3A_181 iter_args(%scan3A_310 = %scan3A_177) -> (i32)  : i32 {
          %mul3A_311 = arith.constant 8 : i32
          %mul3A_312 = arith.muli %scan3A_309, %mul3A_311 : i32
          %add3A_313 = arith.constant 0 : i32
          %add3A_314 = arith.addi %mul3A_312, %add3A_313 : i32
          %mul3A_315 = arith.constant 49 : i32
          %mul3A_316 = arith.muli %add3A_314, %mul3A_315 : i32
          %add3A_317 = arith.addi %mul3A_316, %mul3A_105 : i32
          %get3A = arith.index_cast %add3A_317 : i32 to index
          %get3A_318 = tpu.vector_load %arg6[%get3A] {strides = array<i32>} : memref<28224xi32, #tpu.memory_space<vmem>>, vector<16xi32>,
          %shift_right_arithmetic3A_319 = arith.constant 16 : i32
          %shift_right_arithmetic3A_320 = vector.broadcast %shift_right_arithmetic3A_319 : i32 to vector<16xi32>
          %shift_right_arithmetic3A_321 = arith.shrsi %get3A_318, %shift_right_arithmetic3A_320 : vector<16xi32>
          %and3A_322 = arith.constant 255 : i32
          %and3A_323 = vector.broadcast %and3A_322 : i32 to vector<16xi32>
          %and3A_324 = arith.andi %shift_right_arithmetic3A_321, %and3A_323 : vector<16xi32>
          %shift_left3A_325 = arith.constant 4 : i32
          %shift_left3A_326 = vector.broadcast %shift_left3A_325 : i32 to vector<16xi32>
          %shift_left3A_327 = arith.shli %and3A_324, %shift_left3A_326 : vector<16xi32>
          %add3A_328 = arith.addi %shift_left3A_327, %iota3A : vector<16xi32>
          %shift_right_arithmetic3A_329 = arith.constant 24 : i32
          %shift_right_arithmetic3A_330 = vector.broadcast %shift_right_arithmetic3A_329 : i32 to vector<16xi32>
          %shift_right_arithmetic3A_331 = arith.shrsi %get3A_318, %shift_right_arithmetic3A_330 : vector<16xi32>
          %eq3A = arith.cmpi eq, %shift_right_arithmetic3A_331, %shift_right_arithmetic3A_167 : vector<16xi32>
          tpu.vector_store_idx %arg7[%add3A_328], %broadcast_in_dim3A_8 masked %eq3A {add = true} : memref<4096xi32, #tpu.memory_space<vmem>>[vector<16xi32>], vector<16xi32>, vector<16xi1>
          %eq3A_332 = arith.cmpi eq, %shift_right_arithmetic3A_331, %shift_right_arithmetic3A_176 : vector<16xi32>
          tpu.vector_store_idx %arg8[%add3A_328], %broadcast_in_dim3A_8 masked %eq3A_332 {add = true} : memref<4096xi32, #tpu.memory_space<vmem>>[vector<16xi32>], vector<16xi32>, vector<16xi1>
          %mul3A_333 = arith.constant 8 : i32
          %mul3A_334 = arith.muli %scan3A_309, %mul3A_333 : i32
          %add3A_335 = arith.constant 1 : i32
          %add3A_336 = arith.addi %mul3A_334, %add3A_335 : i32
          %mul3A_337 = arith.constant 49 : i32
          %mul3A_338 = arith.muli %add3A_336, %mul3A_337 : i32
          %add3A_339 = arith.addi %mul3A_338, %mul3A_105 : i32
          %get3A_340 = arith.index_cast %add3A_339 : i32 to index
          %get3A_341 = tpu.vector_load %arg6[%get3A_340] {strides = array<i32>} : memref<28224xi32, #tpu.memory_space<vmem>>, vector<16xi32>,
          %shift_right_arithmetic3A_342 = arith.constant 16 : i32
          %shift_right_arithmetic3A_343 = vector.broadcast %shift_right_arithmetic3A_342 : i32 to vector<16xi32>
          %shift_right_arithmetic3A_344 = arith.shrsi %get3A_341, %shift_right_arithmetic3A_343 : vector<16xi32>
          %and3A_345 = arith.constant 255 : i32
          %and3A_346 = vector.broadcast %and3A_345 : i32 to vector<16xi32>
          %and3A_347 = arith.andi %shift_right_arithmetic3A_344, %and3A_346 : vector<16xi32>
          %shift_left3A_348 = arith.constant 4 : i32
          %shift_left3A_349 = vector.broadcast %shift_left3A_348 : i32 to vector<16xi32>
          %shift_left3A_350 = arith.shli %and3A_347, %shift_left3A_349 : vector<16xi32>
          %add3A_351 = arith.addi %shift_left3A_350, %iota3A : vector<16xi32>
          %shift_right_arithmetic3A_352 = arith.constant 24 : i32
          %shift_right_arithmetic3A_353 = vector.broadcast %shift_right_arithmetic3A_352 : i32 to vector<16xi32>
          %shift_right_arithmetic3A_354 = arith.shrsi %get3A_341, %shift_right_arithmetic3A_353 : vector<16xi32>
          %eq3A_355 = arith.cmpi eq, %shift_right_arithmetic3A_354, %shift_right_arithmetic3A_167 : vector<16xi32>
          tpu.vector_store_idx %arg7[%add3A_351], %broadcast_in_dim3A_8 masked %eq3A_355 {add = true} : memref<4096xi32, #tpu.memory_space<vmem>>[vector<16xi32>], vector<16xi32>, vector<16xi1>
          %eq3A_356 = arith.cmpi eq, %shift_right_arithmetic3A_354, %shift_right_arithmetic3A_176 : vector<16xi32>
          tpu.vector_store_idx %arg8[%add3A_351], %broadcast_in_dim3A_8 masked %eq3A_356 {add = true} : memref<4096xi32, #tpu.memory_space<vmem>>[vector<16xi32>], vector<16xi32>, vector<16xi1>
          %mul3A_357 = arith.constant 8 : i32
          %mul3A_358 = arith.muli %scan3A_309, %mul3A_357 : i32
          %add3A_359 = arith.constant 2 : i32
          %add3A_360 = arith.addi %mul3A_358, %add3A_359 : i32
          %mul3A_361 = arith.constant 49 : i32
          %mul3A_362 = arith.muli %add3A_360, %mul3A_361 : i32
          %add3A_363 = arith.addi %mul3A_362, %mul3A_105 : i32
          %get3A_364 = arith.index_cast %add3A_363 : i32 to index
          %get3A_365 = tpu.vector_load %arg6[%get3A_364] {strides = array<i32>} : memref<28224xi32, #tpu.memory_space<vmem>>, vector<16xi32>,
          %shift_right_arithmetic3A_366 = arith.constant 16 : i32
          %shift_right_arithmetic3A_367 = vector.broadcast %shift_right_arithmetic3A_366 : i32 to vector<16xi32>
          %shift_right_arithmetic3A_368 = arith.shrsi %get3A_365, %shift_right_arithmetic3A_367 : vector<16xi32>
          %and3A_369 = arith.constant 255 : i32
          %and3A_370 = vector.broadcast %and3A_369 : i32 to vector<16xi32>
          %and3A_371 = arith.andi %shift_right_arithmetic3A_368, %and3A_370 : vector<16xi32>
          %shift_left3A_372 = arith.constant 4 : i32
          %shift_left3A_373 = vector.broadcast %shift_left3A_372 : i32 to vector<16xi32>
          %shift_left3A_374 = arith.shli %and3A_371, %shift_left3A_373 : vector<16xi32>
          %add3A_375 = arith.addi %shift_left3A_374, %iota3A : vector<16xi32>
          %shift_right_arithmetic3A_376 = arith.constant 24 : i32
          %shift_right_arithmetic3A_377 = vector.broadcast %shift_right_arithmetic3A_376 : i32 to vector<16xi32>
          %shift_right_arithmetic3A_378 = arith.shrsi %get3A_365, %shift_right_arithmetic3A_377 : vector<16xi32>
          %eq3A_379 = arith.cmpi eq, %shift_right_arithmetic3A_378, %shift_right_arithmetic3A_167 : vector<16xi32>
          tpu.vector_store_idx %arg7[%add3A_375], %broadcast_in_dim3A_8 masked %eq3A_379 {add = true} : memref<4096xi32, #tpu.memory_space<vmem>>[vector<16xi32>], vector<16xi32>, vector<16xi1>
          %eq3A_380 = arith.cmpi eq, %shift_right_arithmetic3A_378, %shift_right_arithmetic3A_176 : vector<16xi32>
          tpu.vector_store_idx %arg8[%add3A_375], %broadcast_in_dim3A_8 masked %eq3A_380 {add = true} : memref<4096xi32, #tpu.memory_space<vmem>>[vector<16xi32>], vector<16xi32>, vector<16xi1>
          %mul3A_381 = arith.constant 8 : i32
          %mul3A_382 = arith.muli %scan3A_309, %mul3A_381 : i32
          %add3A_383 = arith.constant 3 : i32
          %add3A_384 = arith.addi %mul3A_382, %add3A_383 : i32
          %mul3A_385 = arith.constant 49 : i32
          %mul3A_386 = arith.muli %add3A_384, %mul3A_385 : i32
          %add3A_387 = arith.addi %mul3A_386, %mul3A_105 : i32
          %get3A_388 = arith.index_cast %add3A_387 : i32 to index
          %get3A_389 = tpu.vector_load %arg6[%get3A_388] {strides = array<i32>} : memref<28224xi32, #tpu.memory_space<vmem>>, vector<16xi32>,
          %shift_right_arithmetic3A_390 = arith.constant 16 : i32
          %shift_right_arithmetic3A_391 = vector.broadcast %shift_right_arithmetic3A_390 : i32 to vector<16xi32>
          %shift_right_arithmetic3A_392 = arith.shrsi %get3A_389, %shift_right_arithmetic3A_391 : vector<16xi32>
          %and3A_393 = arith.constant 255 : i32
          %and3A_394 = vector.broadcast %and3A_393 : i32 to vector<16xi32>
          %and3A_395 = arith.andi %shift_right_arithmetic3A_392, %and3A_394 : vector<16xi32>
          %shift_left3A_396 = arith.constant 4 : i32
          %shift_left3A_397 = vector.broadcast %shift_left3A_396 : i32 to vector<16xi32>
          %shift_left3A_398 = arith.shli %and3A_395, %shift_left3A_397 : vector<16xi32>
          %add3A_399 = arith.addi %shift_left3A_398, %iota3A : vector<16xi32>
          %shift_right_arithmetic3A_400 = arith.constant 24 : i32
          %shift_right_arithmetic3A_401 = vector.broadcast %shift_right_arithmetic3A_400 : i32 to vector<16xi32>
          %shift_right_arithmetic3A_402 = arith.shrsi %get3A_389, %shift_right_arithmetic3A_401 : vector<16xi32>
          %eq3A_403 = arith.cmpi eq, %shift_right_arithmetic3A_402, %shift_right_arithmetic3A_167 : vector<16xi32>
          tpu.vector_store_idx %arg7[%add3A_399], %broadcast_in_dim3A_8 masked %eq3A_403 {add = true} : memref<4096xi32, #tpu.memory_space<vmem>>[vector<16xi32>], vector<16xi32>, vector<16xi1>
          %eq3A_404 = arith.cmpi eq, %shift_right_arithmetic3A_402, %shift_right_arithmetic3A_176 : vector<16xi32>
          tpu.vector_store_idx %arg8[%add3A_399], %broadcast_in_dim3A_8 masked %eq3A_404 {add = true} : memref<4096xi32, #tpu.memory_space<vmem>>[vector<16xi32>], vector<16xi32>, vector<16xi1>
          %mul3A_405 = arith.constant 8 : i32
          %mul3A_406 = arith.muli %scan3A_309, %mul3A_405 : i32
          %add3A_407 = arith.constant 4 : i32
          %add3A_408 = arith.addi %mul3A_406, %add3A_407 : i32
          %mul3A_409 = arith.constant 49 : i32
          %mul3A_410 = arith.muli %add3A_408, %mul3A_409 : i32
          %add3A_411 = arith.addi %mul3A_410, %mul3A_105 : i32
          %get3A_412 = arith.index_cast %add3A_411 : i32 to index
          %get3A_413 = tpu.vector_load %arg6[%get3A_412] {strides = array<i32>} : memref<28224xi32, #tpu.memory_space<vmem>>, vector<16xi32>,
          %shift_right_arithmetic3A_414 = arith.constant 16 : i32
          %shift_right_arithmetic3A_415 = vector.broadcast %shift_right_arithmetic3A_414 : i32 to vector<16xi32>
          %shift_right_arithmetic3A_416 = arith.shrsi %get3A_413, %shift_right_arithmetic3A_415 : vector<16xi32>
          %and3A_417 = arith.constant 255 : i32
          %and3A_418 = vector.broadcast %and3A_417 : i32 to vector<16xi32>
          %and3A_419 = arith.andi %shift_right_arithmetic3A_416, %and3A_418 : vector<16xi32>
          %shift_left3A_420 = arith.constant 4 : i32
          %shift_left3A_421 = vector.broadcast %shift_left3A_420 : i32 to vector<16xi32>
          %shift_left3A_422 = arith.shli %and3A_419, %shift_left3A_421 : vector<16xi32>
          %add3A_423 = arith.addi %shift_left3A_422, %iota3A : vector<16xi32>
          %shift_right_arithmetic3A_424 = arith.constant 24 : i32
          %shift_right_arithmetic3A_425 = vector.broadcast %shift_right_arithmetic3A_424 : i32 to vector<16xi32>
          %shift_right_arithmetic3A_426 = arith.shrsi %get3A_413, %shift_right_arithmetic3A_425 : vector<16xi32>
          %eq3A_427 = arith.cmpi eq, %shift_right_arithmetic3A_426, %shift_right_arithmetic3A_167 : vector<16xi32>
          tpu.vector_store_idx %arg7[%add3A_423], %broadcast_in_dim3A_8 masked %eq3A_427 {add = true} : memref<4096xi32, #tpu.memory_space<vmem>>[vector<16xi32>], vector<16xi32>, vector<16xi1>
          %eq3A_428 = arith.cmpi eq, %shift_right_arithmetic3A_426, %shift_right_arithmetic3A_176 : vector<16xi32>
          tpu.vector_store_idx %arg8[%add3A_423], %broadcast_in_dim3A_8 masked %eq3A_428 {add = true} : memref<4096xi32, #tpu.memory_space<vmem>>[vector<16xi32>], vector<16xi32>, vector<16xi1>
          %mul3A_429 = arith.constant 8 : i32
          %mul3A_430 = arith.muli %scan3A_309, %mul3A_429 : i32
          %add3A_431 = arith.constant 5 : i32
          %add3A_432 = arith.addi %mul3A_430, %add3A_431 : i32
          %mul3A_433 = arith.constant 49 : i32
          %mul3A_434 = arith.muli %add3A_432, %mul3A_433 : i32
          %add3A_435 = arith.addi %mul3A_434, %mul3A_105 : i32
          %get3A_436 = arith.index_cast %add3A_435 : i32 to index
          %get3A_437 = tpu.vector_load %arg6[%get3A_436] {strides = array<i32>} : memref<28224xi32, #tpu.memory_space<vmem>>, vector<16xi32>,
          %shift_right_arithmetic3A_438 = arith.constant 16 : i32
          %shift_right_arithmetic3A_439 = vector.broadcast %shift_right_arithmetic3A_438 : i32 to vector<16xi32>
          %shift_right_arithmetic3A_440 = arith.shrsi %get3A_437, %shift_right_arithmetic3A_439 : vector<16xi32>
          %and3A_441 = arith.constant 255 : i32
          %and3A_442 = vector.broadcast %and3A_441 : i32 to vector<16xi32>
          %and3A_443 = arith.andi %shift_right_arithmetic3A_440, %and3A_442 : vector<16xi32>
          %shift_left3A_444 = arith.constant 4 : i32
          %shift_left3A_445 = vector.broadcast %shift_left3A_444 : i32 to vector<16xi32>
          %shift_left3A_446 = arith.shli %and3A_443, %shift_left3A_445 : vector<16xi32>
          %add3A_447 = arith.addi %shift_left3A_446, %iota3A : vector<16xi32>
          %shift_right_arithmetic3A_448 = arith.constant 24 : i32
          %shift_right_arithmetic3A_449 = vector.broadcast %shift_right_arithmetic3A_448 : i32 to vector<16xi32>
          %shift_right_arithmetic3A_450 = arith.shrsi %get3A_437, %shift_right_arithmetic3A_449 : vector<16xi32>
          %eq3A_451 = arith.cmpi eq, %shift_right_arithmetic3A_450, %shift_right_arithmetic3A_167 : vector<16xi32>
          tpu.vector_store_idx %arg7[%add3A_447], %broadcast_in_dim3A_8 masked %eq3A_451 {add = true} : memref<4096xi32, #tpu.memory_space<vmem>>[vector<16xi32>], vector<16xi32>, vector<16xi1>
          %eq3A_452 = arith.cmpi eq, %shift_right_arithmetic3A_450, %shift_right_arithmetic3A_176 : vector<16xi32>
          tpu.vector_store_idx %arg8[%add3A_447], %broadcast_in_dim3A_8 masked %eq3A_452 {add = true} : memref<4096xi32, #tpu.memory_space<vmem>>[vector<16xi32>], vector<16xi32>, vector<16xi1>
          %mul3A_453 = arith.constant 8 : i32
          %mul3A_454 = arith.muli %scan3A_309, %mul3A_453 : i32
          %add3A_455 = arith.constant 6 : i32
          %add3A_456 = arith.addi %mul3A_454, %add3A_455 : i32
          %mul3A_457 = arith.constant 49 : i32
          %mul3A_458 = arith.muli %add3A_456, %mul3A_457 : i32
          %add3A_459 = arith.addi %mul3A_458, %mul3A_105 : i32
          %get3A_460 = arith.index_cast %add3A_459 : i32 to index
          %get3A_461 = tpu.vector_load %arg6[%get3A_460] {strides = array<i32>} : memref<28224xi32, #tpu.memory_space<vmem>>, vector<16xi32>,
          %shift_right_arithmetic3A_462 = arith.constant 16 : i32
          %shift_right_arithmetic3A_463 = vector.broadcast %shift_right_arithmetic3A_462 : i32 to vector<16xi32>
          %shift_right_arithmetic3A_464 = arith.shrsi %get3A_461, %shift_right_arithmetic3A_463 : vector<16xi32>
          %and3A_465 = arith.constant 255 : i32
          %and3A_466 = vector.broadcast %and3A_465 : i32 to vector<16xi32>
          %and3A_467 = arith.andi %shift_right_arithmetic3A_464, %and3A_466 : vector<16xi32>
          %shift_left3A_468 = arith.constant 4 : i32
          %shift_left3A_469 = vector.broadcast %shift_left3A_468 : i32 to vector<16xi32>
          %shift_left3A_470 = arith.shli %and3A_467, %shift_left3A_469 : vector<16xi32>
          %add3A_471 = arith.addi %shift_left3A_470, %iota3A : vector<16xi32>
          %shift_right_arithmetic3A_472 = arith.constant 24 : i32
          %shift_right_arithmetic3A_473 = vector.broadcast %shift_right_arithmetic3A_472 : i32 to vector<16xi32>
          %shift_right_arithmetic3A_474 = arith.shrsi %get3A_461, %shift_right_arithmetic3A_473 : vector<16xi32>
          %eq3A_475 = arith.cmpi eq, %shift_right_arithmetic3A_474, %shift_right_arithmetic3A_167 : vector<16xi32>
          tpu.vector_store_idx %arg7[%add3A_471], %broadcast_in_dim3A_8 masked %eq3A_475 {add = true} : memref<4096xi32, #tpu.memory_space<vmem>>[vector<16xi32>], vector<16xi32>, vector<16xi1>
          %eq3A_476 = arith.cmpi eq, %shift_right_arithmetic3A_474, %shift_right_arithmetic3A_176 : vector<16xi32>
          tpu.vector_store_idx %arg8[%add3A_471], %broadcast_in_dim3A_8 masked %eq3A_476 {add = true} : memref<4096xi32, #tpu.memory_space<vmem>>[vector<16xi32>], vector<16xi32>, vector<16xi1>
          %mul3A_477 = arith.constant 8 : i32
          %mul3A_478 = arith.muli %scan3A_309, %mul3A_477 : i32
          %add3A_479 = arith.constant 7 : i32
          %add3A_480 = arith.addi %mul3A_478, %add3A_479 : i32
          %mul3A_481 = arith.constant 49 : i32
          %mul3A_482 = arith.muli %add3A_480, %mul3A_481 : i32
          %add3A_483 = arith.addi %mul3A_482, %mul3A_105 : i32
          %get3A_484 = arith.index_cast %add3A_483 : i32 to index
          %get3A_485 = tpu.vector_load %arg6[%get3A_484] {strides = array<i32>} : memref<28224xi32, #tpu.memory_space<vmem>>, vector<16xi32>,
          %shift_right_arithmetic3A_486 = arith.constant 16 : i32
          %shift_right_arithmetic3A_487 = vector.broadcast %shift_right_arithmetic3A_486 : i32 to vector<16xi32>
          %shift_right_arithmetic3A_488 = arith.shrsi %get3A_485, %shift_right_arithmetic3A_487 : vector<16xi32>
          %and3A_489 = arith.constant 255 : i32
          %and3A_490 = vector.broadcast %and3A_489 : i32 to vector<16xi32>
          %and3A_491 = arith.andi %shift_right_arithmetic3A_488, %and3A_490 : vector<16xi32>
          %shift_left3A_492 = arith.constant 4 : i32
          %shift_left3A_493 = vector.broadcast %shift_left3A_492 : i32 to vector<16xi32>
          %shift_left3A_494 = arith.shli %and3A_491, %shift_left3A_493 : vector<16xi32>
          %add3A_495 = arith.addi %shift_left3A_494, %iota3A : vector<16xi32>
          %shift_right_arithmetic3A_496 = arith.constant 24 : i32
          %shift_right_arithmetic3A_497 = vector.broadcast %shift_right_arithmetic3A_496 : i32 to vector<16xi32>
          %shift_right_arithmetic3A_498 = arith.shrsi %get3A_485, %shift_right_arithmetic3A_497 : vector<16xi32>
          %eq3A_499 = arith.cmpi eq, %shift_right_arithmetic3A_498, %shift_right_arithmetic3A_167 : vector<16xi32>
          tpu.vector_store_idx %arg7[%add3A_495], %broadcast_in_dim3A_8 masked %eq3A_499 {add = true} : memref<4096xi32, #tpu.memory_space<vmem>>[vector<16xi32>], vector<16xi32>, vector<16xi1>
          %eq3A_500 = arith.cmpi eq, %shift_right_arithmetic3A_498, %shift_right_arithmetic3A_176 : vector<16xi32>
          tpu.vector_store_idx %arg8[%add3A_495], %broadcast_in_dim3A_8 masked %eq3A_500 {add = true} : memref<4096xi32, #tpu.memory_space<vmem>>[vector<16xi32>], vector<16xi32>, vector<16xi1>
          %scan3A_501 = arith.constant 0 : i32
          scf.yield %scan3A_501 : i32
        }
        %scan3A_183 = arith.constant 72 : i32
        %scan3A_184 = arith.constant 0 : i32
        %scan3A_185 = arith.constant 64 : i32
        %scan3A_186 = arith.addi %scan3A_184, %scan3A_185 : i32
        %scan3A_187 = arith.constant 1 : i32
        %scan3A_188:4 = scf.for %scan3A_309 = %scan3A_184 to %scan3A_186 step %scan3A_187 iter_args(%scan3A_310 = %broadcast_in_dim3A_6, %scan3A_311 = %broadcast_in_dim3A_6, %scan3A_312 = %broadcast_in_dim3A_6, %scan3A_313 = %broadcast_in_dim3A_6) -> (vector<16xi32>, vector<16xi32>, vector<16xi32>, vector<16xi32>)  : i32 {
          %mul3A_314 = arith.constant 4 : i32
          %mul3A_315 = arith.muli %scan3A_309, %mul3A_314 : i32
          %add3A_316 = arith.constant 0 : i32
          %add3A_317 = arith.addi %mul3A_315, %add3A_316 : i32
          %mul3A_318 = arith.constant 16 : i32
          %mul3A_319 = arith.muli %add3A_317, %mul3A_318 : i32
          %get3A = arith.index_cast %mul3A_319 : i32 to index
          %get3A_320 = tpu.vector_load %arg7[%get3A] {strides = array<i32>} : memref<4096xi32, #tpu.memory_space<vmem>>, vector<16xi32>,
          %get3A_321 = arith.index_cast %mul3A_319 : i32 to index
          %get3A_322 = tpu.vector_load %arg8[%get3A_321] {strides = array<i32>} : memref<4096xi32, #tpu.memory_space<vmem>>, vector<16xi32>,
          %swap3A_323 = arith.index_cast %mul3A_319 : i32 to index
          %swap3A_324 = tpu.vector_load %arg7[%swap3A_323] {strides = array<i32>} : memref<4096xi32, #tpu.memory_space<vmem>>, vector<16xi32>,
          tpu.vector_store %arg7[%swap3A_323], %broadcast_in_dim3A_6 {strides = array<i32>} : memref<4096xi32, #tpu.memory_space<vmem>>, vector<16xi32>,
          %swap3A_325 = arith.index_cast %mul3A_319 : i32 to index
          %swap3A_326 = tpu.vector_load %arg8[%swap3A_325] {strides = array<i32>} : memref<4096xi32, #tpu.memory_space<vmem>>, vector<16xi32>,
          tpu.vector_store %arg8[%swap3A_325], %broadcast_in_dim3A_6 {strides = array<i32>} : memref<4096xi32, #tpu.memory_space<vmem>>, vector<16xi32>,
          %add3A_327 = arith.addi %scan3A_310, %get3A_320 : vector<16xi32>
          %add3A_328 = arith.addi %scan3A_311, %get3A_322 : vector<16xi32>
          %swap3A_329 = arith.index_cast %mul3A_319 : i32 to index
          %swap3A_330 = tpu.vector_load %arg9[%swap3A_329] {strides = array<i32>} : memref<4096xi32, #tpu.memory_space<vmem>>, vector<16xi32>,
          tpu.vector_store %arg9[%swap3A_329], %add3A_327 {strides = array<i32>} : memref<4096xi32, #tpu.memory_space<vmem>>, vector<16xi32>,
          %swap3A_331 = arith.index_cast %mul3A_319 : i32 to index
          %swap3A_332 = tpu.vector_load %arg10[%swap3A_331] {strides = array<i32>} : memref<4096xi32, #tpu.memory_space<vmem>>, vector<16xi32>,
          tpu.vector_store %arg10[%swap3A_331], %add3A_328 {strides = array<i32>} : memref<4096xi32, #tpu.memory_space<vmem>>, vector<16xi32>,
          %sub3A_333 = arith.subi %sub3A_158, %add3A_327 : vector<16xi32>
          %ge3A = arith.cmpi sge, %sub3A_333, %sub3A_157 : vector<16xi32>
          %jit3A_334 = arith.constant 1 : i32
          %jit3A_335 = arith.constant 0 : i32
          %broadcast_in_dim3A_336 = vector.broadcast %jit3A_334 : i32 to vector<16xi32>
          %broadcast_in_dim3A_337 = vector.broadcast %jit3A_335 : i32 to vector<16xi32>
          %select_n3A_338 = arith.select %ge3A, %broadcast_in_dim3A_336, %broadcast_in_dim3A_337 : vector<16xi1>, vector<16xi32>
          %add3A_339 = arith.addi %scan3A_312, %select_n3A_338 : vector<16xi32>
          %lt3A_340 = arith.cmpi slt, %add3A_328, %sub3A_159 : vector<16xi32>
          %jit3A_341 = arith.constant 1 : i32
          %jit3A_342 = arith.constant 0 : i32
          %broadcast_in_dim3A_343 = vector.broadcast %jit3A_341 : i32 to vector<16xi32>
          %broadcast_in_dim3A_344 = vector.broadcast %jit3A_342 : i32 to vector<16xi32>
          %select_n3A_345 = arith.select %lt3A_340, %broadcast_in_dim3A_343, %broadcast_in_dim3A_344 : vector<16xi1>, vector<16xi32>
          %add3A_346 = arith.addi %scan3A_313, %select_n3A_345 : vector<16xi32>
          %mul3A_347 = arith.constant 4 : i32
          %mul3A_348 = arith.muli %scan3A_309, %mul3A_347 : i32
          %add3A_349 = arith.constant 1 : i32
          %add3A_350 = arith.addi %mul3A_348, %add3A_349 : i32
          %mul3A_351 = arith.constant 16 : i32
          %mul3A_352 = arith.muli %add3A_350, %mul3A_351 : i32
          %get3A_353 = arith.index_cast %mul3A_352 : i32 to index
          %get3A_354 = tpu.vector_load %arg7[%get3A_353] {strides = array<i32>} : memref<4096xi32, #tpu.memory_space<vmem>>, vector<16xi32>,
          %get3A_355 = arith.index_cast %mul3A_352 : i32 to index
          %get3A_356 = tpu.vector_load %arg8[%get3A_355] {strides = array<i32>} : memref<4096xi32, #tpu.memory_space<vmem>>, vector<16xi32>,
          %swap3A_357 = arith.index_cast %mul3A_352 : i32 to index
          %swap3A_358 = tpu.vector_load %arg7[%swap3A_357] {strides = array<i32>} : memref<4096xi32, #tpu.memory_space<vmem>>, vector<16xi32>,
          tpu.vector_store %arg7[%swap3A_357], %broadcast_in_dim3A_6 {strides = array<i32>} : memref<4096xi32, #tpu.memory_space<vmem>>, vector<16xi32>,
          %swap3A_359 = arith.index_cast %mul3A_352 : i32 to index
          %swap3A_360 = tpu.vector_load %arg8[%swap3A_359] {strides = array<i32>} : memref<4096xi32, #tpu.memory_space<vmem>>, vector<16xi32>,
          tpu.vector_store %arg8[%swap3A_359], %broadcast_in_dim3A_6 {strides = array<i32>} : memref<4096xi32, #tpu.memory_space<vmem>>, vector<16xi32>,
          %add3A_361 = arith.addi %add3A_327, %get3A_354 : vector<16xi32>
          %add3A_362 = arith.addi %add3A_328, %get3A_356 : vector<16xi32>
          %swap3A_363 = arith.index_cast %mul3A_352 : i32 to index
          %swap3A_364 = tpu.vector_load %arg9[%swap3A_363] {strides = array<i32>} : memref<4096xi32, #tpu.memory_space<vmem>>, vector<16xi32>,
          tpu.vector_store %arg9[%swap3A_363], %add3A_361 {strides = array<i32>} : memref<4096xi32, #tpu.memory_space<vmem>>, vector<16xi32>,
          %swap3A_365 = arith.index_cast %mul3A_352 : i32 to index
          %swap3A_366 = tpu.vector_load %arg10[%swap3A_365] {strides = array<i32>} : memref<4096xi32, #tpu.memory_space<vmem>>, vector<16xi32>,
          tpu.vector_store %arg10[%swap3A_365], %add3A_362 {strides = array<i32>} : memref<4096xi32, #tpu.memory_space<vmem>>, vector<16xi32>,
          %sub3A_367 = arith.subi %sub3A_158, %add3A_361 : vector<16xi32>
          %ge3A_368 = arith.cmpi sge, %sub3A_367, %sub3A_157 : vector<16xi32>
          %jit3A_369 = arith.constant 1 : i32
          %jit3A_370 = arith.constant 0 : i32
          %broadcast_in_dim3A_371 = vector.broadcast %jit3A_369 : i32 to vector<16xi32>
          %broadcast_in_dim3A_372 = vector.broadcast %jit3A_370 : i32 to vector<16xi32>
          %select_n3A_373 = arith.select %ge3A_368, %broadcast_in_dim3A_371, %broadcast_in_dim3A_372 : vector<16xi1>, vector<16xi32>
          %add3A_374 = arith.addi %add3A_339, %select_n3A_373 : vector<16xi32>
          %lt3A_375 = arith.cmpi slt, %add3A_362, %sub3A_159 : vector<16xi32>
          %jit3A_376 = arith.constant 1 : i32
          %jit3A_377 = arith.constant 0 : i32
          %broadcast_in_dim3A_378 = vector.broadcast %jit3A_376 : i32 to vector<16xi32>
          %broadcast_in_dim3A_379 = vector.broadcast %jit3A_377 : i32 to vector<16xi32>
          %select_n3A_380 = arith.select %lt3A_375, %broadcast_in_dim3A_378, %broadcast_in_dim3A_379 : vector<16xi1>, vector<16xi32>
          %add3A_381 = arith.addi %add3A_346, %select_n3A_380 : vector<16xi32>
          %mul3A_382 = arith.constant 4 : i32
          %mul3A_383 = arith.muli %scan3A_309, %mul3A_382 : i32
          %add3A_384 = arith.constant 2 : i32
          %add3A_385 = arith.addi %mul3A_383, %add3A_384 : i32
          %mul3A_386 = arith.constant 16 : i32
          %mul3A_387 = arith.muli %add3A_385, %mul3A_386 : i32
          %get3A_388 = arith.index_cast %mul3A_387 : i32 to index
          %get3A_389 = tpu.vector_load %arg7[%get3A_388] {strides = array<i32>} : memref<4096xi32, #tpu.memory_space<vmem>>, vector<16xi32>,
          %get3A_390 = arith.index_cast %mul3A_387 : i32 to index
          %get3A_391 = tpu.vector_load %arg8[%get3A_390] {strides = array<i32>} : memref<4096xi32, #tpu.memory_space<vmem>>, vector<16xi32>,
          %swap3A_392 = arith.index_cast %mul3A_387 : i32 to index
          %swap3A_393 = tpu.vector_load %arg7[%swap3A_392] {strides = array<i32>} : memref<4096xi32, #tpu.memory_space<vmem>>, vector<16xi32>,
          tpu.vector_store %arg7[%swap3A_392], %broadcast_in_dim3A_6 {strides = array<i32>} : memref<4096xi32, #tpu.memory_space<vmem>>, vector<16xi32>,
          %swap3A_394 = arith.index_cast %mul3A_387 : i32 to index
          %swap3A_395 = tpu.vector_load %arg8[%swap3A_394] {strides = array<i32>} : memref<4096xi32, #tpu.memory_space<vmem>>, vector<16xi32>,
          tpu.vector_store %arg8[%swap3A_394], %broadcast_in_dim3A_6 {strides = array<i32>} : memref<4096xi32, #tpu.memory_space<vmem>>, vector<16xi32>,
          %add3A_396 = arith.addi %add3A_361, %get3A_389 : vector<16xi32>
          %add3A_397 = arith.addi %add3A_362, %get3A_391 : vector<16xi32>
          %swap3A_398 = arith.index_cast %mul3A_387 : i32 to index
          %swap3A_399 = tpu.vector_load %arg9[%swap3A_398] {strides = array<i32>} : memref<4096xi32, #tpu.memory_space<vmem>>, vector<16xi32>,
          tpu.vector_store %arg9[%swap3A_398], %add3A_396 {strides = array<i32>} : memref<4096xi32, #tpu.memory_space<vmem>>, vector<16xi32>,
          %swap3A_400 = arith.index_cast %mul3A_387 : i32 to index
          %swap3A_401 = tpu.vector_load %arg10[%swap3A_400] {strides = array<i32>} : memref<4096xi32, #tpu.memory_space<vmem>>, vector<16xi32>,
          tpu.vector_store %arg10[%swap3A_400], %add3A_397 {strides = array<i32>} : memref<4096xi32, #tpu.memory_space<vmem>>, vector<16xi32>,
          %sub3A_402 = arith.subi %sub3A_158, %add3A_396 : vector<16xi32>
          %ge3A_403 = arith.cmpi sge, %sub3A_402, %sub3A_157 : vector<16xi32>
          %jit3A_404 = arith.constant 1 : i32
          %jit3A_405 = arith.constant 0 : i32
          %broadcast_in_dim3A_406 = vector.broadcast %jit3A_404 : i32 to vector<16xi32>
          %broadcast_in_dim3A_407 = vector.broadcast %jit3A_405 : i32 to vector<16xi32>
          %select_n3A_408 = arith.select %ge3A_403, %broadcast_in_dim3A_406, %broadcast_in_dim3A_407 : vector<16xi1>, vector<16xi32>
          %add3A_409 = arith.addi %add3A_374, %select_n3A_408 : vector<16xi32>
          %lt3A_410 = arith.cmpi slt, %add3A_397, %sub3A_159 : vector<16xi32>
          %jit3A_411 = arith.constant 1 : i32
          %jit3A_412 = arith.constant 0 : i32
          %broadcast_in_dim3A_413 = vector.broadcast %jit3A_411 : i32 to vector<16xi32>
          %broadcast_in_dim3A_414 = vector.broadcast %jit3A_412 : i32 to vector<16xi32>
          %select_n3A_415 = arith.select %lt3A_410, %broadcast_in_dim3A_413, %broadcast_in_dim3A_414 : vector<16xi1>, vector<16xi32>
          %add3A_416 = arith.addi %add3A_381, %select_n3A_415 : vector<16xi32>
          %mul3A_417 = arith.constant 4 : i32
          %mul3A_418 = arith.muli %scan3A_309, %mul3A_417 : i32
          %add3A_419 = arith.constant 3 : i32
          %add3A_420 = arith.addi %mul3A_418, %add3A_419 : i32
          %mul3A_421 = arith.constant 16 : i32
          %mul3A_422 = arith.muli %add3A_420, %mul3A_421 : i32
          %get3A_423 = arith.index_cast %mul3A_422 : i32 to index
          %get3A_424 = tpu.vector_load %arg7[%get3A_423] {strides = array<i32>} : memref<4096xi32, #tpu.memory_space<vmem>>, vector<16xi32>,
          %get3A_425 = arith.index_cast %mul3A_422 : i32 to index
          %get3A_426 = tpu.vector_load %arg8[%get3A_425] {strides = array<i32>} : memref<4096xi32, #tpu.memory_space<vmem>>, vector<16xi32>,
          %swap3A_427 = arith.index_cast %mul3A_422 : i32 to index
          %swap3A_428 = tpu.vector_load %arg7[%swap3A_427] {strides = array<i32>} : memref<4096xi32, #tpu.memory_space<vmem>>, vector<16xi32>,
          tpu.vector_store %arg7[%swap3A_427], %broadcast_in_dim3A_6 {strides = array<i32>} : memref<4096xi32, #tpu.memory_space<vmem>>, vector<16xi32>,
          %swap3A_429 = arith.index_cast %mul3A_422 : i32 to index
          %swap3A_430 = tpu.vector_load %arg8[%swap3A_429] {strides = array<i32>} : memref<4096xi32, #tpu.memory_space<vmem>>, vector<16xi32>,
          tpu.vector_store %arg8[%swap3A_429], %broadcast_in_dim3A_6 {strides = array<i32>} : memref<4096xi32, #tpu.memory_space<vmem>>, vector<16xi32>,
          %add3A_431 = arith.addi %add3A_396, %get3A_424 : vector<16xi32>
          %add3A_432 = arith.addi %add3A_397, %get3A_426 : vector<16xi32>
          %swap3A_433 = arith.index_cast %mul3A_422 : i32 to index
          %swap3A_434 = tpu.vector_load %arg9[%swap3A_433] {strides = array<i32>} : memref<4096xi32, #tpu.memory_space<vmem>>, vector<16xi32>,
          tpu.vector_store %arg9[%swap3A_433], %add3A_431 {strides = array<i32>} : memref<4096xi32, #tpu.memory_space<vmem>>, vector<16xi32>,
          %swap3A_435 = arith.index_cast %mul3A_422 : i32 to index
          %swap3A_436 = tpu.vector_load %arg10[%swap3A_435] {strides = array<i32>} : memref<4096xi32, #tpu.memory_space<vmem>>, vector<16xi32>,
          tpu.vector_store %arg10[%swap3A_435], %add3A_432 {strides = array<i32>} : memref<4096xi32, #tpu.memory_space<vmem>>, vector<16xi32>,
          %sub3A_437 = arith.subi %sub3A_158, %add3A_431 : vector<16xi32>
          %ge3A_438 = arith.cmpi sge, %sub3A_437, %sub3A_157 : vector<16xi32>
          %jit3A_439 = arith.constant 1 : i32
          %jit3A_440 = arith.constant 0 : i32
          %broadcast_in_dim3A_441 = vector.broadcast %jit3A_439 : i32 to vector<16xi32>
          %broadcast_in_dim3A_442 = vector.broadcast %jit3A_440 : i32 to vector<16xi32>
          %select_n3A_443 = arith.select %ge3A_438, %broadcast_in_dim3A_441, %broadcast_in_dim3A_442 : vector<16xi1>, vector<16xi32>
          %add3A_444 = arith.addi %add3A_409, %select_n3A_443 : vector<16xi32>
          %lt3A_445 = arith.cmpi slt, %add3A_432, %sub3A_159 : vector<16xi32>
          %jit3A_446 = arith.constant 1 : i32
          %jit3A_447 = arith.constant 0 : i32
          %broadcast_in_dim3A_448 = vector.broadcast %jit3A_446 : i32 to vector<16xi32>
          %broadcast_in_dim3A_449 = vector.broadcast %jit3A_447 : i32 to vector<16xi32>
          %select_n3A_450 = arith.select %lt3A_445, %broadcast_in_dim3A_448, %broadcast_in_dim3A_449 : vector<16xi1>, vector<16xi32>
          %add3A_451 = arith.addi %add3A_416, %select_n3A_450 : vector<16xi32>
          scf.yield %add3A_431, %add3A_432, %add3A_444, %add3A_451 : vector<16xi32>, vector<16xi32>, vector<16xi32>, vector<16xi32>
        }
        %scan3A_189 = arith.constant 64 : i32
        %shift_left3A_190 = arith.constant 4 : i32
        %shift_left3A_191 = vector.broadcast %shift_left3A_190 : i32 to vector<16xi32>
        %shift_left3A_192 = arith.shli %scan3A_188#2, %shift_left3A_191 : vector<16xi32>
        %add3A_193 = arith.addi %shift_left3A_192, %iota3A : vector<16xi32>
        %gather3A_194 = tpu.vector_load_idx %arg9[%add3A_193] : memref<4096xi32, #tpu.memory_space<vmem>>[vector<16xi32>], vector<16xi32>,
        %sub3A_195 = arith.constant 1 : i32
        %sub3A_196 = vector.broadcast %sub3A_195 : i32 to vector<16xi32>
        %sub3A_197 = arith.subi %scan3A_188#2, %sub3A_196 : vector<16xi32>
        %max3A_198 = arith.constant 0 : i32
        %max3A_199 = vector.broadcast %max3A_198 : i32 to vector<16xi32>
        %max3A_200 = arith.maxsi %sub3A_197, %max3A_199 : vector<16xi32>
        %shift_left3A_201 = arith.constant 4 : i32
        %shift_left3A_202 = vector.broadcast %shift_left3A_201 : i32 to vector<16xi32>
        %shift_left3A_203 = arith.shli %max3A_200, %shift_left3A_202 : vector<16xi32>
        %add3A_204 = arith.addi %shift_left3A_203, %iota3A : vector<16xi32>
        %gather3A_205 = tpu.vector_load_idx %arg9[%add3A_204] : memref<4096xi32, #tpu.memory_space<vmem>>[vector<16xi32>], vector<16xi32>,
        %gt3A_206 = arith.constant 0 : i32
        %gt3A_207 = vector.broadcast %gt3A_206 : i32 to vector<16xi32>
        %gt3A_208 = arith.cmpi sgt, %scan3A_188#2, %gt3A_207 : vector<16xi32>
        %jit3A_209 = arith.constant 0 : i32
        %broadcast_in_dim3A_210 = vector.broadcast %jit3A_209 : i32 to vector<16xi32>
        %select_n3A_211 = arith.select %gt3A_208, %gather3A_205, %broadcast_in_dim3A_210 : vector<16xi1>, vector<16xi32>
        %shift_left3A_212 = arith.constant 4 : i32
        %shift_left3A_213 = vector.broadcast %shift_left3A_212 : i32 to vector<16xi32>
        %shift_left3A_214 = arith.shli %scan3A_188#3, %shift_left3A_213 : vector<16xi32>
        %add3A_215 = arith.addi %shift_left3A_214, %iota3A : vector<16xi32>
        %gather3A_216 = tpu.vector_load_idx %arg10[%add3A_215] : memref<4096xi32, #tpu.memory_space<vmem>>[vector<16xi32>], vector<16xi32>,
        %sub3A_217 = arith.constant 1 : i32
        %sub3A_218 = vector.broadcast %sub3A_217 : i32 to vector<16xi32>
        %sub3A_219 = arith.subi %scan3A_188#3, %sub3A_218 : vector<16xi32>
        %max3A_220 = arith.constant 0 : i32
        %max3A_221 = vector.broadcast %max3A_220 : i32 to vector<16xi32>
        %max3A_222 = arith.maxsi %sub3A_219, %max3A_221 : vector<16xi32>
        %shift_left3A_223 = arith.constant 4 : i32
        %shift_left3A_224 = vector.broadcast %shift_left3A_223 : i32 to vector<16xi32>
        %shift_left3A_225 = arith.shli %max3A_222, %shift_left3A_224 : vector<16xi32>
        %add3A_226 = arith.addi %shift_left3A_225, %iota3A : vector<16xi32>
        %gather3A_227 = tpu.vector_load_idx %arg10[%add3A_226] : memref<4096xi32, #tpu.memory_space<vmem>>[vector<16xi32>], vector<16xi32>,
        %gt3A_228 = arith.constant 0 : i32
        %gt3A_229 = vector.broadcast %gt3A_228 : i32 to vector<16xi32>
        %gt3A_230 = arith.cmpi sgt, %scan3A_188#3, %gt3A_229 : vector<16xi32>
        %jit3A_231 = arith.constant 0 : i32
        %broadcast_in_dim3A_232 = vector.broadcast %jit3A_231 : i32 to vector<16xi32>
        %select_n3A_233 = arith.select %gt3A_230, %gather3A_227, %broadcast_in_dim3A_232 : vector<16xi1>, vector<16xi32>
        %sub3A_234 = arith.subi %sub3A_158, %gather3A_194 : vector<16xi32>
        %sub3A_235 = arith.subi %sub3A_157, %sub3A_234 : vector<16xi32>
        %sub3A_236 = arith.subi %gather3A_194, %select_n3A_211 : vector<16xi32>
        %sub3A_237 = arith.subi %sub3A_159, %select_n3A_233 : vector<16xi32>
        %sub3A_238 = arith.subi %gather3A_216, %select_n3A_233 : vector<16xi32>
        %shift_left3A_239 = arith.constant 8 : i32
        %shift_left3A_240 = vector.broadcast %shift_left3A_239 : i32 to vector<16xi32>
        %shift_left3A_241 = arith.shli %shift_right_arithmetic3A_167, %shift_left3A_240 : vector<16xi32>
        %or3A = arith.ori %shift_left3A_241, %scan3A_188#2 : vector<16xi32>
        %shift_left3A_242 = arith.constant 8 : i32
        %shift_left3A_243 = vector.broadcast %shift_left3A_242 : i32 to vector<16xi32>
        %shift_left3A_244 = arith.shli %shift_right_arithmetic3A_176, %shift_left3A_243 : vector<16xi32>
        %or3A_245 = arith.ori %shift_left3A_244, %scan3A_188#3 : vector<16xi32>
        %shift_left3A_246 = arith.constant 16 : i32
        %shift_left3A_247 = vector.broadcast %shift_left3A_246 : i32 to vector<16xi32>
        %shift_left3A_248 = arith.shli %or3A, %shift_left3A_247 : vector<16xi32>
        %or3A_249 = arith.constant 65535 : i32
        %or3A_250 = vector.broadcast %or3A_249 : i32 to vector<16xi32>
        %or3A_251 = arith.ori %shift_left3A_248, %or3A_250 : vector<16xi32>
        %shift_left3A_252 = arith.constant 16 : i32
        %shift_left3A_253 = vector.broadcast %shift_left3A_252 : i32 to vector<16xi32>
        %shift_left3A_254 = arith.shli %or3A_245, %shift_left3A_253 : vector<16xi32>
        %broadcast_in_dim3A_255 = arith.constant 0.000000e+00 : f32
        %broadcast_in_dim3A_256 = vector.broadcast %broadcast_in_dim3A_255 : f32 to vector<16xf32>
        %scan3A_257 = arith.constant 0 : i32
        %scan3A_258 = arith.constant 72 : i32
        %scan3A_259 = arith.addi %scan3A_257, %scan3A_258 : i32
        %scan3A_260 = arith.constant 1 : i32
        %scan3A_261:4 = scf.for %scan3A_309 = %scan3A_257 to %scan3A_259 step %scan3A_260 iter_args(%scan3A_310 = %broadcast_in_dim3A_256, %scan3A_311 = %broadcast_in_dim3A_256, %scan3A_312 = %broadcast_in_dim3A_256, %scan3A_313 = %broadcast_in_dim3A_256) -> (vector<16xf32>, vector<16xf32>, vector<16xf32>, vector<16xf32>)  : i32 {
          %mul3A_314 = arith.constant 8 : i32
          %mul3A_315 = arith.muli %scan3A_309, %mul3A_314 : i32
          %add3A_316 = arith.constant 0 : i32
          %add3A_317 = arith.addi %mul3A_315, %add3A_316 : i32
          %mul3A_318 = arith.constant 49 : i32
          %mul3A_319 = arith.muli %add3A_317, %mul3A_318 : i32
          %add3A_320 = arith.addi %mul3A_319, %mul3A_105 : i32
          %get3A = arith.index_cast %add3A_320 : i32 to index
          %get3A_321 = tpu.vector_load %arg6[%get3A] {strides = array<i32>} : memref<28224xi32, #tpu.memory_space<vmem>>, vector<16xi32>,
          %shift_right_arithmetic3A_322 = arith.constant 31 : i32
          %shift_right_arithmetic3A_323 = vector.broadcast %shift_right_arithmetic3A_322 : i32 to vector<16xi32>
          %shift_right_arithmetic3A_324 = arith.shrsi %get3A_321, %shift_right_arithmetic3A_323 : vector<16xi32>
          %and3A_325 = vector.broadcast %scan3A_30 : i32 to vector<16xi32>
          %and3A_326 = arith.andi %shift_right_arithmetic3A_324, %and3A_325 : vector<16xi32>
          %xor3A_327 = arith.xori %get3A_321, %and3A_326 : vector<16xi32>
          %bitcast3A_328 = vector.bitcast %xor3A_327 : vector<16xi32> to vector<16xf32>
          %gt3A_329 = arith.cmpi sgt, %get3A_321, %or3A_251 : vector<16xi32>
          %jit3A_330 = arith.constant 0.000000e+00 : f32
          %broadcast_in_dim3A_331 = vector.broadcast %jit3A_330 : f32 to vector<16xf32>
          %select_n3A_332 = arith.select %gt3A_329, %bitcast3A_328, %broadcast_in_dim3A_331 : vector<16xi1>, vector<16xf32>
          %add3A_333 = arith.addf %scan3A_310, %select_n3A_332 : vector<16xf32>
          %lt3A_334 = arith.cmpi slt, %get3A_321, %shift_left3A_254 : vector<16xi32>
          %jit3A_335 = arith.constant 0.000000e+00 : f32
          %broadcast_in_dim3A_336 = vector.broadcast %jit3A_335 : f32 to vector<16xf32>
          %select_n3A_337 = arith.select %lt3A_334, %bitcast3A_328, %broadcast_in_dim3A_336 : vector<16xi1>, vector<16xf32>
          %add3A_338 = arith.addf %scan3A_311, %select_n3A_337 : vector<16xf32>
          %mul3A_339 = arith.constant 8 : i32
          %mul3A_340 = arith.muli %scan3A_309, %mul3A_339 : i32
          %add3A_341 = arith.constant 1 : i32
          %add3A_342 = arith.addi %mul3A_340, %add3A_341 : i32
          %mul3A_343 = arith.constant 49 : i32
          %mul3A_344 = arith.muli %add3A_342, %mul3A_343 : i32
          %add3A_345 = arith.addi %mul3A_344, %mul3A_105 : i32
          %get3A_346 = arith.index_cast %add3A_345 : i32 to index
          %get3A_347 = tpu.vector_load %arg6[%get3A_346] {strides = array<i32>} : memref<28224xi32, #tpu.memory_space<vmem>>, vector<16xi32>,
          %shift_right_arithmetic3A_348 = arith.constant 31 : i32
          %shift_right_arithmetic3A_349 = vector.broadcast %shift_right_arithmetic3A_348 : i32 to vector<16xi32>
          %shift_right_arithmetic3A_350 = arith.shrsi %get3A_347, %shift_right_arithmetic3A_349 : vector<16xi32>
          %and3A_351 = vector.broadcast %scan3A_30 : i32 to vector<16xi32>
          %and3A_352 = arith.andi %shift_right_arithmetic3A_350, %and3A_351 : vector<16xi32>
          %xor3A_353 = arith.xori %get3A_347, %and3A_352 : vector<16xi32>
          %bitcast3A_354 = vector.bitcast %xor3A_353 : vector<16xi32> to vector<16xf32>
          %gt3A_355 = arith.cmpi sgt, %get3A_347, %or3A_251 : vector<16xi32>
          %jit3A_356 = arith.constant 0.000000e+00 : f32
          %broadcast_in_dim3A_357 = vector.broadcast %jit3A_356 : f32 to vector<16xf32>
          %select_n3A_358 = arith.select %gt3A_355, %bitcast3A_354, %broadcast_in_dim3A_357 : vector<16xi1>, vector<16xf32>
          %add3A_359 = arith.addf %scan3A_312, %select_n3A_358 : vector<16xf32>
          %lt3A_360 = arith.cmpi slt, %get3A_347, %shift_left3A_254 : vector<16xi32>
          %jit3A_361 = arith.constant 0.000000e+00 : f32
          %broadcast_in_dim3A_362 = vector.broadcast %jit3A_361 : f32 to vector<16xf32>
          %select_n3A_363 = arith.select %lt3A_360, %bitcast3A_354, %broadcast_in_dim3A_362 : vector<16xi1>, vector<16xf32>
          %add3A_364 = arith.addf %scan3A_313, %select_n3A_363 : vector<16xf32>
          %mul3A_365 = arith.constant 8 : i32
          %mul3A_366 = arith.muli %scan3A_309, %mul3A_365 : i32
          %add3A_367 = arith.constant 2 : i32
          %add3A_368 = arith.addi %mul3A_366, %add3A_367 : i32
          %mul3A_369 = arith.constant 49 : i32
          %mul3A_370 = arith.muli %add3A_368, %mul3A_369 : i32
          %add3A_371 = arith.addi %mul3A_370, %mul3A_105 : i32
          %get3A_372 = arith.index_cast %add3A_371 : i32 to index
          %get3A_373 = tpu.vector_load %arg6[%get3A_372] {strides = array<i32>} : memref<28224xi32, #tpu.memory_space<vmem>>, vector<16xi32>,
          %shift_right_arithmetic3A_374 = arith.constant 31 : i32
          %shift_right_arithmetic3A_375 = vector.broadcast %shift_right_arithmetic3A_374 : i32 to vector<16xi32>
          %shift_right_arithmetic3A_376 = arith.shrsi %get3A_373, %shift_right_arithmetic3A_375 : vector<16xi32>
          %and3A_377 = vector.broadcast %scan3A_30 : i32 to vector<16xi32>
          %and3A_378 = arith.andi %shift_right_arithmetic3A_376, %and3A_377 : vector<16xi32>
          %xor3A_379 = arith.xori %get3A_373, %and3A_378 : vector<16xi32>
          %bitcast3A_380 = vector.bitcast %xor3A_379 : vector<16xi32> to vector<16xf32>
          %gt3A_381 = arith.cmpi sgt, %get3A_373, %or3A_251 : vector<16xi32>
          %jit3A_382 = arith.constant 0.000000e+00 : f32
          %broadcast_in_dim3A_383 = vector.broadcast %jit3A_382 : f32 to vector<16xf32>
          %select_n3A_384 = arith.select %gt3A_381, %bitcast3A_380, %broadcast_in_dim3A_383 : vector<16xi1>, vector<16xf32>
          %add3A_385 = arith.addf %add3A_333, %select_n3A_384 : vector<16xf32>
          %lt3A_386 = arith.cmpi slt, %get3A_373, %shift_left3A_254 : vector<16xi32>
          %jit3A_387 = arith.constant 0.000000e+00 : f32
          %broadcast_in_dim3A_388 = vector.broadcast %jit3A_387 : f32 to vector<16xf32>
          %select_n3A_389 = arith.select %lt3A_386, %bitcast3A_380, %broadcast_in_dim3A_388 : vector<16xi1>, vector<16xf32>
          %add3A_390 = arith.addf %add3A_338, %select_n3A_389 : vector<16xf32>
          %mul3A_391 = arith.constant 8 : i32
          %mul3A_392 = arith.muli %scan3A_309, %mul3A_391 : i32
          %add3A_393 = arith.constant 3 : i32
          %add3A_394 = arith.addi %mul3A_392, %add3A_393 : i32
          %mul3A_395 = arith.constant 49 : i32
          %mul3A_396 = arith.muli %add3A_394, %mul3A_395 : i32
          %add3A_397 = arith.addi %mul3A_396, %mul3A_105 : i32
          %get3A_398 = arith.index_cast %add3A_397 : i32 to index
          %get3A_399 = tpu.vector_load %arg6[%get3A_398] {strides = array<i32>} : memref<28224xi32, #tpu.memory_space<vmem>>, vector<16xi32>,
          %shift_right_arithmetic3A_400 = arith.constant 31 : i32
          %shift_right_arithmetic3A_401 = vector.broadcast %shift_right_arithmetic3A_400 : i32 to vector<16xi32>
          %shift_right_arithmetic3A_402 = arith.shrsi %get3A_399, %shift_right_arithmetic3A_401 : vector<16xi32>
          %and3A_403 = vector.broadcast %scan3A_30 : i32 to vector<16xi32>
          %and3A_404 = arith.andi %shift_right_arithmetic3A_402, %and3A_403 : vector<16xi32>
          %xor3A_405 = arith.xori %get3A_399, %and3A_404 : vector<16xi32>
          %bitcast3A_406 = vector.bitcast %xor3A_405 : vector<16xi32> to vector<16xf32>
          %gt3A_407 = arith.cmpi sgt, %get3A_399, %or3A_251 : vector<16xi32>
          %jit3A_408 = arith.constant 0.000000e+00 : f32
          %broadcast_in_dim3A_409 = vector.broadcast %jit3A_408 : f32 to vector<16xf32>
          %select_n3A_410 = arith.select %gt3A_407, %bitcast3A_406, %broadcast_in_dim3A_409 : vector<16xi1>, vector<16xf32>
          %add3A_411 = arith.addf %add3A_359, %select_n3A_410 : vector<16xf32>
          %lt3A_412 = arith.cmpi slt, %get3A_399, %shift_left3A_254 : vector<16xi32>
          %jit3A_413 = arith.constant 0.000000e+00 : f32
          %broadcast_in_dim3A_414 = vector.broadcast %jit3A_413 : f32 to vector<16xf32>
          %select_n3A_415 = arith.select %lt3A_412, %bitcast3A_406, %broadcast_in_dim3A_414 : vector<16xi1>, vector<16xf32>
          %add3A_416 = arith.addf %add3A_364, %select_n3A_415 : vector<16xf32>
          %mul3A_417 = arith.constant 8 : i32
          %mul3A_418 = arith.muli %scan3A_309, %mul3A_417 : i32
          %add3A_419 = arith.constant 4 : i32
          %add3A_420 = arith.addi %mul3A_418, %add3A_419 : i32
          %mul3A_421 = arith.constant 49 : i32
          %mul3A_422 = arith.muli %add3A_420, %mul3A_421 : i32
          %add3A_423 = arith.addi %mul3A_422, %mul3A_105 : i32
          %get3A_424 = arith.index_cast %add3A_423 : i32 to index
          %get3A_425 = tpu.vector_load %arg6[%get3A_424] {strides = array<i32>} : memref<28224xi32, #tpu.memory_space<vmem>>, vector<16xi32>,
          %shift_right_arithmetic3A_426 = arith.constant 31 : i32
          %shift_right_arithmetic3A_427 = vector.broadcast %shift_right_arithmetic3A_426 : i32 to vector<16xi32>
          %shift_right_arithmetic3A_428 = arith.shrsi %get3A_425, %shift_right_arithmetic3A_427 : vector<16xi32>
          %and3A_429 = vector.broadcast %scan3A_30 : i32 to vector<16xi32>
          %and3A_430 = arith.andi %shift_right_arithmetic3A_428, %and3A_429 : vector<16xi32>
          %xor3A_431 = arith.xori %get3A_425, %and3A_430 : vector<16xi32>
          %bitcast3A_432 = vector.bitcast %xor3A_431 : vector<16xi32> to vector<16xf32>
          %gt3A_433 = arith.cmpi sgt, %get3A_425, %or3A_251 : vector<16xi32>
          %jit3A_434 = arith.constant 0.000000e+00 : f32
          %broadcast_in_dim3A_435 = vector.broadcast %jit3A_434 : f32 to vector<16xf32>
          %select_n3A_436 = arith.select %gt3A_433, %bitcast3A_432, %broadcast_in_dim3A_435 : vector<16xi1>, vector<16xf32>
          %add3A_437 = arith.addf %add3A_385, %select_n3A_436 : vector<16xf32>
          %lt3A_438 = arith.cmpi slt, %get3A_425, %shift_left3A_254 : vector<16xi32>
          %jit3A_439 = arith.constant 0.000000e+00 : f32
          %broadcast_in_dim3A_440 = vector.broadcast %jit3A_439 : f32 to vector<16xf32>
          %select_n3A_441 = arith.select %lt3A_438, %bitcast3A_432, %broadcast_in_dim3A_440 : vector<16xi1>, vector<16xf32>
          %add3A_442 = arith.addf %add3A_390, %select_n3A_441 : vector<16xf32>
          %mul3A_443 = arith.constant 8 : i32
          %mul3A_444 = arith.muli %scan3A_309, %mul3A_443 : i32
          %add3A_445 = arith.constant 5 : i32
          %add3A_446 = arith.addi %mul3A_444, %add3A_445 : i32
          %mul3A_447 = arith.constant 49 : i32
          %mul3A_448 = arith.muli %add3A_446, %mul3A_447 : i32
          %add3A_449 = arith.addi %mul3A_448, %mul3A_105 : i32
          %get3A_450 = arith.index_cast %add3A_449 : i32 to index
          %get3A_451 = tpu.vector_load %arg6[%get3A_450] {strides = array<i32>} : memref<28224xi32, #tpu.memory_space<vmem>>, vector<16xi32>,
          %shift_right_arithmetic3A_452 = arith.constant 31 : i32
          %shift_right_arithmetic3A_453 = vector.broadcast %shift_right_arithmetic3A_452 : i32 to vector<16xi32>
          %shift_right_arithmetic3A_454 = arith.shrsi %get3A_451, %shift_right_arithmetic3A_453 : vector<16xi32>
          %and3A_455 = vector.broadcast %scan3A_30 : i32 to vector<16xi32>
          %and3A_456 = arith.andi %shift_right_arithmetic3A_454, %and3A_455 : vector<16xi32>
          %xor3A_457 = arith.xori %get3A_451, %and3A_456 : vector<16xi32>
          %bitcast3A_458 = vector.bitcast %xor3A_457 : vector<16xi32> to vector<16xf32>
          %gt3A_459 = arith.cmpi sgt, %get3A_451, %or3A_251 : vector<16xi32>
          %jit3A_460 = arith.constant 0.000000e+00 : f32
          %broadcast_in_dim3A_461 = vector.broadcast %jit3A_460 : f32 to vector<16xf32>
          %select_n3A_462 = arith.select %gt3A_459, %bitcast3A_458, %broadcast_in_dim3A_461 : vector<16xi1>, vector<16xf32>
          %add3A_463 = arith.addf %add3A_411, %select_n3A_462 : vector<16xf32>
          %lt3A_464 = arith.cmpi slt, %get3A_451, %shift_left3A_254 : vector<16xi32>
          %jit3A_465 = arith.constant 0.000000e+00 : f32
          %broadcast_in_dim3A_466 = vector.broadcast %jit3A_465 : f32 to vector<16xf32>
          %select_n3A_467 = arith.select %lt3A_464, %bitcast3A_458, %broadcast_in_dim3A_466 : vector<16xi1>, vector<16xf32>
          %add3A_468 = arith.addf %add3A_416, %select_n3A_467 : vector<16xf32>
          %mul3A_469 = arith.constant 8 : i32
          %mul3A_470 = arith.muli %scan3A_309, %mul3A_469 : i32
          %add3A_471 = arith.constant 6 : i32
          %add3A_472 = arith.addi %mul3A_470, %add3A_471 : i32
          %mul3A_473 = arith.constant 49 : i32
          %mul3A_474 = arith.muli %add3A_472, %mul3A_473 : i32
          %add3A_475 = arith.addi %mul3A_474, %mul3A_105 : i32
          %get3A_476 = arith.index_cast %add3A_475 : i32 to index
          %get3A_477 = tpu.vector_load %arg6[%get3A_476] {strides = array<i32>} : memref<28224xi32, #tpu.memory_space<vmem>>, vector<16xi32>,
          %shift_right_arithmetic3A_478 = arith.constant 31 : i32
          %shift_right_arithmetic3A_479 = vector.broadcast %shift_right_arithmetic3A_478 : i32 to vector<16xi32>
          %shift_right_arithmetic3A_480 = arith.shrsi %get3A_477, %shift_right_arithmetic3A_479 : vector<16xi32>
          %and3A_481 = vector.broadcast %scan3A_30 : i32 to vector<16xi32>
          %and3A_482 = arith.andi %shift_right_arithmetic3A_480, %and3A_481 : vector<16xi32>
          %xor3A_483 = arith.xori %get3A_477, %and3A_482 : vector<16xi32>
          %bitcast3A_484 = vector.bitcast %xor3A_483 : vector<16xi32> to vector<16xf32>
          %gt3A_485 = arith.cmpi sgt, %get3A_477, %or3A_251 : vector<16xi32>
          %jit3A_486 = arith.constant 0.000000e+00 : f32
          %broadcast_in_dim3A_487 = vector.broadcast %jit3A_486 : f32 to vector<16xf32>
          %select_n3A_488 = arith.select %gt3A_485, %bitcast3A_484, %broadcast_in_dim3A_487 : vector<16xi1>, vector<16xf32>
          %add3A_489 = arith.addf %add3A_437, %select_n3A_488 : vector<16xf32>
          %lt3A_490 = arith.cmpi slt, %get3A_477, %shift_left3A_254 : vector<16xi32>
          %jit3A_491 = arith.constant 0.000000e+00 : f32
          %broadcast_in_dim3A_492 = vector.broadcast %jit3A_491 : f32 to vector<16xf32>
          %select_n3A_493 = arith.select %lt3A_490, %bitcast3A_484, %broadcast_in_dim3A_492 : vector<16xi1>, vector<16xf32>
          %add3A_494 = arith.addf %add3A_442, %select_n3A_493 : vector<16xf32>
          %mul3A_495 = arith.constant 8 : i32
          %mul3A_496 = arith.muli %scan3A_309, %mul3A_495 : i32
          %add3A_497 = arith.constant 7 : i32
          %add3A_498 = arith.addi %mul3A_496, %add3A_497 : i32
          %mul3A_499 = arith.constant 49 : i32
          %mul3A_500 = arith.muli %add3A_498, %mul3A_499 : i32
          %add3A_501 = arith.addi %mul3A_500, %mul3A_105 : i32
          %get3A_502 = arith.index_cast %add3A_501 : i32 to index
          %get3A_503 = tpu.vector_load %arg6[%get3A_502] {strides = array<i32>} : memref<28224xi32, #tpu.memory_space<vmem>>, vector<16xi32>,
          %shift_right_arithmetic3A_504 = arith.constant 31 : i32
          %shift_right_arithmetic3A_505 = vector.broadcast %shift_right_arithmetic3A_504 : i32 to vector<16xi32>
          %shift_right_arithmetic3A_506 = arith.shrsi %get3A_503, %shift_right_arithmetic3A_505 : vector<16xi32>
          %and3A_507 = vector.broadcast %scan3A_30 : i32 to vector<16xi32>
          %and3A_508 = arith.andi %shift_right_arithmetic3A_506, %and3A_507 : vector<16xi32>
          %xor3A_509 = arith.xori %get3A_503, %and3A_508 : vector<16xi32>
          %bitcast3A_510 = vector.bitcast %xor3A_509 : vector<16xi32> to vector<16xf32>
          %gt3A_511 = arith.cmpi sgt, %get3A_503, %or3A_251 : vector<16xi32>
          %jit3A_512 = arith.constant 0.000000e+00 : f32
          %broadcast_in_dim3A_513 = vector.broadcast %jit3A_512 : f32 to vector<16xf32>
          %select_n3A_514 = arith.select %gt3A_511, %bitcast3A_510, %broadcast_in_dim3A_513 : vector<16xi1>, vector<16xf32>
          %add3A_515 = arith.addf %add3A_463, %select_n3A_514 : vector<16xf32>
          %lt3A_516 = arith.cmpi slt, %get3A_503, %shift_left3A_254 : vector<16xi32>
          %jit3A_517 = arith.constant 0.000000e+00 : f32
          %broadcast_in_dim3A_518 = vector.broadcast %jit3A_517 : f32 to vector<16xf32>
          %select_n3A_519 = arith.select %lt3A_516, %bitcast3A_510, %broadcast_in_dim3A_518 : vector<16xi1>, vector<16xf32>
          %add3A_520 = arith.addf %add3A_468, %select_n3A_519 : vector<16xf32>
          scf.yield %add3A_489, %add3A_494, %add3A_515, %add3A_520 : vector<16xf32>, vector<16xf32>, vector<16xf32>, vector<16xf32>
        }
        %scan3A_262 = arith.constant 72 : i32
        %shift_left3A_263 = arith.constant 16 : i32
        %shift_left3A_264 = vector.broadcast %shift_left3A_263 : i32 to vector<16xi32>
        %shift_left3A_265 = arith.shli %or3A, %shift_left3A_264 : vector<16xi32>
        %or3A_266 = arith.constant 32768 : i32
        %or3A_267 = vector.broadcast %or3A_266 : i32 to vector<16xi32>
        %or3A_268 = arith.ori %shift_left3A_265, %or3A_267 : vector<16xi32>
        %shift_left3A_269 = arith.constant 16 : i32
        %shift_left3A_270 = vector.broadcast %shift_left3A_269 : i32 to vector<16xi32>
        %shift_left3A_271 = arith.shli %or3A_245, %shift_left3A_270 : vector<16xi32>
        %or3A_272 = arith.constant 32768 : i32
        %or3A_273 = vector.broadcast %or3A_272 : i32 to vector<16xi32>
        %or3A_274 = arith.ori %shift_left3A_271, %or3A_273 : vector<16xi32>
        %shift_right_arithmetic3A_275 = arith.constant 31 : i32
        %shift_right_arithmetic3A_276 = vector.broadcast %shift_right_arithmetic3A_275 : i32 to vector<16xi32>
        %shift_right_arithmetic3A_277 = arith.shrsi %or3A_268, %shift_right_arithmetic3A_276 : vector<16xi32>
        %and3A = vector.broadcast %scan3A_30 : i32 to vector<16xi32>
        %and3A_278 = arith.andi %shift_right_arithmetic3A_277, %and3A : vector<16xi32>
        %xor3A_279 = arith.xori %or3A_268, %and3A_278 : vector<16xi32>
        %bitcast3A = vector.bitcast %xor3A_279 : vector<16xi32> to vector<16xf32>
        %shift_right_arithmetic3A_280 = arith.constant 31 : i32
        %shift_right_arithmetic3A_281 = vector.broadcast %shift_right_arithmetic3A_280 : i32 to vector<16xi32>
        %shift_right_arithmetic3A_282 = arith.shrsi %or3A_274, %shift_right_arithmetic3A_281 : vector<16xi32>
        %and3A_283 = vector.broadcast %scan3A_30 : i32 to vector<16xi32>
        %and3A_284 = arith.andi %shift_right_arithmetic3A_282, %and3A_283 : vector<16xi32>
        %xor3A_285 = arith.xori %or3A_274, %and3A_284 : vector<16xi32>
        %bitcast3A_286 = vector.bitcast %xor3A_285 : vector<16xi32> to vector<16xf32>
        %add3A_287 = arith.addf %scan3A_261#0, %scan3A_261#2 : vector<16xf32>
        %convert_element_type3A_288 = arith.sitofp %sub3A_235 : vector<16xi32> to vector<16xf32>
        %mul3A_289 = arith.mulf %convert_element_type3A_288, %bitcast3A : vector<16xf32>
        %add3A_290 = arith.addf %add3A_287, %mul3A_289 : vector<16xf32>
        %add3A_291 = arith.addf %scan3A_261#1, %scan3A_261#3 : vector<16xf32>
        %convert_element_type3A_292 = arith.sitofp %sub3A_237 : vector<16xi32> to vector<16xf32>
        %mul3A_293 = arith.mulf %convert_element_type3A_292, %bitcast3A_286 : vector<16xf32>
        %add3A_294 = arith.addf %add3A_291, %mul3A_293 : vector<16xf32>
        %div3A = vector.broadcast %scan3A_31 : f32 to vector<16xf32>
        %div3A_295 = arith.divf %add3A_290, %div3A : vector<16xf32>
        %div3A_296 = vector.broadcast %scan3A_31 : f32 to vector<16xf32>
        %div3A_297 = arith.divf %add3A_294, %div3A_296 : vector<16xf32>
        %add3A_298 = arith.addf %div3A_295, %div3A_297 : vector<16xf32>
        %mul3A_299 = arith.constant 5.000000e-01 : f32
        %mul3A_300 = vector.broadcast %mul3A_299 : f32 to vector<16xf32>
        %mul3A_301 = arith.mulf %add3A_298, %mul3A_300 : vector<16xf32>
        %mul3A_302 = arith.constant 48 : i32
        %mul3A_303 = arith.muli %add3A_44, %mul3A_302 : i32
        %mul3A_304 = arith.constant 16 : i32
        %mul3A_305 = arith.muli %scan3A_102, %mul3A_304 : i32
        %add3A_306 = arith.addi %mul3A_303, %mul3A_305 : i32
        %swap3A = arith.index_cast %add3A_306 : i32 to index
        %swap3A_307 = tpu.vector_load %arg11[%swap3A] {strides = array<i32>} : memref<768xf32, #tpu.memory_space<vmem>>, vector<16xf32>,
        tpu.vector_store %arg11[%swap3A], %mul3A_301 {strides = array<i32>} : memref<768xf32, #tpu.memory_space<vmem>>, vector<16xf32>,
        %scan3A_308 = arith.constant 0 : i32
        scf.yield %scan3A_308 : i32
      }
      %scan3A_68 = arith.constant 3 : i32
      %mul3A_69 = arith.constant 2 : i32
      %mul3A_70 = arith.muli %scan3A_39, %mul3A_69 : i32
      %add3A_71 = arith.constant 1 : i32
      %add3A_72 = arith.addi %mul3A_70, %add3A_71 : i32
      %mul3A_73 = arith.constant 48 : i32
      %mul3A_74 = arith.muli %add3A_72, %mul3A_73 : i32
      %add3A_75 = arith.addi %mul3A_2, %mul3A_74 : i32
      %mul3A_76 = arith.constant 576 : i32
      %mul3A_77 = arith.muli %add3A_75, %mul3A_76 : i32
      %dma_wait3A_78 = tpu.memref_slice %arg2[%mul3A_77] : memref<14155776xf32, #tpu.memory_space<hbm>> -> memref<27648xf32, #tpu.memory_space<hbm>>
      %dma_wait3A_79 = tpu.memref_slice %arg2[%mul3A_77] : memref<14155776xf32, #tpu.memory_space<hbm>> -> memref<27648xf32, #tpu.memory_space<hbm>>
      tpu.wait_dma2 semaphore(%arg13 : memref<!tpu.dma_semaphore, #tpu.memory_space<semaphore_mem>>) src(%dma_wait3A_79 : memref<27648xf32, #tpu.memory_space<hbm>>) dst(%arg5 : memref<27648xf32, #tpu.memory_space<vmem>>)
      %scan3A_80 = arith.constant 0 : i32
      %scan3A_81 = arith.constant 0 : i32
      %scan3A_82 = arith.constant 48 : i32
      %scan3A_83 = arith.addi %scan3A_81, %scan3A_82 : i32
      %scan3A_84 = arith.constant 1 : i32
      %scan3A_85 = scf.for %scan3A_102 = %scan3A_81 to %scan3A_83 step %scan3A_84 iter_args(%scan3A_103 = %scan3A_80) -> (i32)  : i32 {
        %mul3A_104 = arith.constant 576 : i32
        %mul3A_105 = arith.muli %scan3A_102, %mul3A_104 : i32
        %scan3A_106 = arith.constant 0 : i32
        %scan3A_107 = arith.constant 0 : i32
        %scan3A_108 = arith.constant 9 : i32
        %scan3A_109 = arith.addi %scan3A_107, %scan3A_108 : i32
        %scan3A_110 = arith.constant 1 : i32
        %scan3A_111 = scf.for %scan3A_114 = %scan3A_107 to %scan3A_109 step %scan3A_110 iter_args(%scan3A_115 = %scan3A_106) -> (i32)  : i32 {
          %mul3A_116 = arith.constant 64 : i32
          %mul3A_117 = arith.muli %scan3A_114, %mul3A_116 : i32
          %add3A_118 = arith.constant 0 : i32
          %add3A_119 = arith.addi %mul3A_117, %add3A_118 : i32
          %add3A_120 = arith.addi %mul3A_105, %add3A_119 : i32
          %get3A = arith.index_cast %add3A_120 : i32 to index
          %get3A_121 = tpu.vector_load %arg5[%get3A] {strides = array<i32>} : memref<27648xf32, #tpu.memory_space<vmem>>, vector<16xf32>,
          %bitcast3A = vector.bitcast %get3A_121 : vector<16xf32> to vector<16xi32>
          %shift_right_arithmetic3A = arith.constant 31 : i32
          %shift_right_arithmetic3A_122 = vector.broadcast %shift_right_arithmetic3A : i32 to vector<16xi32>
          %shift_right_arithmetic3A_123 = arith.shrsi %bitcast3A, %shift_right_arithmetic3A_122 : vector<16xi32>
          %and3A = vector.broadcast %scan3A_30 : i32 to vector<16xi32>
          %and3A_124 = arith.andi %shift_right_arithmetic3A_123, %and3A : vector<16xi32>
          %xor3A = arith.xori %bitcast3A, %and3A_124 : vector<16xi32>
          %mul3A_125 = arith.constant 49 : i32
          %mul3A_126 = arith.muli %add3A_119, %mul3A_125 : i32
          %add3A_127 = arith.addi %mul3A_126, %scan3A_102 : i32
          %add3A_128 = vector.broadcast %add3A_127 : i32 to vector<16xi32>
          %add3A_129 = arith.addi %mul3A_5, %add3A_128 : vector<16xi32>
          tpu.vector_store_idx %arg6[%add3A_129], %xor3A : memref<28224xi32, #tpu.memory_space<vmem>>[vector<16xi32>], vector<16xi32>,
          %add3A_130 = arith.constant 16 : i32
          %add3A_131 = arith.addi %mul3A_117, %add3A_130 : i32
          %add3A_132 = arith.addi %mul3A_105, %add3A_131 : i32
          %get3A_133 = arith.index_cast %add3A_132 : i32 to index
          %get3A_134 = tpu.vector_load %arg5[%get3A_133] {strides = array<i32>} : memref<27648xf32, #tpu.memory_space<vmem>>, vector<16xf32>,
          %bitcast3A_135 = vector.bitcast %get3A_134 : vector<16xf32> to vector<16xi32>
          %shift_right_arithmetic3A_136 = arith.constant 31 : i32
          %shift_right_arithmetic3A_137 = vector.broadcast %shift_right_arithmetic3A_136 : i32 to vector<16xi32>
          %shift_right_arithmetic3A_138 = arith.shrsi %bitcast3A_135, %shift_right_arithmetic3A_137 : vector<16xi32>
          %and3A_139 = vector.broadcast %scan3A_30 : i32 to vector<16xi32>
          %and3A_140 = arith.andi %shift_right_arithmetic3A_138, %and3A_139 : vector<16xi32>
          %xor3A_141 = arith.xori %bitcast3A_135, %and3A_140 : vector<16xi32>
          %mul3A_142 = arith.constant 49 : i32
          %mul3A_143 = arith.muli %add3A_131, %mul3A_142 : i32
          %add3A_144 = arith.addi %mul3A_143, %scan3A_102 : i32
          %add3A_145 = vector.broadcast %add3A_144 : i32 to vector<16xi32>
          %add3A_146 = arith.addi %mul3A_5, %add3A_145 : vector<16xi32>
          tpu.vector_store_idx %arg6[%add3A_146], %xor3A_141 : memref<28224xi32, #tpu.memory_space<vmem>>[vector<16xi32>], vector<16xi32>,
          %add3A_147 = arith.constant 32 : i32
          %add3A_148 = arith.addi %mul3A_117, %add3A_147 : i32
          %add3A_149 = arith.addi %mul3A_105, %add3A_148 : i32
          %get3A_150 = arith.index_cast %add3A_149 : i32 to index
          %get3A_151 = tpu.vector_load %arg5[%get3A_150] {strides = array<i32>} : memref<27648xf32, #tpu.memory_space<vmem>>, vector<16xf32>,
          %bitcast3A_152 = vector.bitcast %get3A_151 : vector<16xf32> to vector<16xi32>
          %shift_right_arithmetic3A_153 = arith.constant 31 : i32
          %shift_right_arithmetic3A_154 = vector.broadcast %shift_right_arithmetic3A_153 : i32 to vector<16xi32>
          %shift_right_arithmetic3A_155 = arith.shrsi %bitcast3A_152, %shift_right_arithmetic3A_154 : vector<16xi32>
          %and3A_156 = vector.broadcast %scan3A_30 : i32 to vector<16xi32>
          %and3A_157 = arith.andi %shift_right_arithmetic3A_155, %and3A_156 : vector<16xi32>
          %xor3A_158 = arith.xori %bitcast3A_152, %and3A_157 : vector<16xi32>
          %mul3A_159 = arith.constant 49 : i32
          %mul3A_160 = arith.muli %add3A_148, %mul3A_159 : i32
          %add3A_161 = arith.addi %mul3A_160, %scan3A_102 : i32
          %add3A_162 = vector.broadcast %add3A_161 : i32 to vector<16xi32>
          %add3A_163 = arith.addi %mul3A_5, %add3A_162 : vector<16xi32>
          tpu.vector_store_idx %arg6[%add3A_163], %xor3A_158 : memref<28224xi32, #tpu.memory_space<vmem>>[vector<16xi32>], vector<16xi32>,
          %add3A_164 = arith.constant 48 : i32
          %add3A_165 = arith.addi %mul3A_117, %add3A_164 : i32
          %add3A_166 = arith.addi %mul3A_105, %add3A_165 : i32
          %get3A_167 = arith.index_cast %add3A_166 : i32 to index
          %get3A_168 = tpu.vector_load %arg5[%get3A_167] {strides = array<i32>} : memref<27648xf32, #tpu.memory_space<vmem>>, vector<16xf32>,
          %bitcast3A_169 = vector.bitcast %get3A_168 : vector<16xf32> to vector<16xi32>
          %shift_right_arithmetic3A_170 = arith.constant 31 : i32
          %shift_right_arithmetic3A_171 = vector.broadcast %shift_right_arithmetic3A_170 : i32 to vector<16xi32>
          %shift_right_arithmetic3A_172 = arith.shrsi %bitcast3A_169, %shift_right_arithmetic3A_171 : vector<16xi32>
          %and3A_173 = vector.broadcast %scan3A_30 : i32 to vector<16xi32>
          %and3A_174 = arith.andi %shift_right_arithmetic3A_172, %and3A_173 : vector<16xi32>
          %xor3A_175 = arith.xori %bitcast3A_169, %and3A_174 : vector<16xi32>
          %mul3A_176 = arith.constant 49 : i32
          %mul3A_177 = arith.muli %add3A_165, %mul3A_176 : i32
          %add3A_178 = arith.addi %mul3A_177, %scan3A_102 : i32
          %add3A_179 = vector.broadcast %add3A_178 : i32 to vector<16xi32>
          %add3A_180 = arith.addi %mul3A_5, %add3A_179 : vector<16xi32>
          tpu.vector_store_idx %arg6[%add3A_180], %xor3A_175 : memref<28224xi32, #tpu.memory_space<vmem>>[vector<16xi32>], vector<16xi32>,
          %scan3A_181 = arith.constant 0 : i32
          scf.yield %scan3A_181 : i32
        }
        %scan3A_112 = arith.constant 9 : i32
        %scan3A_113 = arith.constant 0 : i32
        scf.yield %scan3A_113 : i32
      }
      %scan3A_86 = arith.constant 48 : i32
      %add3A_87 = arith.constant 2 : i32
      %add3A_88 = arith.addi %add3A_72, %add3A_87 : i32
      %lt3A_89 = arith.constant 16 : i32
      %lt3A_90 = arith.cmpi slt, %add3A_88, %lt3A_89 : i32
      %convert_element_type3A_91 = arith.extui %lt3A_90 : i1 to i32
      %cond3A_92 = arith.constant 0 : i32
      %cond3A_93 = arith.cmpi ne, %convert_element_type3A_91, %cond3A_92 : i32
      scf.if %cond3A_93 {
        %add3A_102 = arith.constant 2 : i32
        %add3A_103 = arith.addi %add3A_72, %add3A_102 : i32
        %mul3A_104 = arith.constant 48 : i32
        %mul3A_105 = arith.muli %add3A_103, %mul3A_104 : i32
        %add3A_106 = arith.addi %mul3A_2, %mul3A_105 : i32
        %mul3A_107 = arith.constant 576 : i32
        %mul3A_108 = arith.muli %add3A_106, %mul3A_107 : i32
        %dma_start3A_109 = tpu.memref_slice %arg2[%mul3A_108] : memref<14155776xf32, #tpu.memory_space<hbm>> -> memref<27648xf32, #tpu.memory_space<hbm>>
        %dma_start3A_110 = tpu.memref_slice %arg2[%mul3A_108] : memref<14155776xf32, #tpu.memory_space<hbm>> -> memref<27648xf32, #tpu.memory_space<hbm>>
        tpu.enqueue_dma source(%dma_start3A_110 : memref<27648xf32, #tpu.memory_space<hbm>>) target(%arg5 : memref<27648xf32, #tpu.memory_space<vmem>>) target_semaphore(%arg13 : memref<!tpu.dma_semaphore, #tpu.memory_space<semaphore_mem>>)
      } else {
      }
      %scan3A_94 = arith.constant 0 : i32
      %scan3A_95 = arith.constant 0 : i32
      %scan3A_96 = arith.constant 3 : i32
      %scan3A_97 = arith.addi %scan3A_95, %scan3A_96 : i32
      %scan3A_98 = arith.constant 1 : i32
      %scan3A_99 = scf.for %scan3A_102 = %scan3A_95 to %scan3A_97 step %scan3A_98 iter_args(%scan3A_103 = %scan3A_94) -> (i32)  : i32 {
        %mul3A_104 = arith.constant 16 : i32
        %mul3A_105 = arith.muli %scan3A_102, %mul3A_104 : i32
        %scan3A_106 = arith.constant 0 : i32
        %scan3A_107 = arith.constant 0 : i32
        %scan3A_108 = arith.constant 72 : i32
        %scan3A_109 = arith.addi %scan3A_107, %scan3A_108 : i32
        %scan3A_110 = arith.constant 1 : i32
        %scan3A_111 = scf.for %scan3A_309 = %scan3A_107 to %scan3A_109 step %scan3A_110 iter_args(%scan3A_310 = %scan3A_106) -> (i32)  : i32 {
          %mul3A_311 = arith.constant 8 : i32
          %mul3A_312 = arith.muli %scan3A_309, %mul3A_311 : i32
          %add3A_313 = arith.constant 0 : i32
          %add3A_314 = arith.addi %mul3A_312, %add3A_313 : i32
          %mul3A_315 = arith.constant 49 : i32
          %mul3A_316 = arith.muli %add3A_314, %mul3A_315 : i32
          %add3A_317 = arith.addi %mul3A_316, %mul3A_105 : i32
          %get3A = arith.index_cast %add3A_317 : i32 to index
          %get3A_318 = tpu.vector_load %arg6[%get3A] {strides = array<i32>} : memref<28224xi32, #tpu.memory_space<vmem>>, vector<16xi32>,
          %shift_right_arithmetic3A_319 = arith.constant 24 : i32
          %shift_right_arithmetic3A_320 = vector.broadcast %shift_right_arithmetic3A_319 : i32 to vector<16xi32>
          %shift_right_arithmetic3A_321 = arith.shrsi %get3A_318, %shift_right_arithmetic3A_320 : vector<16xi32>
          %and3A_322 = arith.constant 255 : i32
          %and3A_323 = vector.broadcast %and3A_322 : i32 to vector<16xi32>
          %and3A_324 = arith.andi %shift_right_arithmetic3A_321, %and3A_323 : vector<16xi32>
          %xor3A_325 = arith.constant 128 : i32
          %xor3A_326 = vector.broadcast %xor3A_325 : i32 to vector<16xi32>
          %xor3A_327 = arith.xori %and3A_324, %xor3A_326 : vector<16xi32>
          %shift_left3A_328 = arith.constant 4 : i32
          %shift_left3A_329 = vector.broadcast %shift_left3A_328 : i32 to vector<16xi32>
          %shift_left3A_330 = arith.shli %xor3A_327, %shift_left3A_329 : vector<16xi32>
          %add3A_331 = arith.addi %shift_left3A_330, %iota3A : vector<16xi32>
          tpu.vector_store_idx %arg7[%add3A_331], %broadcast_in_dim3A_8 {add = true} : memref<4096xi32, #tpu.memory_space<vmem>>[vector<16xi32>], vector<16xi32>,
          %mul3A_332 = arith.constant 8 : i32
          %mul3A_333 = arith.muli %scan3A_309, %mul3A_332 : i32
          %add3A_334 = arith.constant 1 : i32
          %add3A_335 = arith.addi %mul3A_333, %add3A_334 : i32
          %mul3A_336 = arith.constant 49 : i32
          %mul3A_337 = arith.muli %add3A_335, %mul3A_336 : i32
          %add3A_338 = arith.addi %mul3A_337, %mul3A_105 : i32
          %get3A_339 = arith.index_cast %add3A_338 : i32 to index
          %get3A_340 = tpu.vector_load %arg6[%get3A_339] {strides = array<i32>} : memref<28224xi32, #tpu.memory_space<vmem>>, vector<16xi32>,
          %shift_right_arithmetic3A_341 = arith.constant 24 : i32
          %shift_right_arithmetic3A_342 = vector.broadcast %shift_right_arithmetic3A_341 : i32 to vector<16xi32>
          %shift_right_arithmetic3A_343 = arith.shrsi %get3A_340, %shift_right_arithmetic3A_342 : vector<16xi32>
          %and3A_344 = arith.constant 255 : i32
          %and3A_345 = vector.broadcast %and3A_344 : i32 to vector<16xi32>
          %and3A_346 = arith.andi %shift_right_arithmetic3A_343, %and3A_345 : vector<16xi32>
          %xor3A_347 = arith.constant 128 : i32
          %xor3A_348 = vector.broadcast %xor3A_347 : i32 to vector<16xi32>
          %xor3A_349 = arith.xori %and3A_346, %xor3A_348 : vector<16xi32>
          %shift_left3A_350 = arith.constant 4 : i32
          %shift_left3A_351 = vector.broadcast %shift_left3A_350 : i32 to vector<16xi32>
          %shift_left3A_352 = arith.shli %xor3A_349, %shift_left3A_351 : vector<16xi32>
          %add3A_353 = arith.addi %shift_left3A_352, %iota3A : vector<16xi32>
          tpu.vector_store_idx %arg7[%add3A_353], %broadcast_in_dim3A_8 {add = true} : memref<4096xi32, #tpu.memory_space<vmem>>[vector<16xi32>], vector<16xi32>,
          %mul3A_354 = arith.constant 8 : i32
          %mul3A_355 = arith.muli %scan3A_309, %mul3A_354 : i32
          %add3A_356 = arith.constant 2 : i32
          %add3A_357 = arith.addi %mul3A_355, %add3A_356 : i32
          %mul3A_358 = arith.constant 49 : i32
          %mul3A_359 = arith.muli %add3A_357, %mul3A_358 : i32
          %add3A_360 = arith.addi %mul3A_359, %mul3A_105 : i32
          %get3A_361 = arith.index_cast %add3A_360 : i32 to index
          %get3A_362 = tpu.vector_load %arg6[%get3A_361] {strides = array<i32>} : memref<28224xi32, #tpu.memory_space<vmem>>, vector<16xi32>,
          %shift_right_arithmetic3A_363 = arith.constant 24 : i32
          %shift_right_arithmetic3A_364 = vector.broadcast %shift_right_arithmetic3A_363 : i32 to vector<16xi32>
          %shift_right_arithmetic3A_365 = arith.shrsi %get3A_362, %shift_right_arithmetic3A_364 : vector<16xi32>
          %and3A_366 = arith.constant 255 : i32
          %and3A_367 = vector.broadcast %and3A_366 : i32 to vector<16xi32>
          %and3A_368 = arith.andi %shift_right_arithmetic3A_365, %and3A_367 : vector<16xi32>
          %xor3A_369 = arith.constant 128 : i32
          %xor3A_370 = vector.broadcast %xor3A_369 : i32 to vector<16xi32>
          %xor3A_371 = arith.xori %and3A_368, %xor3A_370 : vector<16xi32>
          %shift_left3A_372 = arith.constant 4 : i32
          %shift_left3A_373 = vector.broadcast %shift_left3A_372 : i32 to vector<16xi32>
          %shift_left3A_374 = arith.shli %xor3A_371, %shift_left3A_373 : vector<16xi32>
          %add3A_375 = arith.addi %shift_left3A_374, %iota3A : vector<16xi32>
          tpu.vector_store_idx %arg7[%add3A_375], %broadcast_in_dim3A_8 {add = true} : memref<4096xi32, #tpu.memory_space<vmem>>[vector<16xi32>], vector<16xi32>,
          %mul3A_376 = arith.constant 8 : i32
          %mul3A_377 = arith.muli %scan3A_309, %mul3A_376 : i32
          %add3A_378 = arith.constant 3 : i32
          %add3A_379 = arith.addi %mul3A_377, %add3A_378 : i32
          %mul3A_380 = arith.constant 49 : i32
          %mul3A_381 = arith.muli %add3A_379, %mul3A_380 : i32
          %add3A_382 = arith.addi %mul3A_381, %mul3A_105 : i32
          %get3A_383 = arith.index_cast %add3A_382 : i32 to index
          %get3A_384 = tpu.vector_load %arg6[%get3A_383] {strides = array<i32>} : memref<28224xi32, #tpu.memory_space<vmem>>, vector<16xi32>,
          %shift_right_arithmetic3A_385 = arith.constant 24 : i32
          %shift_right_arithmetic3A_386 = vector.broadcast %shift_right_arithmetic3A_385 : i32 to vector<16xi32>
          %shift_right_arithmetic3A_387 = arith.shrsi %get3A_384, %shift_right_arithmetic3A_386 : vector<16xi32>
          %and3A_388 = arith.constant 255 : i32
          %and3A_389 = vector.broadcast %and3A_388 : i32 to vector<16xi32>
          %and3A_390 = arith.andi %shift_right_arithmetic3A_387, %and3A_389 : vector<16xi32>
          %xor3A_391 = arith.constant 128 : i32
          %xor3A_392 = vector.broadcast %xor3A_391 : i32 to vector<16xi32>
          %xor3A_393 = arith.xori %and3A_390, %xor3A_392 : vector<16xi32>
          %shift_left3A_394 = arith.constant 4 : i32
          %shift_left3A_395 = vector.broadcast %shift_left3A_394 : i32 to vector<16xi32>
          %shift_left3A_396 = arith.shli %xor3A_393, %shift_left3A_395 : vector<16xi32>
          %add3A_397 = arith.addi %shift_left3A_396, %iota3A : vector<16xi32>
          tpu.vector_store_idx %arg7[%add3A_397], %broadcast_in_dim3A_8 {add = true} : memref<4096xi32, #tpu.memory_space<vmem>>[vector<16xi32>], vector<16xi32>,
          %mul3A_398 = arith.constant 8 : i32
          %mul3A_399 = arith.muli %scan3A_309, %mul3A_398 : i32
          %add3A_400 = arith.constant 4 : i32
          %add3A_401 = arith.addi %mul3A_399, %add3A_400 : i32
          %mul3A_402 = arith.constant 49 : i32
          %mul3A_403 = arith.muli %add3A_401, %mul3A_402 : i32
          %add3A_404 = arith.addi %mul3A_403, %mul3A_105 : i32
          %get3A_405 = arith.index_cast %add3A_404 : i32 to index
          %get3A_406 = tpu.vector_load %arg6[%get3A_405] {strides = array<i32>} : memref<28224xi32, #tpu.memory_space<vmem>>, vector<16xi32>,
          %shift_right_arithmetic3A_407 = arith.constant 24 : i32
          %shift_right_arithmetic3A_408 = vector.broadcast %shift_right_arithmetic3A_407 : i32 to vector<16xi32>
          %shift_right_arithmetic3A_409 = arith.shrsi %get3A_406, %shift_right_arithmetic3A_408 : vector<16xi32>
          %and3A_410 = arith.constant 255 : i32
          %and3A_411 = vector.broadcast %and3A_410 : i32 to vector<16xi32>
          %and3A_412 = arith.andi %shift_right_arithmetic3A_409, %and3A_411 : vector<16xi32>
          %xor3A_413 = arith.constant 128 : i32
          %xor3A_414 = vector.broadcast %xor3A_413 : i32 to vector<16xi32>
          %xor3A_415 = arith.xori %and3A_412, %xor3A_414 : vector<16xi32>
          %shift_left3A_416 = arith.constant 4 : i32
          %shift_left3A_417 = vector.broadcast %shift_left3A_416 : i32 to vector<16xi32>
          %shift_left3A_418 = arith.shli %xor3A_415, %shift_left3A_417 : vector<16xi32>
          %add3A_419 = arith.addi %shift_left3A_418, %iota3A : vector<16xi32>
          tpu.vector_store_idx %arg7[%add3A_419], %broadcast_in_dim3A_8 {add = true} : memref<4096xi32, #tpu.memory_space<vmem>>[vector<16xi32>], vector<16xi32>,
          %mul3A_420 = arith.constant 8 : i32
          %mul3A_421 = arith.muli %scan3A_309, %mul3A_420 : i32
          %add3A_422 = arith.constant 5 : i32
          %add3A_423 = arith.addi %mul3A_421, %add3A_422 : i32
          %mul3A_424 = arith.constant 49 : i32
          %mul3A_425 = arith.muli %add3A_423, %mul3A_424 : i32
          %add3A_426 = arith.addi %mul3A_425, %mul3A_105 : i32
          %get3A_427 = arith.index_cast %add3A_426 : i32 to index
          %get3A_428 = tpu.vector_load %arg6[%get3A_427] {strides = array<i32>} : memref<28224xi32, #tpu.memory_space<vmem>>, vector<16xi32>,
          %shift_right_arithmetic3A_429 = arith.constant 24 : i32
          %shift_right_arithmetic3A_430 = vector.broadcast %shift_right_arithmetic3A_429 : i32 to vector<16xi32>
          %shift_right_arithmetic3A_431 = arith.shrsi %get3A_428, %shift_right_arithmetic3A_430 : vector<16xi32>
          %and3A_432 = arith.constant 255 : i32
          %and3A_433 = vector.broadcast %and3A_432 : i32 to vector<16xi32>
          %and3A_434 = arith.andi %shift_right_arithmetic3A_431, %and3A_433 : vector<16xi32>
          %xor3A_435 = arith.constant 128 : i32
          %xor3A_436 = vector.broadcast %xor3A_435 : i32 to vector<16xi32>
          %xor3A_437 = arith.xori %and3A_434, %xor3A_436 : vector<16xi32>
          %shift_left3A_438 = arith.constant 4 : i32
          %shift_left3A_439 = vector.broadcast %shift_left3A_438 : i32 to vector<16xi32>
          %shift_left3A_440 = arith.shli %xor3A_437, %shift_left3A_439 : vector<16xi32>
          %add3A_441 = arith.addi %shift_left3A_440, %iota3A : vector<16xi32>
          tpu.vector_store_idx %arg7[%add3A_441], %broadcast_in_dim3A_8 {add = true} : memref<4096xi32, #tpu.memory_space<vmem>>[vector<16xi32>], vector<16xi32>,
          %mul3A_442 = arith.constant 8 : i32
          %mul3A_443 = arith.muli %scan3A_309, %mul3A_442 : i32
          %add3A_444 = arith.constant 6 : i32
          %add3A_445 = arith.addi %mul3A_443, %add3A_444 : i32
          %mul3A_446 = arith.constant 49 : i32
          %mul3A_447 = arith.muli %add3A_445, %mul3A_446 : i32
          %add3A_448 = arith.addi %mul3A_447, %mul3A_105 : i32
          %get3A_449 = arith.index_cast %add3A_448 : i32 to index
          %get3A_450 = tpu.vector_load %arg6[%get3A_449] {strides = array<i32>} : memref<28224xi32, #tpu.memory_space<vmem>>, vector<16xi32>,
          %shift_right_arithmetic3A_451 = arith.constant 24 : i32
          %shift_right_arithmetic3A_452 = vector.broadcast %shift_right_arithmetic3A_451 : i32 to vector<16xi32>
          %shift_right_arithmetic3A_453 = arith.shrsi %get3A_450, %shift_right_arithmetic3A_452 : vector<16xi32>
          %and3A_454 = arith.constant 255 : i32
          %and3A_455 = vector.broadcast %and3A_454 : i32 to vector<16xi32>
          %and3A_456 = arith.andi %shift_right_arithmetic3A_453, %and3A_455 : vector<16xi32>
          %xor3A_457 = arith.constant 128 : i32
          %xor3A_458 = vector.broadcast %xor3A_457 : i32 to vector<16xi32>
          %xor3A_459 = arith.xori %and3A_456, %xor3A_458 : vector<16xi32>
          %shift_left3A_460 = arith.constant 4 : i32
          %shift_left3A_461 = vector.broadcast %shift_left3A_460 : i32 to vector<16xi32>
          %shift_left3A_462 = arith.shli %xor3A_459, %shift_left3A_461 : vector<16xi32>
          %add3A_463 = arith.addi %shift_left3A_462, %iota3A : vector<16xi32>
          tpu.vector_store_idx %arg7[%add3A_463], %broadcast_in_dim3A_8 {add = true} : memref<4096xi32, #tpu.memory_space<vmem>>[vector<16xi32>], vector<16xi32>,
          %mul3A_464 = arith.constant 8 : i32
          %mul3A_465 = arith.muli %scan3A_309, %mul3A_464 : i32
          %add3A_466 = arith.constant 7 : i32
          %add3A_467 = arith.addi %mul3A_465, %add3A_466 : i32
          %mul3A_468 = arith.constant 49 : i32
          %mul3A_469 = arith.muli %add3A_467, %mul3A_468 : i32
          %add3A_470 = arith.addi %mul3A_469, %mul3A_105 : i32
          %get3A_471 = arith.index_cast %add3A_470 : i32 to index
          %get3A_472 = tpu.vector_load %arg6[%get3A_471] {strides = array<i32>} : memref<28224xi32, #tpu.memory_space<vmem>>, vector<16xi32>,
          %shift_right_arithmetic3A_473 = arith.constant 24 : i32
          %shift_right_arithmetic3A_474 = vector.broadcast %shift_right_arithmetic3A_473 : i32 to vector<16xi32>
          %shift_right_arithmetic3A_475 = arith.shrsi %get3A_472, %shift_right_arithmetic3A_474 : vector<16xi32>
          %and3A_476 = arith.constant 255 : i32
          %and3A_477 = vector.broadcast %and3A_476 : i32 to vector<16xi32>
          %and3A_478 = arith.andi %shift_right_arithmetic3A_475, %and3A_477 : vector<16xi32>
          %xor3A_479 = arith.constant 128 : i32
          %xor3A_480 = vector.broadcast %xor3A_479 : i32 to vector<16xi32>
          %xor3A_481 = arith.xori %and3A_478, %xor3A_480 : vector<16xi32>
          %shift_left3A_482 = arith.constant 4 : i32
          %shift_left3A_483 = vector.broadcast %shift_left3A_482 : i32 to vector<16xi32>
          %shift_left3A_484 = arith.shli %xor3A_481, %shift_left3A_483 : vector<16xi32>
          %add3A_485 = arith.addi %shift_left3A_484, %iota3A : vector<16xi32>
          tpu.vector_store_idx %arg7[%add3A_485], %broadcast_in_dim3A_8 {add = true} : memref<4096xi32, #tpu.memory_space<vmem>>[vector<16xi32>], vector<16xi32>,
          %scan3A_486 = arith.constant 0 : i32
          scf.yield %scan3A_486 : i32
        }
        %scan3A_112 = arith.constant 72 : i32
        %scan3A_113 = arith.constant 0 : i32
        %scan3A_114 = arith.constant 64 : i32
        %scan3A_115 = arith.addi %scan3A_113, %scan3A_114 : i32
        %scan3A_116 = arith.constant 1 : i32
        %scan3A_117:4 = scf.for %scan3A_309 = %scan3A_113 to %scan3A_115 step %scan3A_116 iter_args(%scan3A_310 = %broadcast_in_dim3A_6, %scan3A_311 = %broadcast_in_dim3A_6, %scan3A_312 = %broadcast_in_dim3A_6, %scan3A_313 = %broadcast_in_dim3A_6) -> (vector<16xi32>, vector<16xi32>, vector<16xi32>, vector<16xi32>)  : i32 {
          %mul3A_314 = arith.constant 4 : i32
          %mul3A_315 = arith.muli %scan3A_309, %mul3A_314 : i32
          %add3A_316 = arith.constant 0 : i32
          %add3A_317 = arith.addi %mul3A_315, %add3A_316 : i32
          %mul3A_318 = arith.constant 16 : i32
          %mul3A_319 = arith.muli %add3A_317, %mul3A_318 : i32
          %get3A = arith.index_cast %mul3A_319 : i32 to index
          %get3A_320 = tpu.vector_load %arg7[%get3A] {strides = array<i32>} : memref<4096xi32, #tpu.memory_space<vmem>>, vector<16xi32>,
          %swap3A_321 = arith.index_cast %mul3A_319 : i32 to index
          %swap3A_322 = tpu.vector_load %arg7[%swap3A_321] {strides = array<i32>} : memref<4096xi32, #tpu.memory_space<vmem>>, vector<16xi32>,
          tpu.vector_store %arg7[%swap3A_321], %broadcast_in_dim3A_6 {strides = array<i32>} : memref<4096xi32, #tpu.memory_space<vmem>>, vector<16xi32>,
          %add3A_323 = arith.addi %scan3A_310, %get3A_320 : vector<16xi32>
          %swap3A_324 = arith.index_cast %mul3A_319 : i32 to index
          %swap3A_325 = tpu.vector_load %arg9[%swap3A_324] {strides = array<i32>} : memref<4096xi32, #tpu.memory_space<vmem>>, vector<16xi32>,
          tpu.vector_store %arg9[%swap3A_324], %add3A_323 {strides = array<i32>} : memref<4096xi32, #tpu.memory_space<vmem>>, vector<16xi32>,
          %sub3A_326 = arith.subi %broadcast_in_dim3A_10, %add3A_323 : vector<16xi32>
          %ge3A = arith.cmpi sge, %sub3A_326, %broadcast_in_dim3A_12 : vector<16xi32>
          %jit3A_327 = arith.constant 1 : i32
          %jit3A_328 = arith.constant 0 : i32
          %broadcast_in_dim3A_329 = vector.broadcast %jit3A_327 : i32 to vector<16xi32>
          %broadcast_in_dim3A_330 = vector.broadcast %jit3A_328 : i32 to vector<16xi32>
          %select_n3A_331 = arith.select %ge3A, %broadcast_in_dim3A_329, %broadcast_in_dim3A_330 : vector<16xi1>, vector<16xi32>
          %add3A_332 = arith.addi %scan3A_312, %select_n3A_331 : vector<16xi32>
          %lt3A_333 = arith.cmpi slt, %add3A_323, %broadcast_in_dim3A_12 : vector<16xi32>
          %jit3A_334 = arith.constant 1 : i32
          %jit3A_335 = arith.constant 0 : i32
          %broadcast_in_dim3A_336 = vector.broadcast %jit3A_334 : i32 to vector<16xi32>
          %broadcast_in_dim3A_337 = vector.broadcast %jit3A_335 : i32 to vector<16xi32>
          %select_n3A_338 = arith.select %lt3A_333, %broadcast_in_dim3A_336, %broadcast_in_dim3A_337 : vector<16xi1>, vector<16xi32>
          %add3A_339 = arith.addi %scan3A_313, %select_n3A_338 : vector<16xi32>
          %mul3A_340 = arith.constant 4 : i32
          %mul3A_341 = arith.muli %scan3A_309, %mul3A_340 : i32
          %add3A_342 = arith.constant 1 : i32
          %add3A_343 = arith.addi %mul3A_341, %add3A_342 : i32
          %mul3A_344 = arith.constant 16 : i32
          %mul3A_345 = arith.muli %add3A_343, %mul3A_344 : i32
          %get3A_346 = arith.index_cast %mul3A_345 : i32 to index
          %get3A_347 = tpu.vector_load %arg7[%get3A_346] {strides = array<i32>} : memref<4096xi32, #tpu.memory_space<vmem>>, vector<16xi32>,
          %swap3A_348 = arith.index_cast %mul3A_345 : i32 to index
          %swap3A_349 = tpu.vector_load %arg7[%swap3A_348] {strides = array<i32>} : memref<4096xi32, #tpu.memory_space<vmem>>, vector<16xi32>,
          tpu.vector_store %arg7[%swap3A_348], %broadcast_in_dim3A_6 {strides = array<i32>} : memref<4096xi32, #tpu.memory_space<vmem>>, vector<16xi32>,
          %add3A_350 = arith.addi %add3A_323, %get3A_347 : vector<16xi32>
          %swap3A_351 = arith.index_cast %mul3A_345 : i32 to index
          %swap3A_352 = tpu.vector_load %arg9[%swap3A_351] {strides = array<i32>} : memref<4096xi32, #tpu.memory_space<vmem>>, vector<16xi32>,
          tpu.vector_store %arg9[%swap3A_351], %add3A_350 {strides = array<i32>} : memref<4096xi32, #tpu.memory_space<vmem>>, vector<16xi32>,
          %sub3A_353 = arith.subi %broadcast_in_dim3A_10, %add3A_350 : vector<16xi32>
          %ge3A_354 = arith.cmpi sge, %sub3A_353, %broadcast_in_dim3A_12 : vector<16xi32>
          %jit3A_355 = arith.constant 1 : i32
          %jit3A_356 = arith.constant 0 : i32
          %broadcast_in_dim3A_357 = vector.broadcast %jit3A_355 : i32 to vector<16xi32>
          %broadcast_in_dim3A_358 = vector.broadcast %jit3A_356 : i32 to vector<16xi32>
          %select_n3A_359 = arith.select %ge3A_354, %broadcast_in_dim3A_357, %broadcast_in_dim3A_358 : vector<16xi1>, vector<16xi32>
          %add3A_360 = arith.addi %add3A_332, %select_n3A_359 : vector<16xi32>
          %lt3A_361 = arith.cmpi slt, %add3A_350, %broadcast_in_dim3A_12 : vector<16xi32>
          %jit3A_362 = arith.constant 1 : i32
          %jit3A_363 = arith.constant 0 : i32
          %broadcast_in_dim3A_364 = vector.broadcast %jit3A_362 : i32 to vector<16xi32>
          %broadcast_in_dim3A_365 = vector.broadcast %jit3A_363 : i32 to vector<16xi32>
          %select_n3A_366 = arith.select %lt3A_361, %broadcast_in_dim3A_364, %broadcast_in_dim3A_365 : vector<16xi1>, vector<16xi32>
          %add3A_367 = arith.addi %add3A_339, %select_n3A_366 : vector<16xi32>
          %mul3A_368 = arith.constant 4 : i32
          %mul3A_369 = arith.muli %scan3A_309, %mul3A_368 : i32
          %add3A_370 = arith.constant 2 : i32
          %add3A_371 = arith.addi %mul3A_369, %add3A_370 : i32
          %mul3A_372 = arith.constant 16 : i32
          %mul3A_373 = arith.muli %add3A_371, %mul3A_372 : i32
          %get3A_374 = arith.index_cast %mul3A_373 : i32 to index
          %get3A_375 = tpu.vector_load %arg7[%get3A_374] {strides = array<i32>} : memref<4096xi32, #tpu.memory_space<vmem>>, vector<16xi32>,
          %swap3A_376 = arith.index_cast %mul3A_373 : i32 to index
          %swap3A_377 = tpu.vector_load %arg7[%swap3A_376] {strides = array<i32>} : memref<4096xi32, #tpu.memory_space<vmem>>, vector<16xi32>,
          tpu.vector_store %arg7[%swap3A_376], %broadcast_in_dim3A_6 {strides = array<i32>} : memref<4096xi32, #tpu.memory_space<vmem>>, vector<16xi32>,
          %add3A_378 = arith.addi %add3A_350, %get3A_375 : vector<16xi32>
          %swap3A_379 = arith.index_cast %mul3A_373 : i32 to index
          %swap3A_380 = tpu.vector_load %arg9[%swap3A_379] {strides = array<i32>} : memref<4096xi32, #tpu.memory_space<vmem>>, vector<16xi32>,
          tpu.vector_store %arg9[%swap3A_379], %add3A_378 {strides = array<i32>} : memref<4096xi32, #tpu.memory_space<vmem>>, vector<16xi32>,
          %sub3A_381 = arith.subi %broadcast_in_dim3A_10, %add3A_378 : vector<16xi32>
          %ge3A_382 = arith.cmpi sge, %sub3A_381, %broadcast_in_dim3A_12 : vector<16xi32>
          %jit3A_383 = arith.constant 1 : i32
          %jit3A_384 = arith.constant 0 : i32
          %broadcast_in_dim3A_385 = vector.broadcast %jit3A_383 : i32 to vector<16xi32>
          %broadcast_in_dim3A_386 = vector.broadcast %jit3A_384 : i32 to vector<16xi32>
          %select_n3A_387 = arith.select %ge3A_382, %broadcast_in_dim3A_385, %broadcast_in_dim3A_386 : vector<16xi1>, vector<16xi32>
          %add3A_388 = arith.addi %add3A_360, %select_n3A_387 : vector<16xi32>
          %lt3A_389 = arith.cmpi slt, %add3A_378, %broadcast_in_dim3A_12 : vector<16xi32>
          %jit3A_390 = arith.constant 1 : i32
          %jit3A_391 = arith.constant 0 : i32
          %broadcast_in_dim3A_392 = vector.broadcast %jit3A_390 : i32 to vector<16xi32>
          %broadcast_in_dim3A_393 = vector.broadcast %jit3A_391 : i32 to vector<16xi32>
          %select_n3A_394 = arith.select %lt3A_389, %broadcast_in_dim3A_392, %broadcast_in_dim3A_393 : vector<16xi1>, vector<16xi32>
          %add3A_395 = arith.addi %add3A_367, %select_n3A_394 : vector<16xi32>
          %mul3A_396 = arith.constant 4 : i32
          %mul3A_397 = arith.muli %scan3A_309, %mul3A_396 : i32
          %add3A_398 = arith.constant 3 : i32
          %add3A_399 = arith.addi %mul3A_397, %add3A_398 : i32
          %mul3A_400 = arith.constant 16 : i32
          %mul3A_401 = arith.muli %add3A_399, %mul3A_400 : i32
          %get3A_402 = arith.index_cast %mul3A_401 : i32 to index
          %get3A_403 = tpu.vector_load %arg7[%get3A_402] {strides = array<i32>} : memref<4096xi32, #tpu.memory_space<vmem>>, vector<16xi32>,
          %swap3A_404 = arith.index_cast %mul3A_401 : i32 to index
          %swap3A_405 = tpu.vector_load %arg7[%swap3A_404] {strides = array<i32>} : memref<4096xi32, #tpu.memory_space<vmem>>, vector<16xi32>,
          tpu.vector_store %arg7[%swap3A_404], %broadcast_in_dim3A_6 {strides = array<i32>} : memref<4096xi32, #tpu.memory_space<vmem>>, vector<16xi32>,
          %add3A_406 = arith.addi %add3A_378, %get3A_403 : vector<16xi32>
          %swap3A_407 = arith.index_cast %mul3A_401 : i32 to index
          %swap3A_408 = tpu.vector_load %arg9[%swap3A_407] {strides = array<i32>} : memref<4096xi32, #tpu.memory_space<vmem>>, vector<16xi32>,
          tpu.vector_store %arg9[%swap3A_407], %add3A_406 {strides = array<i32>} : memref<4096xi32, #tpu.memory_space<vmem>>, vector<16xi32>,
          %sub3A_409 = arith.subi %broadcast_in_dim3A_10, %add3A_406 : vector<16xi32>
          %ge3A_410 = arith.cmpi sge, %sub3A_409, %broadcast_in_dim3A_12 : vector<16xi32>
          %jit3A_411 = arith.constant 1 : i32
          %jit3A_412 = arith.constant 0 : i32
          %broadcast_in_dim3A_413 = vector.broadcast %jit3A_411 : i32 to vector<16xi32>
          %broadcast_in_dim3A_414 = vector.broadcast %jit3A_412 : i32 to vector<16xi32>
          %select_n3A_415 = arith.select %ge3A_410, %broadcast_in_dim3A_413, %broadcast_in_dim3A_414 : vector<16xi1>, vector<16xi32>
          %add3A_416 = arith.addi %add3A_388, %select_n3A_415 : vector<16xi32>
          %lt3A_417 = arith.cmpi slt, %add3A_406, %broadcast_in_dim3A_12 : vector<16xi32>
          %jit3A_418 = arith.constant 1 : i32
          %jit3A_419 = arith.constant 0 : i32
          %broadcast_in_dim3A_420 = vector.broadcast %jit3A_418 : i32 to vector<16xi32>
          %broadcast_in_dim3A_421 = vector.broadcast %jit3A_419 : i32 to vector<16xi32>
          %select_n3A_422 = arith.select %lt3A_417, %broadcast_in_dim3A_420, %broadcast_in_dim3A_421 : vector<16xi1>, vector<16xi32>
          %add3A_423 = arith.addi %add3A_395, %select_n3A_422 : vector<16xi32>
          scf.yield %add3A_406, %add3A_406, %add3A_416, %add3A_423 : vector<16xi32>, vector<16xi32>, vector<16xi32>, vector<16xi32>
        }
        %scan3A_118 = arith.constant 64 : i32
        %shift_left3A = arith.constant 4 : i32
        %shift_left3A_119 = vector.broadcast %shift_left3A : i32 to vector<16xi32>
        %shift_left3A_120 = arith.shli %scan3A_117#2, %shift_left3A_119 : vector<16xi32>
        %add3A_121 = arith.addi %shift_left3A_120, %iota3A : vector<16xi32>
        %gather3A = tpu.vector_load_idx %arg9[%add3A_121] : memref<4096xi32, #tpu.memory_space<vmem>>[vector<16xi32>], vector<16xi32>,
        %sub3A = arith.constant 1 : i32
        %sub3A_122 = vector.broadcast %sub3A : i32 to vector<16xi32>
        %sub3A_123 = arith.subi %scan3A_117#2, %sub3A_122 : vector<16xi32>
        %max3A = arith.constant 0 : i32
        %max3A_124 = vector.broadcast %max3A : i32 to vector<16xi32>
        %max3A_125 = arith.maxsi %sub3A_123, %max3A_124 : vector<16xi32>
        %shift_left3A_126 = arith.constant 4 : i32
        %shift_left3A_127 = vector.broadcast %shift_left3A_126 : i32 to vector<16xi32>
        %shift_left3A_128 = arith.shli %max3A_125, %shift_left3A_127 : vector<16xi32>
        %add3A_129 = arith.addi %shift_left3A_128, %iota3A : vector<16xi32>
        %gather3A_130 = tpu.vector_load_idx %arg9[%add3A_129] : memref<4096xi32, #tpu.memory_space<vmem>>[vector<16xi32>], vector<16xi32>,
        %gt3A = arith.constant 0 : i32
        %gt3A_131 = vector.broadcast %gt3A : i32 to vector<16xi32>
        %gt3A_132 = arith.cmpi sgt, %scan3A_117#2, %gt3A_131 : vector<16xi32>
        %jit3A = arith.constant 0 : i32
        %broadcast_in_dim3A_133 = vector.broadcast %jit3A : i32 to vector<16xi32>
        %select_n3A = arith.select %gt3A_132, %gather3A_130, %broadcast_in_dim3A_133 : vector<16xi1>, vector<16xi32>
        %shift_left3A_134 = arith.constant 4 : i32
        %shift_left3A_135 = vector.broadcast %shift_left3A_134 : i32 to vector<16xi32>
        %shift_left3A_136 = arith.shli %scan3A_117#3, %shift_left3A_135 : vector<16xi32>
        %add3A_137 = arith.addi %shift_left3A_136, %iota3A : vector<16xi32>
        %gather3A_138 = tpu.vector_load_idx %arg9[%add3A_137] : memref<4096xi32, #tpu.memory_space<vmem>>[vector<16xi32>], vector<16xi32>,
        %sub3A_139 = arith.constant 1 : i32
        %sub3A_140 = vector.broadcast %sub3A_139 : i32 to vector<16xi32>
        %sub3A_141 = arith.subi %scan3A_117#3, %sub3A_140 : vector<16xi32>
        %max3A_142 = arith.constant 0 : i32
        %max3A_143 = vector.broadcast %max3A_142 : i32 to vector<16xi32>
        %max3A_144 = arith.maxsi %sub3A_141, %max3A_143 : vector<16xi32>
        %shift_left3A_145 = arith.constant 4 : i32
        %shift_left3A_146 = vector.broadcast %shift_left3A_145 : i32 to vector<16xi32>
        %shift_left3A_147 = arith.shli %max3A_144, %shift_left3A_146 : vector<16xi32>
        %add3A_148 = arith.addi %shift_left3A_147, %iota3A : vector<16xi32>
        %gather3A_149 = tpu.vector_load_idx %arg9[%add3A_148] : memref<4096xi32, #tpu.memory_space<vmem>>[vector<16xi32>], vector<16xi32>,
        %gt3A_150 = arith.constant 0 : i32
        %gt3A_151 = vector.broadcast %gt3A_150 : i32 to vector<16xi32>
        %gt3A_152 = arith.cmpi sgt, %scan3A_117#3, %gt3A_151 : vector<16xi32>
        %jit3A_153 = arith.constant 0 : i32
        %broadcast_in_dim3A_154 = vector.broadcast %jit3A_153 : i32 to vector<16xi32>
        %select_n3A_155 = arith.select %gt3A_152, %gather3A_149, %broadcast_in_dim3A_154 : vector<16xi1>, vector<16xi32>
        %sub3A_156 = arith.subi %broadcast_in_dim3A_10, %gather3A : vector<16xi32>
        %sub3A_157 = arith.subi %broadcast_in_dim3A_12, %sub3A_156 : vector<16xi32>
        %sub3A_158 = arith.subi %gather3A, %select_n3A : vector<16xi32>
        %sub3A_159 = arith.subi %broadcast_in_dim3A_12, %select_n3A_155 : vector<16xi32>
        %sub3A_160 = arith.subi %gather3A_138, %select_n3A_155 : vector<16xi32>
        %xor3A = arith.constant 128 : i32
        %xor3A_161 = vector.broadcast %xor3A : i32 to vector<16xi32>
        %xor3A_162 = arith.xori %scan3A_117#2, %xor3A_161 : vector<16xi32>
        %shift_left3A_163 = arith.constant 24 : i32
        %shift_left3A_164 = vector.broadcast %shift_left3A_163 : i32 to vector<16xi32>
        %shift_left3A_165 = arith.shli %xor3A_162, %shift_left3A_164 : vector<16xi32>
        %shift_right_arithmetic3A = arith.constant 24 : i32
        %shift_right_arithmetic3A_166 = vector.broadcast %shift_right_arithmetic3A : i32 to vector<16xi32>
        %shift_right_arithmetic3A_167 = arith.shrsi %shift_left3A_165, %shift_right_arithmetic3A_166 : vector<16xi32>
        %xor3A_168 = arith.constant 128 : i32
        %xor3A_169 = vector.broadcast %xor3A_168 : i32 to vector<16xi32>
        %xor3A_170 = arith.xori %scan3A_117#3, %xor3A_169 : vector<16xi32>
        %shift_left3A_171 = arith.constant 24 : i32
        %shift_left3A_172 = vector.broadcast %shift_left3A_171 : i32 to vector<16xi32>
        %shift_left3A_173 = arith.shli %xor3A_170, %shift_left3A_172 : vector<16xi32>
        %shift_right_arithmetic3A_174 = arith.constant 24 : i32
        %shift_right_arithmetic3A_175 = vector.broadcast %shift_right_arithmetic3A_174 : i32 to vector<16xi32>
        %shift_right_arithmetic3A_176 = arith.shrsi %shift_left3A_173, %shift_right_arithmetic3A_175 : vector<16xi32>
        %scan3A_177 = arith.constant 0 : i32
        %scan3A_178 = arith.constant 0 : i32
        %scan3A_179 = arith.constant 72 : i32
        %scan3A_180 = arith.addi %scan3A_178, %scan3A_179 : i32
        %scan3A_181 = arith.constant 1 : i32
        %scan3A_182 = scf.for %scan3A_309 = %scan3A_178 to %scan3A_180 step %scan3A_181 iter_args(%scan3A_310 = %scan3A_177) -> (i32)  : i32 {
          %mul3A_311 = arith.constant 8 : i32
          %mul3A_312 = arith.muli %scan3A_309, %mul3A_311 : i32
          %add3A_313 = arith.constant 0 : i32
          %add3A_314 = arith.addi %mul3A_312, %add3A_313 : i32
          %mul3A_315 = arith.constant 49 : i32
          %mul3A_316 = arith.muli %add3A_314, %mul3A_315 : i32
          %add3A_317 = arith.addi %mul3A_316, %mul3A_105 : i32
          %get3A = arith.index_cast %add3A_317 : i32 to index
          %get3A_318 = tpu.vector_load %arg6[%get3A] {strides = array<i32>} : memref<28224xi32, #tpu.memory_space<vmem>>, vector<16xi32>,
          %shift_right_arithmetic3A_319 = arith.constant 16 : i32
          %shift_right_arithmetic3A_320 = vector.broadcast %shift_right_arithmetic3A_319 : i32 to vector<16xi32>
          %shift_right_arithmetic3A_321 = arith.shrsi %get3A_318, %shift_right_arithmetic3A_320 : vector<16xi32>
          %and3A_322 = arith.constant 255 : i32
          %and3A_323 = vector.broadcast %and3A_322 : i32 to vector<16xi32>
          %and3A_324 = arith.andi %shift_right_arithmetic3A_321, %and3A_323 : vector<16xi32>
          %shift_left3A_325 = arith.constant 4 : i32
          %shift_left3A_326 = vector.broadcast %shift_left3A_325 : i32 to vector<16xi32>
          %shift_left3A_327 = arith.shli %and3A_324, %shift_left3A_326 : vector<16xi32>
          %add3A_328 = arith.addi %shift_left3A_327, %iota3A : vector<16xi32>
          %shift_right_arithmetic3A_329 = arith.constant 24 : i32
          %shift_right_arithmetic3A_330 = vector.broadcast %shift_right_arithmetic3A_329 : i32 to vector<16xi32>
          %shift_right_arithmetic3A_331 = arith.shrsi %get3A_318, %shift_right_arithmetic3A_330 : vector<16xi32>
          %eq3A = arith.cmpi eq, %shift_right_arithmetic3A_331, %shift_right_arithmetic3A_167 : vector<16xi32>
          tpu.vector_store_idx %arg7[%add3A_328], %broadcast_in_dim3A_8 masked %eq3A {add = true} : memref<4096xi32, #tpu.memory_space<vmem>>[vector<16xi32>], vector<16xi32>, vector<16xi1>
          %eq3A_332 = arith.cmpi eq, %shift_right_arithmetic3A_331, %shift_right_arithmetic3A_176 : vector<16xi32>
          tpu.vector_store_idx %arg8[%add3A_328], %broadcast_in_dim3A_8 masked %eq3A_332 {add = true} : memref<4096xi32, #tpu.memory_space<vmem>>[vector<16xi32>], vector<16xi32>, vector<16xi1>
          %mul3A_333 = arith.constant 8 : i32
          %mul3A_334 = arith.muli %scan3A_309, %mul3A_333 : i32
          %add3A_335 = arith.constant 1 : i32
          %add3A_336 = arith.addi %mul3A_334, %add3A_335 : i32
          %mul3A_337 = arith.constant 49 : i32
          %mul3A_338 = arith.muli %add3A_336, %mul3A_337 : i32
          %add3A_339 = arith.addi %mul3A_338, %mul3A_105 : i32
          %get3A_340 = arith.index_cast %add3A_339 : i32 to index
          %get3A_341 = tpu.vector_load %arg6[%get3A_340] {strides = array<i32>} : memref<28224xi32, #tpu.memory_space<vmem>>, vector<16xi32>,
          %shift_right_arithmetic3A_342 = arith.constant 16 : i32
          %shift_right_arithmetic3A_343 = vector.broadcast %shift_right_arithmetic3A_342 : i32 to vector<16xi32>
          %shift_right_arithmetic3A_344 = arith.shrsi %get3A_341, %shift_right_arithmetic3A_343 : vector<16xi32>
          %and3A_345 = arith.constant 255 : i32
          %and3A_346 = vector.broadcast %and3A_345 : i32 to vector<16xi32>
          %and3A_347 = arith.andi %shift_right_arithmetic3A_344, %and3A_346 : vector<16xi32>
          %shift_left3A_348 = arith.constant 4 : i32
          %shift_left3A_349 = vector.broadcast %shift_left3A_348 : i32 to vector<16xi32>
          %shift_left3A_350 = arith.shli %and3A_347, %shift_left3A_349 : vector<16xi32>
          %add3A_351 = arith.addi %shift_left3A_350, %iota3A : vector<16xi32>
          %shift_right_arithmetic3A_352 = arith.constant 24 : i32
          %shift_right_arithmetic3A_353 = vector.broadcast %shift_right_arithmetic3A_352 : i32 to vector<16xi32>
          %shift_right_arithmetic3A_354 = arith.shrsi %get3A_341, %shift_right_arithmetic3A_353 : vector<16xi32>
          %eq3A_355 = arith.cmpi eq, %shift_right_arithmetic3A_354, %shift_right_arithmetic3A_167 : vector<16xi32>
          tpu.vector_store_idx %arg7[%add3A_351], %broadcast_in_dim3A_8 masked %eq3A_355 {add = true} : memref<4096xi32, #tpu.memory_space<vmem>>[vector<16xi32>], vector<16xi32>, vector<16xi1>
          %eq3A_356 = arith.cmpi eq, %shift_right_arithmetic3A_354, %shift_right_arithmetic3A_176 : vector<16xi32>
          tpu.vector_store_idx %arg8[%add3A_351], %broadcast_in_dim3A_8 masked %eq3A_356 {add = true} : memref<4096xi32, #tpu.memory_space<vmem>>[vector<16xi32>], vector<16xi32>, vector<16xi1>
          %mul3A_357 = arith.constant 8 : i32
          %mul3A_358 = arith.muli %scan3A_309, %mul3A_357 : i32
          %add3A_359 = arith.constant 2 : i32
          %add3A_360 = arith.addi %mul3A_358, %add3A_359 : i32
          %mul3A_361 = arith.constant 49 : i32
          %mul3A_362 = arith.muli %add3A_360, %mul3A_361 : i32
          %add3A_363 = arith.addi %mul3A_362, %mul3A_105 : i32
          %get3A_364 = arith.index_cast %add3A_363 : i32 to index
          %get3A_365 = tpu.vector_load %arg6[%get3A_364] {strides = array<i32>} : memref<28224xi32, #tpu.memory_space<vmem>>, vector<16xi32>,
          %shift_right_arithmetic3A_366 = arith.constant 16 : i32
          %shift_right_arithmetic3A_367 = vector.broadcast %shift_right_arithmetic3A_366 : i32 to vector<16xi32>
          %shift_right_arithmetic3A_368 = arith.shrsi %get3A_365, %shift_right_arithmetic3A_367 : vector<16xi32>
          %and3A_369 = arith.constant 255 : i32
          %and3A_370 = vector.broadcast %and3A_369 : i32 to vector<16xi32>
          %and3A_371 = arith.andi %shift_right_arithmetic3A_368, %and3A_370 : vector<16xi32>
          %shift_left3A_372 = arith.constant 4 : i32
          %shift_left3A_373 = vector.broadcast %shift_left3A_372 : i32 to vector<16xi32>
          %shift_left3A_374 = arith.shli %and3A_371, %shift_left3A_373 : vector<16xi32>
          %add3A_375 = arith.addi %shift_left3A_374, %iota3A : vector<16xi32>
          %shift_right_arithmetic3A_376 = arith.constant 24 : i32
          %shift_right_arithmetic3A_377 = vector.broadcast %shift_right_arithmetic3A_376 : i32 to vector<16xi32>
          %shift_right_arithmetic3A_378 = arith.shrsi %get3A_365, %shift_right_arithmetic3A_377 : vector<16xi32>
          %eq3A_379 = arith.cmpi eq, %shift_right_arithmetic3A_378, %shift_right_arithmetic3A_167 : vector<16xi32>
          tpu.vector_store_idx %arg7[%add3A_375], %broadcast_in_dim3A_8 masked %eq3A_379 {add = true} : memref<4096xi32, #tpu.memory_space<vmem>>[vector<16xi32>], vector<16xi32>, vector<16xi1>
          %eq3A_380 = arith.cmpi eq, %shift_right_arithmetic3A_378, %shift_right_arithmetic3A_176 : vector<16xi32>
          tpu.vector_store_idx %arg8[%add3A_375], %broadcast_in_dim3A_8 masked %eq3A_380 {add = true} : memref<4096xi32, #tpu.memory_space<vmem>>[vector<16xi32>], vector<16xi32>, vector<16xi1>
          %mul3A_381 = arith.constant 8 : i32
          %mul3A_382 = arith.muli %scan3A_309, %mul3A_381 : i32
          %add3A_383 = arith.constant 3 : i32
          %add3A_384 = arith.addi %mul3A_382, %add3A_383 : i32
          %mul3A_385 = arith.constant 49 : i32
          %mul3A_386 = arith.muli %add3A_384, %mul3A_385 : i32
          %add3A_387 = arith.addi %mul3A_386, %mul3A_105 : i32
          %get3A_388 = arith.index_cast %add3A_387 : i32 to index
          %get3A_389 = tpu.vector_load %arg6[%get3A_388] {strides = array<i32>} : memref<28224xi32, #tpu.memory_space<vmem>>, vector<16xi32>,
          %shift_right_arithmetic3A_390 = arith.constant 16 : i32
          %shift_right_arithmetic3A_391 = vector.broadcast %shift_right_arithmetic3A_390 : i32 to vector<16xi32>
          %shift_right_arithmetic3A_392 = arith.shrsi %get3A_389, %shift_right_arithmetic3A_391 : vector<16xi32>
          %and3A_393 = arith.constant 255 : i32
          %and3A_394 = vector.broadcast %and3A_393 : i32 to vector<16xi32>
          %and3A_395 = arith.andi %shift_right_arithmetic3A_392, %and3A_394 : vector<16xi32>
          %shift_left3A_396 = arith.constant 4 : i32
          %shift_left3A_397 = vector.broadcast %shift_left3A_396 : i32 to vector<16xi32>
          %shift_left3A_398 = arith.shli %and3A_395, %shift_left3A_397 : vector<16xi32>
          %add3A_399 = arith.addi %shift_left3A_398, %iota3A : vector<16xi32>
          %shift_right_arithmetic3A_400 = arith.constant 24 : i32
          %shift_right_arithmetic3A_401 = vector.broadcast %shift_right_arithmetic3A_400 : i32 to vector<16xi32>
          %shift_right_arithmetic3A_402 = arith.shrsi %get3A_389, %shift_right_arithmetic3A_401 : vector<16xi32>
          %eq3A_403 = arith.cmpi eq, %shift_right_arithmetic3A_402, %shift_right_arithmetic3A_167 : vector<16xi32>
          tpu.vector_store_idx %arg7[%add3A_399], %broadcast_in_dim3A_8 masked %eq3A_403 {add = true} : memref<4096xi32, #tpu.memory_space<vmem>>[vector<16xi32>], vector<16xi32>, vector<16xi1>
          %eq3A_404 = arith.cmpi eq, %shift_right_arithmetic3A_402, %shift_right_arithmetic3A_176 : vector<16xi32>
          tpu.vector_store_idx %arg8[%add3A_399], %broadcast_in_dim3A_8 masked %eq3A_404 {add = true} : memref<4096xi32, #tpu.memory_space<vmem>>[vector<16xi32>], vector<16xi32>, vector<16xi1>
          %mul3A_405 = arith.constant 8 : i32
          %mul3A_406 = arith.muli %scan3A_309, %mul3A_405 : i32
          %add3A_407 = arith.constant 4 : i32
          %add3A_408 = arith.addi %mul3A_406, %add3A_407 : i32
          %mul3A_409 = arith.constant 49 : i32
          %mul3A_410 = arith.muli %add3A_408, %mul3A_409 : i32
          %add3A_411 = arith.addi %mul3A_410, %mul3A_105 : i32
          %get3A_412 = arith.index_cast %add3A_411 : i32 to index
          %get3A_413 = tpu.vector_load %arg6[%get3A_412] {strides = array<i32>} : memref<28224xi32, #tpu.memory_space<vmem>>, vector<16xi32>,
          %shift_right_arithmetic3A_414 = arith.constant 16 : i32
          %shift_right_arithmetic3A_415 = vector.broadcast %shift_right_arithmetic3A_414 : i32 to vector<16xi32>
          %shift_right_arithmetic3A_416 = arith.shrsi %get3A_413, %shift_right_arithmetic3A_415 : vector<16xi32>
          %and3A_417 = arith.constant 255 : i32
          %and3A_418 = vector.broadcast %and3A_417 : i32 to vector<16xi32>
          %and3A_419 = arith.andi %shift_right_arithmetic3A_416, %and3A_418 : vector<16xi32>
          %shift_left3A_420 = arith.constant 4 : i32
          %shift_left3A_421 = vector.broadcast %shift_left3A_420 : i32 to vector<16xi32>
          %shift_left3A_422 = arith.shli %and3A_419, %shift_left3A_421 : vector<16xi32>
          %add3A_423 = arith.addi %shift_left3A_422, %iota3A : vector<16xi32>
          %shift_right_arithmetic3A_424 = arith.constant 24 : i32
          %shift_right_arithmetic3A_425 = vector.broadcast %shift_right_arithmetic3A_424 : i32 to vector<16xi32>
          %shift_right_arithmetic3A_426 = arith.shrsi %get3A_413, %shift_right_arithmetic3A_425 : vector<16xi32>
          %eq3A_427 = arith.cmpi eq, %shift_right_arithmetic3A_426, %shift_right_arithmetic3A_167 : vector<16xi32>
          tpu.vector_store_idx %arg7[%add3A_423], %broadcast_in_dim3A_8 masked %eq3A_427 {add = true} : memref<4096xi32, #tpu.memory_space<vmem>>[vector<16xi32>], vector<16xi32>, vector<16xi1>
          %eq3A_428 = arith.cmpi eq, %shift_right_arithmetic3A_426, %shift_right_arithmetic3A_176 : vector<16xi32>
          tpu.vector_store_idx %arg8[%add3A_423], %broadcast_in_dim3A_8 masked %eq3A_428 {add = true} : memref<4096xi32, #tpu.memory_space<vmem>>[vector<16xi32>], vector<16xi32>, vector<16xi1>
          %mul3A_429 = arith.constant 8 : i32
          %mul3A_430 = arith.muli %scan3A_309, %mul3A_429 : i32
          %add3A_431 = arith.constant 5 : i32
          %add3A_432 = arith.addi %mul3A_430, %add3A_431 : i32
          %mul3A_433 = arith.constant 49 : i32
          %mul3A_434 = arith.muli %add3A_432, %mul3A_433 : i32
          %add3A_435 = arith.addi %mul3A_434, %mul3A_105 : i32
          %get3A_436 = arith.index_cast %add3A_435 : i32 to index
          %get3A_437 = tpu.vector_load %arg6[%get3A_436] {strides = array<i32>} : memref<28224xi32, #tpu.memory_space<vmem>>, vector<16xi32>,
          %shift_right_arithmetic3A_438 = arith.constant 16 : i32
          %shift_right_arithmetic3A_439 = vector.broadcast %shift_right_arithmetic3A_438 : i32 to vector<16xi32>
          %shift_right_arithmetic3A_440 = arith.shrsi %get3A_437, %shift_right_arithmetic3A_439 : vector<16xi32>
          %and3A_441 = arith.constant 255 : i32
          %and3A_442 = vector.broadcast %and3A_441 : i32 to vector<16xi32>
          %and3A_443 = arith.andi %shift_right_arithmetic3A_440, %and3A_442 : vector<16xi32>
          %shift_left3A_444 = arith.constant 4 : i32
          %shift_left3A_445 = vector.broadcast %shift_left3A_444 : i32 to vector<16xi32>
          %shift_left3A_446 = arith.shli %and3A_443, %shift_left3A_445 : vector<16xi32>
          %add3A_447 = arith.addi %shift_left3A_446, %iota3A : vector<16xi32>
          %shift_right_arithmetic3A_448 = arith.constant 24 : i32
          %shift_right_arithmetic3A_449 = vector.broadcast %shift_right_arithmetic3A_448 : i32 to vector<16xi32>
          %shift_right_arithmetic3A_450 = arith.shrsi %get3A_437, %shift_right_arithmetic3A_449 : vector<16xi32>
          %eq3A_451 = arith.cmpi eq, %shift_right_arithmetic3A_450, %shift_right_arithmetic3A_167 : vector<16xi32>
          tpu.vector_store_idx %arg7[%add3A_447], %broadcast_in_dim3A_8 masked %eq3A_451 {add = true} : memref<4096xi32, #tpu.memory_space<vmem>>[vector<16xi32>], vector<16xi32>, vector<16xi1>
          %eq3A_452 = arith.cmpi eq, %shift_right_arithmetic3A_450, %shift_right_arithmetic3A_176 : vector<16xi32>
          tpu.vector_store_idx %arg8[%add3A_447], %broadcast_in_dim3A_8 masked %eq3A_452 {add = true} : memref<4096xi32, #tpu.memory_space<vmem>>[vector<16xi32>], vector<16xi32>, vector<16xi1>
          %mul3A_453 = arith.constant 8 : i32
          %mul3A_454 = arith.muli %scan3A_309, %mul3A_453 : i32
          %add3A_455 = arith.constant 6 : i32
          %add3A_456 = arith.addi %mul3A_454, %add3A_455 : i32
          %mul3A_457 = arith.constant 49 : i32
          %mul3A_458 = arith.muli %add3A_456, %mul3A_457 : i32
          %add3A_459 = arith.addi %mul3A_458, %mul3A_105 : i32
          %get3A_460 = arith.index_cast %add3A_459 : i32 to index
          %get3A_461 = tpu.vector_load %arg6[%get3A_460] {strides = array<i32>} : memref<28224xi32, #tpu.memory_space<vmem>>, vector<16xi32>,
          %shift_right_arithmetic3A_462 = arith.constant 16 : i32
          %shift_right_arithmetic3A_463 = vector.broadcast %shift_right_arithmetic3A_462 : i32 to vector<16xi32>
          %shift_right_arithmetic3A_464 = arith.shrsi %get3A_461, %shift_right_arithmetic3A_463 : vector<16xi32>
          %and3A_465 = arith.constant 255 : i32
          %and3A_466 = vector.broadcast %and3A_465 : i32 to vector<16xi32>
          %and3A_467 = arith.andi %shift_right_arithmetic3A_464, %and3A_466 : vector<16xi32>
          %shift_left3A_468 = arith.constant 4 : i32
          %shift_left3A_469 = vector.broadcast %shift_left3A_468 : i32 to vector<16xi32>
          %shift_left3A_470 = arith.shli %and3A_467, %shift_left3A_469 : vector<16xi32>
          %add3A_471 = arith.addi %shift_left3A_470, %iota3A : vector<16xi32>
          %shift_right_arithmetic3A_472 = arith.constant 24 : i32
          %shift_right_arithmetic3A_473 = vector.broadcast %shift_right_arithmetic3A_472 : i32 to vector<16xi32>
          %shift_right_arithmetic3A_474 = arith.shrsi %get3A_461, %shift_right_arithmetic3A_473 : vector<16xi32>
          %eq3A_475 = arith.cmpi eq, %shift_right_arithmetic3A_474, %shift_right_arithmetic3A_167 : vector<16xi32>
          tpu.vector_store_idx %arg7[%add3A_471], %broadcast_in_dim3A_8 masked %eq3A_475 {add = true} : memref<4096xi32, #tpu.memory_space<vmem>>[vector<16xi32>], vector<16xi32>, vector<16xi1>
          %eq3A_476 = arith.cmpi eq, %shift_right_arithmetic3A_474, %shift_right_arithmetic3A_176 : vector<16xi32>
          tpu.vector_store_idx %arg8[%add3A_471], %broadcast_in_dim3A_8 masked %eq3A_476 {add = true} : memref<4096xi32, #tpu.memory_space<vmem>>[vector<16xi32>], vector<16xi32>, vector<16xi1>
          %mul3A_477 = arith.constant 8 : i32
          %mul3A_478 = arith.muli %scan3A_309, %mul3A_477 : i32
          %add3A_479 = arith.constant 7 : i32
          %add3A_480 = arith.addi %mul3A_478, %add3A_479 : i32
          %mul3A_481 = arith.constant 49 : i32
          %mul3A_482 = arith.muli %add3A_480, %mul3A_481 : i32
          %add3A_483 = arith.addi %mul3A_482, %mul3A_105 : i32
          %get3A_484 = arith.index_cast %add3A_483 : i32 to index
          %get3A_485 = tpu.vector_load %arg6[%get3A_484] {strides = array<i32>} : memref<28224xi32, #tpu.memory_space<vmem>>, vector<16xi32>,
          %shift_right_arithmetic3A_486 = arith.constant 16 : i32
          %shift_right_arithmetic3A_487 = vector.broadcast %shift_right_arithmetic3A_486 : i32 to vector<16xi32>
          %shift_right_arithmetic3A_488 = arith.shrsi %get3A_485, %shift_right_arithmetic3A_487 : vector<16xi32>
          %and3A_489 = arith.constant 255 : i32
          %and3A_490 = vector.broadcast %and3A_489 : i32 to vector<16xi32>
          %and3A_491 = arith.andi %shift_right_arithmetic3A_488, %and3A_490 : vector<16xi32>
          %shift_left3A_492 = arith.constant 4 : i32
          %shift_left3A_493 = vector.broadcast %shift_left3A_492 : i32 to vector<16xi32>
          %shift_left3A_494 = arith.shli %and3A_491, %shift_left3A_493 : vector<16xi32>
          %add3A_495 = arith.addi %shift_left3A_494, %iota3A : vector<16xi32>
          %shift_right_arithmetic3A_496 = arith.constant 24 : i32
          %shift_right_arithmetic3A_497 = vector.broadcast %shift_right_arithmetic3A_496 : i32 to vector<16xi32>
          %shift_right_arithmetic3A_498 = arith.shrsi %get3A_485, %shift_right_arithmetic3A_497 : vector<16xi32>
          %eq3A_499 = arith.cmpi eq, %shift_right_arithmetic3A_498, %shift_right_arithmetic3A_167 : vector<16xi32>
          tpu.vector_store_idx %arg7[%add3A_495], %broadcast_in_dim3A_8 masked %eq3A_499 {add = true} : memref<4096xi32, #tpu.memory_space<vmem>>[vector<16xi32>], vector<16xi32>, vector<16xi1>
          %eq3A_500 = arith.cmpi eq, %shift_right_arithmetic3A_498, %shift_right_arithmetic3A_176 : vector<16xi32>
          tpu.vector_store_idx %arg8[%add3A_495], %broadcast_in_dim3A_8 masked %eq3A_500 {add = true} : memref<4096xi32, #tpu.memory_space<vmem>>[vector<16xi32>], vector<16xi32>, vector<16xi1>
          %scan3A_501 = arith.constant 0 : i32
          scf.yield %scan3A_501 : i32
        }
        %scan3A_183 = arith.constant 72 : i32
        %scan3A_184 = arith.constant 0 : i32
        %scan3A_185 = arith.constant 64 : i32
        %scan3A_186 = arith.addi %scan3A_184, %scan3A_185 : i32
        %scan3A_187 = arith.constant 1 : i32
        %scan3A_188:4 = scf.for %scan3A_309 = %scan3A_184 to %scan3A_186 step %scan3A_187 iter_args(%scan3A_310 = %broadcast_in_dim3A_6, %scan3A_311 = %broadcast_in_dim3A_6, %scan3A_312 = %broadcast_in_dim3A_6, %scan3A_313 = %broadcast_in_dim3A_6) -> (vector<16xi32>, vector<16xi32>, vector<16xi32>, vector<16xi32>)  : i32 {
          %mul3A_314 = arith.constant 4 : i32
          %mul3A_315 = arith.muli %scan3A_309, %mul3A_314 : i32
          %add3A_316 = arith.constant 0 : i32
          %add3A_317 = arith.addi %mul3A_315, %add3A_316 : i32
          %mul3A_318 = arith.constant 16 : i32
          %mul3A_319 = arith.muli %add3A_317, %mul3A_318 : i32
          %get3A = arith.index_cast %mul3A_319 : i32 to index
          %get3A_320 = tpu.vector_load %arg7[%get3A] {strides = array<i32>} : memref<4096xi32, #tpu.memory_space<vmem>>, vector<16xi32>,
          %get3A_321 = arith.index_cast %mul3A_319 : i32 to index
          %get3A_322 = tpu.vector_load %arg8[%get3A_321] {strides = array<i32>} : memref<4096xi32, #tpu.memory_space<vmem>>, vector<16xi32>,
          %swap3A_323 = arith.index_cast %mul3A_319 : i32 to index
          %swap3A_324 = tpu.vector_load %arg7[%swap3A_323] {strides = array<i32>} : memref<4096xi32, #tpu.memory_space<vmem>>, vector<16xi32>,
          tpu.vector_store %arg7[%swap3A_323], %broadcast_in_dim3A_6 {strides = array<i32>} : memref<4096xi32, #tpu.memory_space<vmem>>, vector<16xi32>,
          %swap3A_325 = arith.index_cast %mul3A_319 : i32 to index
          %swap3A_326 = tpu.vector_load %arg8[%swap3A_325] {strides = array<i32>} : memref<4096xi32, #tpu.memory_space<vmem>>, vector<16xi32>,
          tpu.vector_store %arg8[%swap3A_325], %broadcast_in_dim3A_6 {strides = array<i32>} : memref<4096xi32, #tpu.memory_space<vmem>>, vector<16xi32>,
          %add3A_327 = arith.addi %scan3A_310, %get3A_320 : vector<16xi32>
          %add3A_328 = arith.addi %scan3A_311, %get3A_322 : vector<16xi32>
          %swap3A_329 = arith.index_cast %mul3A_319 : i32 to index
          %swap3A_330 = tpu.vector_load %arg9[%swap3A_329] {strides = array<i32>} : memref<4096xi32, #tpu.memory_space<vmem>>, vector<16xi32>,
          tpu.vector_store %arg9[%swap3A_329], %add3A_327 {strides = array<i32>} : memref<4096xi32, #tpu.memory_space<vmem>>, vector<16xi32>,
          %swap3A_331 = arith.index_cast %mul3A_319 : i32 to index
          %swap3A_332 = tpu.vector_load %arg10[%swap3A_331] {strides = array<i32>} : memref<4096xi32, #tpu.memory_space<vmem>>, vector<16xi32>,
          tpu.vector_store %arg10[%swap3A_331], %add3A_328 {strides = array<i32>} : memref<4096xi32, #tpu.memory_space<vmem>>, vector<16xi32>,
          %sub3A_333 = arith.subi %sub3A_158, %add3A_327 : vector<16xi32>
          %ge3A = arith.cmpi sge, %sub3A_333, %sub3A_157 : vector<16xi32>
          %jit3A_334 = arith.constant 1 : i32
          %jit3A_335 = arith.constant 0 : i32
          %broadcast_in_dim3A_336 = vector.broadcast %jit3A_334 : i32 to vector<16xi32>
          %broadcast_in_dim3A_337 = vector.broadcast %jit3A_335 : i32 to vector<16xi32>
          %select_n3A_338 = arith.select %ge3A, %broadcast_in_dim3A_336, %broadcast_in_dim3A_337 : vector<16xi1>, vector<16xi32>
          %add3A_339 = arith.addi %scan3A_312, %select_n3A_338 : vector<16xi32>
          %lt3A_340 = arith.cmpi slt, %add3A_328, %sub3A_159 : vector<16xi32>
          %jit3A_341 = arith.constant 1 : i32
          %jit3A_342 = arith.constant 0 : i32
          %broadcast_in_dim3A_343 = vector.broadcast %jit3A_341 : i32 to vector<16xi32>
          %broadcast_in_dim3A_344 = vector.broadcast %jit3A_342 : i32 to vector<16xi32>
          %select_n3A_345 = arith.select %lt3A_340, %broadcast_in_dim3A_343, %broadcast_in_dim3A_344 : vector<16xi1>, vector<16xi32>
          %add3A_346 = arith.addi %scan3A_313, %select_n3A_345 : vector<16xi32>
          %mul3A_347 = arith.constant 4 : i32
          %mul3A_348 = arith.muli %scan3A_309, %mul3A_347 : i32
          %add3A_349 = arith.constant 1 : i32
          %add3A_350 = arith.addi %mul3A_348, %add3A_349 : i32
          %mul3A_351 = arith.constant 16 : i32
          %mul3A_352 = arith.muli %add3A_350, %mul3A_351 : i32
          %get3A_353 = arith.index_cast %mul3A_352 : i32 to index
          %get3A_354 = tpu.vector_load %arg7[%get3A_353] {strides = array<i32>} : memref<4096xi32, #tpu.memory_space<vmem>>, vector<16xi32>,
          %get3A_355 = arith.index_cast %mul3A_352 : i32 to index
          %get3A_356 = tpu.vector_load %arg8[%get3A_355] {strides = array<i32>} : memref<4096xi32, #tpu.memory_space<vmem>>, vector<16xi32>,
          %swap3A_357 = arith.index_cast %mul3A_352 : i32 to index
          %swap3A_358 = tpu.vector_load %arg7[%swap3A_357] {strides = array<i32>} : memref<4096xi32, #tpu.memory_space<vmem>>, vector<16xi32>,
          tpu.vector_store %arg7[%swap3A_357], %broadcast_in_dim3A_6 {strides = array<i32>} : memref<4096xi32, #tpu.memory_space<vmem>>, vector<16xi32>,
          %swap3A_359 = arith.index_cast %mul3A_352 : i32 to index
          %swap3A_360 = tpu.vector_load %arg8[%swap3A_359] {strides = array<i32>} : memref<4096xi32, #tpu.memory_space<vmem>>, vector<16xi32>,
          tpu.vector_store %arg8[%swap3A_359], %broadcast_in_dim3A_6 {strides = array<i32>} : memref<4096xi32, #tpu.memory_space<vmem>>, vector<16xi32>,
          %add3A_361 = arith.addi %add3A_327, %get3A_354 : vector<16xi32>
          %add3A_362 = arith.addi %add3A_328, %get3A_356 : vector<16xi32>
          %swap3A_363 = arith.index_cast %mul3A_352 : i32 to index
          %swap3A_364 = tpu.vector_load %arg9[%swap3A_363] {strides = array<i32>} : memref<4096xi32, #tpu.memory_space<vmem>>, vector<16xi32>,
          tpu.vector_store %arg9[%swap3A_363], %add3A_361 {strides = array<i32>} : memref<4096xi32, #tpu.memory_space<vmem>>, vector<16xi32>,
          %swap3A_365 = arith.index_cast %mul3A_352 : i32 to index
          %swap3A_366 = tpu.vector_load %arg10[%swap3A_365] {strides = array<i32>} : memref<4096xi32, #tpu.memory_space<vmem>>, vector<16xi32>,
          tpu.vector_store %arg10[%swap3A_365], %add3A_362 {strides = array<i32>} : memref<4096xi32, #tpu.memory_space<vmem>>, vector<16xi32>,
          %sub3A_367 = arith.subi %sub3A_158, %add3A_361 : vector<16xi32>
          %ge3A_368 = arith.cmpi sge, %sub3A_367, %sub3A_157 : vector<16xi32>
          %jit3A_369 = arith.constant 1 : i32
          %jit3A_370 = arith.constant 0 : i32
          %broadcast_in_dim3A_371 = vector.broadcast %jit3A_369 : i32 to vector<16xi32>
          %broadcast_in_dim3A_372 = vector.broadcast %jit3A_370 : i32 to vector<16xi32>
          %select_n3A_373 = arith.select %ge3A_368, %broadcast_in_dim3A_371, %broadcast_in_dim3A_372 : vector<16xi1>, vector<16xi32>
          %add3A_374 = arith.addi %add3A_339, %select_n3A_373 : vector<16xi32>
          %lt3A_375 = arith.cmpi slt, %add3A_362, %sub3A_159 : vector<16xi32>
          %jit3A_376 = arith.constant 1 : i32
          %jit3A_377 = arith.constant 0 : i32
          %broadcast_in_dim3A_378 = vector.broadcast %jit3A_376 : i32 to vector<16xi32>
          %broadcast_in_dim3A_379 = vector.broadcast %jit3A_377 : i32 to vector<16xi32>
          %select_n3A_380 = arith.select %lt3A_375, %broadcast_in_dim3A_378, %broadcast_in_dim3A_379 : vector<16xi1>, vector<16xi32>
          %add3A_381 = arith.addi %add3A_346, %select_n3A_380 : vector<16xi32>
          %mul3A_382 = arith.constant 4 : i32
          %mul3A_383 = arith.muli %scan3A_309, %mul3A_382 : i32
          %add3A_384 = arith.constant 2 : i32
          %add3A_385 = arith.addi %mul3A_383, %add3A_384 : i32
          %mul3A_386 = arith.constant 16 : i32
          %mul3A_387 = arith.muli %add3A_385, %mul3A_386 : i32
          %get3A_388 = arith.index_cast %mul3A_387 : i32 to index
          %get3A_389 = tpu.vector_load %arg7[%get3A_388] {strides = array<i32>} : memref<4096xi32, #tpu.memory_space<vmem>>, vector<16xi32>,
          %get3A_390 = arith.index_cast %mul3A_387 : i32 to index
          %get3A_391 = tpu.vector_load %arg8[%get3A_390] {strides = array<i32>} : memref<4096xi32, #tpu.memory_space<vmem>>, vector<16xi32>,
          %swap3A_392 = arith.index_cast %mul3A_387 : i32 to index
          %swap3A_393 = tpu.vector_load %arg7[%swap3A_392] {strides = array<i32>} : memref<4096xi32, #tpu.memory_space<vmem>>, vector<16xi32>,
          tpu.vector_store %arg7[%swap3A_392], %broadcast_in_dim3A_6 {strides = array<i32>} : memref<4096xi32, #tpu.memory_space<vmem>>, vector<16xi32>,
          %swap3A_394 = arith.index_cast %mul3A_387 : i32 to index
          %swap3A_395 = tpu.vector_load %arg8[%swap3A_394] {strides = array<i32>} : memref<4096xi32, #tpu.memory_space<vmem>>, vector<16xi32>,
          tpu.vector_store %arg8[%swap3A_394], %broadcast_in_dim3A_6 {strides = array<i32>} : memref<4096xi32, #tpu.memory_space<vmem>>, vector<16xi32>,
          %add3A_396 = arith.addi %add3A_361, %get3A_389 : vector<16xi32>
          %add3A_397 = arith.addi %add3A_362, %get3A_391 : vector<16xi32>
          %swap3A_398 = arith.index_cast %mul3A_387 : i32 to index
          %swap3A_399 = tpu.vector_load %arg9[%swap3A_398] {strides = array<i32>} : memref<4096xi32, #tpu.memory_space<vmem>>, vector<16xi32>,
          tpu.vector_store %arg9[%swap3A_398], %add3A_396 {strides = array<i32>} : memref<4096xi32, #tpu.memory_space<vmem>>, vector<16xi32>,
          %swap3A_400 = arith.index_cast %mul3A_387 : i32 to index
          %swap3A_401 = tpu.vector_load %arg10[%swap3A_400] {strides = array<i32>} : memref<4096xi32, #tpu.memory_space<vmem>>, vector<16xi32>,
          tpu.vector_store %arg10[%swap3A_400], %add3A_397 {strides = array<i32>} : memref<4096xi32, #tpu.memory_space<vmem>>, vector<16xi32>,
          %sub3A_402 = arith.subi %sub3A_158, %add3A_396 : vector<16xi32>
          %ge3A_403 = arith.cmpi sge, %sub3A_402, %sub3A_157 : vector<16xi32>
          %jit3A_404 = arith.constant 1 : i32
          %jit3A_405 = arith.constant 0 : i32
          %broadcast_in_dim3A_406 = vector.broadcast %jit3A_404 : i32 to vector<16xi32>
          %broadcast_in_dim3A_407 = vector.broadcast %jit3A_405 : i32 to vector<16xi32>
          %select_n3A_408 = arith.select %ge3A_403, %broadcast_in_dim3A_406, %broadcast_in_dim3A_407 : vector<16xi1>, vector<16xi32>
          %add3A_409 = arith.addi %add3A_374, %select_n3A_408 : vector<16xi32>
          %lt3A_410 = arith.cmpi slt, %add3A_397, %sub3A_159 : vector<16xi32>
          %jit3A_411 = arith.constant 1 : i32
          %jit3A_412 = arith.constant 0 : i32
          %broadcast_in_dim3A_413 = vector.broadcast %jit3A_411 : i32 to vector<16xi32>
          %broadcast_in_dim3A_414 = vector.broadcast %jit3A_412 : i32 to vector<16xi32>
          %select_n3A_415 = arith.select %lt3A_410, %broadcast_in_dim3A_413, %broadcast_in_dim3A_414 : vector<16xi1>, vector<16xi32>
          %add3A_416 = arith.addi %add3A_381, %select_n3A_415 : vector<16xi32>
          %mul3A_417 = arith.constant 4 : i32
          %mul3A_418 = arith.muli %scan3A_309, %mul3A_417 : i32
          %add3A_419 = arith.constant 3 : i32
          %add3A_420 = arith.addi %mul3A_418, %add3A_419 : i32
          %mul3A_421 = arith.constant 16 : i32
          %mul3A_422 = arith.muli %add3A_420, %mul3A_421 : i32
          %get3A_423 = arith.index_cast %mul3A_422 : i32 to index
          %get3A_424 = tpu.vector_load %arg7[%get3A_423] {strides = array<i32>} : memref<4096xi32, #tpu.memory_space<vmem>>, vector<16xi32>,
          %get3A_425 = arith.index_cast %mul3A_422 : i32 to index
          %get3A_426 = tpu.vector_load %arg8[%get3A_425] {strides = array<i32>} : memref<4096xi32, #tpu.memory_space<vmem>>, vector<16xi32>,
          %swap3A_427 = arith.index_cast %mul3A_422 : i32 to index
          %swap3A_428 = tpu.vector_load %arg7[%swap3A_427] {strides = array<i32>} : memref<4096xi32, #tpu.memory_space<vmem>>, vector<16xi32>,
          tpu.vector_store %arg7[%swap3A_427], %broadcast_in_dim3A_6 {strides = array<i32>} : memref<4096xi32, #tpu.memory_space<vmem>>, vector<16xi32>,
          %swap3A_429 = arith.index_cast %mul3A_422 : i32 to index
          %swap3A_430 = tpu.vector_load %arg8[%swap3A_429] {strides = array<i32>} : memref<4096xi32, #tpu.memory_space<vmem>>, vector<16xi32>,
          tpu.vector_store %arg8[%swap3A_429], %broadcast_in_dim3A_6 {strides = array<i32>} : memref<4096xi32, #tpu.memory_space<vmem>>, vector<16xi32>,
          %add3A_431 = arith.addi %add3A_396, %get3A_424 : vector<16xi32>
          %add3A_432 = arith.addi %add3A_397, %get3A_426 : vector<16xi32>
          %swap3A_433 = arith.index_cast %mul3A_422 : i32 to index
          %swap3A_434 = tpu.vector_load %arg9[%swap3A_433] {strides = array<i32>} : memref<4096xi32, #tpu.memory_space<vmem>>, vector<16xi32>,
          tpu.vector_store %arg9[%swap3A_433], %add3A_431 {strides = array<i32>} : memref<4096xi32, #tpu.memory_space<vmem>>, vector<16xi32>,
          %swap3A_435 = arith.index_cast %mul3A_422 : i32 to index
          %swap3A_436 = tpu.vector_load %arg10[%swap3A_435] {strides = array<i32>} : memref<4096xi32, #tpu.memory_space<vmem>>, vector<16xi32>,
          tpu.vector_store %arg10[%swap3A_435], %add3A_432 {strides = array<i32>} : memref<4096xi32, #tpu.memory_space<vmem>>, vector<16xi32>,
          %sub3A_437 = arith.subi %sub3A_158, %add3A_431 : vector<16xi32>
          %ge3A_438 = arith.cmpi sge, %sub3A_437, %sub3A_157 : vector<16xi32>
          %jit3A_439 = arith.constant 1 : i32
          %jit3A_440 = arith.constant 0 : i32
          %broadcast_in_dim3A_441 = vector.broadcast %jit3A_439 : i32 to vector<16xi32>
          %broadcast_in_dim3A_442 = vector.broadcast %jit3A_440 : i32 to vector<16xi32>
          %select_n3A_443 = arith.select %ge3A_438, %broadcast_in_dim3A_441, %broadcast_in_dim3A_442 : vector<16xi1>, vector<16xi32>
          %add3A_444 = arith.addi %add3A_409, %select_n3A_443 : vector<16xi32>
          %lt3A_445 = arith.cmpi slt, %add3A_432, %sub3A_159 : vector<16xi32>
          %jit3A_446 = arith.constant 1 : i32
          %jit3A_447 = arith.constant 0 : i32
          %broadcast_in_dim3A_448 = vector.broadcast %jit3A_446 : i32 to vector<16xi32>
          %broadcast_in_dim3A_449 = vector.broadcast %jit3A_447 : i32 to vector<16xi32>
          %select_n3A_450 = arith.select %lt3A_445, %broadcast_in_dim3A_448, %broadcast_in_dim3A_449 : vector<16xi1>, vector<16xi32>
          %add3A_451 = arith.addi %add3A_416, %select_n3A_450 : vector<16xi32>
          scf.yield %add3A_431, %add3A_432, %add3A_444, %add3A_451 : vector<16xi32>, vector<16xi32>, vector<16xi32>, vector<16xi32>
        }
        %scan3A_189 = arith.constant 64 : i32
        %shift_left3A_190 = arith.constant 4 : i32
        %shift_left3A_191 = vector.broadcast %shift_left3A_190 : i32 to vector<16xi32>
        %shift_left3A_192 = arith.shli %scan3A_188#2, %shift_left3A_191 : vector<16xi32>
        %add3A_193 = arith.addi %shift_left3A_192, %iota3A : vector<16xi32>
        %gather3A_194 = tpu.vector_load_idx %arg9[%add3A_193] : memref<4096xi32, #tpu.memory_space<vmem>>[vector<16xi32>], vector<16xi32>,
        %sub3A_195 = arith.constant 1 : i32
        %sub3A_196 = vector.broadcast %sub3A_195 : i32 to vector<16xi32>
        %sub3A_197 = arith.subi %scan3A_188#2, %sub3A_196 : vector<16xi32>
        %max3A_198 = arith.constant 0 : i32
        %max3A_199 = vector.broadcast %max3A_198 : i32 to vector<16xi32>
        %max3A_200 = arith.maxsi %sub3A_197, %max3A_199 : vector<16xi32>
        %shift_left3A_201 = arith.constant 4 : i32
        %shift_left3A_202 = vector.broadcast %shift_left3A_201 : i32 to vector<16xi32>
        %shift_left3A_203 = arith.shli %max3A_200, %shift_left3A_202 : vector<16xi32>
        %add3A_204 = arith.addi %shift_left3A_203, %iota3A : vector<16xi32>
        %gather3A_205 = tpu.vector_load_idx %arg9[%add3A_204] : memref<4096xi32, #tpu.memory_space<vmem>>[vector<16xi32>], vector<16xi32>,
        %gt3A_206 = arith.constant 0 : i32
        %gt3A_207 = vector.broadcast %gt3A_206 : i32 to vector<16xi32>
        %gt3A_208 = arith.cmpi sgt, %scan3A_188#2, %gt3A_207 : vector<16xi32>
        %jit3A_209 = arith.constant 0 : i32
        %broadcast_in_dim3A_210 = vector.broadcast %jit3A_209 : i32 to vector<16xi32>
        %select_n3A_211 = arith.select %gt3A_208, %gather3A_205, %broadcast_in_dim3A_210 : vector<16xi1>, vector<16xi32>
        %shift_left3A_212 = arith.constant 4 : i32
        %shift_left3A_213 = vector.broadcast %shift_left3A_212 : i32 to vector<16xi32>
        %shift_left3A_214 = arith.shli %scan3A_188#3, %shift_left3A_213 : vector<16xi32>
        %add3A_215 = arith.addi %shift_left3A_214, %iota3A : vector<16xi32>
        %gather3A_216 = tpu.vector_load_idx %arg10[%add3A_215] : memref<4096xi32, #tpu.memory_space<vmem>>[vector<16xi32>], vector<16xi32>,
        %sub3A_217 = arith.constant 1 : i32
        %sub3A_218 = vector.broadcast %sub3A_217 : i32 to vector<16xi32>
        %sub3A_219 = arith.subi %scan3A_188#3, %sub3A_218 : vector<16xi32>
        %max3A_220 = arith.constant 0 : i32
        %max3A_221 = vector.broadcast %max3A_220 : i32 to vector<16xi32>
        %max3A_222 = arith.maxsi %sub3A_219, %max3A_221 : vector<16xi32>
        %shift_left3A_223 = arith.constant 4 : i32
        %shift_left3A_224 = vector.broadcast %shift_left3A_223 : i32 to vector<16xi32>
        %shift_left3A_225 = arith.shli %max3A_222, %shift_left3A_224 : vector<16xi32>
        %add3A_226 = arith.addi %shift_left3A_225, %iota3A : vector<16xi32>
        %gather3A_227 = tpu.vector_load_idx %arg10[%add3A_226] : memref<4096xi32, #tpu.memory_space<vmem>>[vector<16xi32>], vector<16xi32>,
        %gt3A_228 = arith.constant 0 : i32
        %gt3A_229 = vector.broadcast %gt3A_228 : i32 to vector<16xi32>
        %gt3A_230 = arith.cmpi sgt, %scan3A_188#3, %gt3A_229 : vector<16xi32>
        %jit3A_231 = arith.constant 0 : i32
        %broadcast_in_dim3A_232 = vector.broadcast %jit3A_231 : i32 to vector<16xi32>
        %select_n3A_233 = arith.select %gt3A_230, %gather3A_227, %broadcast_in_dim3A_232 : vector<16xi1>, vector<16xi32>
        %sub3A_234 = arith.subi %sub3A_158, %gather3A_194 : vector<16xi32>
        %sub3A_235 = arith.subi %sub3A_157, %sub3A_234 : vector<16xi32>
        %sub3A_236 = arith.subi %gather3A_194, %select_n3A_211 : vector<16xi32>
        %sub3A_237 = arith.subi %sub3A_159, %select_n3A_233 : vector<16xi32>
        %sub3A_238 = arith.subi %gather3A_216, %select_n3A_233 : vector<16xi32>
        %shift_left3A_239 = arith.constant 8 : i32
        %shift_left3A_240 = vector.broadcast %shift_left3A_239 : i32 to vector<16xi32>
        %shift_left3A_241 = arith.shli %shift_right_arithmetic3A_167, %shift_left3A_240 : vector<16xi32>
        %or3A = arith.ori %shift_left3A_241, %scan3A_188#2 : vector<16xi32>
        %shift_left3A_242 = arith.constant 8 : i32
        %shift_left3A_243 = vector.broadcast %shift_left3A_242 : i32 to vector<16xi32>
        %shift_left3A_244 = arith.shli %shift_right_arithmetic3A_176, %shift_left3A_243 : vector<16xi32>
        %or3A_245 = arith.ori %shift_left3A_244, %scan3A_188#3 : vector<16xi32>
        %shift_left3A_246 = arith.constant 16 : i32
        %shift_left3A_247 = vector.broadcast %shift_left3A_246 : i32 to vector<16xi32>
        %shift_left3A_248 = arith.shli %or3A, %shift_left3A_247 : vector<16xi32>
        %or3A_249 = arith.constant 65535 : i32
        %or3A_250 = vector.broadcast %or3A_249 : i32 to vector<16xi32>
        %or3A_251 = arith.ori %shift_left3A_248, %or3A_250 : vector<16xi32>
        %shift_left3A_252 = arith.constant 16 : i32
        %shift_left3A_253 = vector.broadcast %shift_left3A_252 : i32 to vector<16xi32>
        %shift_left3A_254 = arith.shli %or3A_245, %shift_left3A_253 : vector<16xi32>
        %broadcast_in_dim3A_255 = arith.constant 0.000000e+00 : f32
        %broadcast_in_dim3A_256 = vector.broadcast %broadcast_in_dim3A_255 : f32 to vector<16xf32>
        %scan3A_257 = arith.constant 0 : i32
        %scan3A_258 = arith.constant 72 : i32
        %scan3A_259 = arith.addi %scan3A_257, %scan3A_258 : i32
        %scan3A_260 = arith.constant 1 : i32
        %scan3A_261:4 = scf.for %scan3A_309 = %scan3A_257 to %scan3A_259 step %scan3A_260 iter_args(%scan3A_310 = %broadcast_in_dim3A_256, %scan3A_311 = %broadcast_in_dim3A_256, %scan3A_312 = %broadcast_in_dim3A_256, %scan3A_313 = %broadcast_in_dim3A_256) -> (vector<16xf32>, vector<16xf32>, vector<16xf32>, vector<16xf32>)  : i32 {
          %mul3A_314 = arith.constant 8 : i32
          %mul3A_315 = arith.muli %scan3A_309, %mul3A_314 : i32
          %add3A_316 = arith.constant 0 : i32
          %add3A_317 = arith.addi %mul3A_315, %add3A_316 : i32
          %mul3A_318 = arith.constant 49 : i32
          %mul3A_319 = arith.muli %add3A_317, %mul3A_318 : i32
          %add3A_320 = arith.addi %mul3A_319, %mul3A_105 : i32
          %get3A = arith.index_cast %add3A_320 : i32 to index
          %get3A_321 = tpu.vector_load %arg6[%get3A] {strides = array<i32>} : memref<28224xi32, #tpu.memory_space<vmem>>, vector<16xi32>,
          %shift_right_arithmetic3A_322 = arith.constant 31 : i32
          %shift_right_arithmetic3A_323 = vector.broadcast %shift_right_arithmetic3A_322 : i32 to vector<16xi32>
          %shift_right_arithmetic3A_324 = arith.shrsi %get3A_321, %shift_right_arithmetic3A_323 : vector<16xi32>
          %and3A_325 = vector.broadcast %scan3A_30 : i32 to vector<16xi32>
          %and3A_326 = arith.andi %shift_right_arithmetic3A_324, %and3A_325 : vector<16xi32>
          %xor3A_327 = arith.xori %get3A_321, %and3A_326 : vector<16xi32>
          %bitcast3A_328 = vector.bitcast %xor3A_327 : vector<16xi32> to vector<16xf32>
          %gt3A_329 = arith.cmpi sgt, %get3A_321, %or3A_251 : vector<16xi32>
          %jit3A_330 = arith.constant 0.000000e+00 : f32
          %broadcast_in_dim3A_331 = vector.broadcast %jit3A_330 : f32 to vector<16xf32>
          %select_n3A_332 = arith.select %gt3A_329, %bitcast3A_328, %broadcast_in_dim3A_331 : vector<16xi1>, vector<16xf32>
          %add3A_333 = arith.addf %scan3A_310, %select_n3A_332 : vector<16xf32>
          %lt3A_334 = arith.cmpi slt, %get3A_321, %shift_left3A_254 : vector<16xi32>
          %jit3A_335 = arith.constant 0.000000e+00 : f32
          %broadcast_in_dim3A_336 = vector.broadcast %jit3A_335 : f32 to vector<16xf32>
          %select_n3A_337 = arith.select %lt3A_334, %bitcast3A_328, %broadcast_in_dim3A_336 : vector<16xi1>, vector<16xf32>
          %add3A_338 = arith.addf %scan3A_311, %select_n3A_337 : vector<16xf32>
          %mul3A_339 = arith.constant 8 : i32
          %mul3A_340 = arith.muli %scan3A_309, %mul3A_339 : i32
          %add3A_341 = arith.constant 1 : i32
          %add3A_342 = arith.addi %mul3A_340, %add3A_341 : i32
          %mul3A_343 = arith.constant 49 : i32
          %mul3A_344 = arith.muli %add3A_342, %mul3A_343 : i32
          %add3A_345 = arith.addi %mul3A_344, %mul3A_105 : i32
          %get3A_346 = arith.index_cast %add3A_345 : i32 to index
          %get3A_347 = tpu.vector_load %arg6[%get3A_346] {strides = array<i32>} : memref<28224xi32, #tpu.memory_space<vmem>>, vector<16xi32>,
          %shift_right_arithmetic3A_348 = arith.constant 31 : i32
          %shift_right_arithmetic3A_349 = vector.broadcast %shift_right_arithmetic3A_348 : i32 to vector<16xi32>
          %shift_right_arithmetic3A_350 = arith.shrsi %get3A_347, %shift_right_arithmetic3A_349 : vector<16xi32>
          %and3A_351 = vector.broadcast %scan3A_30 : i32 to vector<16xi32>
          %and3A_352 = arith.andi %shift_right_arithmetic3A_350, %and3A_351 : vector<16xi32>
          %xor3A_353 = arith.xori %get3A_347, %and3A_352 : vector<16xi32>
          %bitcast3A_354 = vector.bitcast %xor3A_353 : vector<16xi32> to vector<16xf32>
          %gt3A_355 = arith.cmpi sgt, %get3A_347, %or3A_251 : vector<16xi32>
          %jit3A_356 = arith.constant 0.000000e+00 : f32
          %broadcast_in_dim3A_357 = vector.broadcast %jit3A_356 : f32 to vector<16xf32>
          %select_n3A_358 = arith.select %gt3A_355, %bitcast3A_354, %broadcast_in_dim3A_357 : vector<16xi1>, vector<16xf32>
          %add3A_359 = arith.addf %scan3A_312, %select_n3A_358 : vector<16xf32>
          %lt3A_360 = arith.cmpi slt, %get3A_347, %shift_left3A_254 : vector<16xi32>
          %jit3A_361 = arith.constant 0.000000e+00 : f32
          %broadcast_in_dim3A_362 = vector.broadcast %jit3A_361 : f32 to vector<16xf32>
          %select_n3A_363 = arith.select %lt3A_360, %bitcast3A_354, %broadcast_in_dim3A_362 : vector<16xi1>, vector<16xf32>
          %add3A_364 = arith.addf %scan3A_313, %select_n3A_363 : vector<16xf32>
          %mul3A_365 = arith.constant 8 : i32
          %mul3A_366 = arith.muli %scan3A_309, %mul3A_365 : i32
          %add3A_367 = arith.constant 2 : i32
          %add3A_368 = arith.addi %mul3A_366, %add3A_367 : i32
          %mul3A_369 = arith.constant 49 : i32
          %mul3A_370 = arith.muli %add3A_368, %mul3A_369 : i32
          %add3A_371 = arith.addi %mul3A_370, %mul3A_105 : i32
          %get3A_372 = arith.index_cast %add3A_371 : i32 to index
          %get3A_373 = tpu.vector_load %arg6[%get3A_372] {strides = array<i32>} : memref<28224xi32, #tpu.memory_space<vmem>>, vector<16xi32>,
          %shift_right_arithmetic3A_374 = arith.constant 31 : i32
          %shift_right_arithmetic3A_375 = vector.broadcast %shift_right_arithmetic3A_374 : i32 to vector<16xi32>
          %shift_right_arithmetic3A_376 = arith.shrsi %get3A_373, %shift_right_arithmetic3A_375 : vector<16xi32>
          %and3A_377 = vector.broadcast %scan3A_30 : i32 to vector<16xi32>
          %and3A_378 = arith.andi %shift_right_arithmetic3A_376, %and3A_377 : vector<16xi32>
          %xor3A_379 = arith.xori %get3A_373, %and3A_378 : vector<16xi32>
          %bitcast3A_380 = vector.bitcast %xor3A_379 : vector<16xi32> to vector<16xf32>
          %gt3A_381 = arith.cmpi sgt, %get3A_373, %or3A_251 : vector<16xi32>
          %jit3A_382 = arith.constant 0.000000e+00 : f32
          %broadcast_in_dim3A_383 = vector.broadcast %jit3A_382 : f32 to vector<16xf32>
          %select_n3A_384 = arith.select %gt3A_381, %bitcast3A_380, %broadcast_in_dim3A_383 : vector<16xi1>, vector<16xf32>
          %add3A_385 = arith.addf %add3A_333, %select_n3A_384 : vector<16xf32>
          %lt3A_386 = arith.cmpi slt, %get3A_373, %shift_left3A_254 : vector<16xi32>
          %jit3A_387 = arith.constant 0.000000e+00 : f32
          %broadcast_in_dim3A_388 = vector.broadcast %jit3A_387 : f32 to vector<16xf32>
          %select_n3A_389 = arith.select %lt3A_386, %bitcast3A_380, %broadcast_in_dim3A_388 : vector<16xi1>, vector<16xf32>
          %add3A_390 = arith.addf %add3A_338, %select_n3A_389 : vector<16xf32>
          %mul3A_391 = arith.constant 8 : i32
          %mul3A_392 = arith.muli %scan3A_309, %mul3A_391 : i32
          %add3A_393 = arith.constant 3 : i32
          %add3A_394 = arith.addi %mul3A_392, %add3A_393 : i32
          %mul3A_395 = arith.constant 49 : i32
          %mul3A_396 = arith.muli %add3A_394, %mul3A_395 : i32
          %add3A_397 = arith.addi %mul3A_396, %mul3A_105 : i32
          %get3A_398 = arith.index_cast %add3A_397 : i32 to index
          %get3A_399 = tpu.vector_load %arg6[%get3A_398] {strides = array<i32>} : memref<28224xi32, #tpu.memory_space<vmem>>, vector<16xi32>,
          %shift_right_arithmetic3A_400 = arith.constant 31 : i32
          %shift_right_arithmetic3A_401 = vector.broadcast %shift_right_arithmetic3A_400 : i32 to vector<16xi32>
          %shift_right_arithmetic3A_402 = arith.shrsi %get3A_399, %shift_right_arithmetic3A_401 : vector<16xi32>
          %and3A_403 = vector.broadcast %scan3A_30 : i32 to vector<16xi32>
          %and3A_404 = arith.andi %shift_right_arithmetic3A_402, %and3A_403 : vector<16xi32>
          %xor3A_405 = arith.xori %get3A_399, %and3A_404 : vector<16xi32>
          %bitcast3A_406 = vector.bitcast %xor3A_405 : vector<16xi32> to vector<16xf32>
          %gt3A_407 = arith.cmpi sgt, %get3A_399, %or3A_251 : vector<16xi32>
          %jit3A_408 = arith.constant 0.000000e+00 : f32
          %broadcast_in_dim3A_409 = vector.broadcast %jit3A_408 : f32 to vector<16xf32>
          %select_n3A_410 = arith.select %gt3A_407, %bitcast3A_406, %broadcast_in_dim3A_409 : vector<16xi1>, vector<16xf32>
          %add3A_411 = arith.addf %add3A_359, %select_n3A_410 : vector<16xf32>
          %lt3A_412 = arith.cmpi slt, %get3A_399, %shift_left3A_254 : vector<16xi32>
          %jit3A_413 = arith.constant 0.000000e+00 : f32
          %broadcast_in_dim3A_414 = vector.broadcast %jit3A_413 : f32 to vector<16xf32>
          %select_n3A_415 = arith.select %lt3A_412, %bitcast3A_406, %broadcast_in_dim3A_414 : vector<16xi1>, vector<16xf32>
          %add3A_416 = arith.addf %add3A_364, %select_n3A_415 : vector<16xf32>
          %mul3A_417 = arith.constant 8 : i32
          %mul3A_418 = arith.muli %scan3A_309, %mul3A_417 : i32
          %add3A_419 = arith.constant 4 : i32
          %add3A_420 = arith.addi %mul3A_418, %add3A_419 : i32
          %mul3A_421 = arith.constant 49 : i32
          %mul3A_422 = arith.muli %add3A_420, %mul3A_421 : i32
          %add3A_423 = arith.addi %mul3A_422, %mul3A_105 : i32
          %get3A_424 = arith.index_cast %add3A_423 : i32 to index
          %get3A_425 = tpu.vector_load %arg6[%get3A_424] {strides = array<i32>} : memref<28224xi32, #tpu.memory_space<vmem>>, vector<16xi32>,
          %shift_right_arithmetic3A_426 = arith.constant 31 : i32
          %shift_right_arithmetic3A_427 = vector.broadcast %shift_right_arithmetic3A_426 : i32 to vector<16xi32>
          %shift_right_arithmetic3A_428 = arith.shrsi %get3A_425, %shift_right_arithmetic3A_427 : vector<16xi32>
          %and3A_429 = vector.broadcast %scan3A_30 : i32 to vector<16xi32>
          %and3A_430 = arith.andi %shift_right_arithmetic3A_428, %and3A_429 : vector<16xi32>
          %xor3A_431 = arith.xori %get3A_425, %and3A_430 : vector<16xi32>
          %bitcast3A_432 = vector.bitcast %xor3A_431 : vector<16xi32> to vector<16xf32>
          %gt3A_433 = arith.cmpi sgt, %get3A_425, %or3A_251 : vector<16xi32>
          %jit3A_434 = arith.constant 0.000000e+00 : f32
          %broadcast_in_dim3A_435 = vector.broadcast %jit3A_434 : f32 to vector<16xf32>
          %select_n3A_436 = arith.select %gt3A_433, %bitcast3A_432, %broadcast_in_dim3A_435 : vector<16xi1>, vector<16xf32>
          %add3A_437 = arith.addf %add3A_385, %select_n3A_436 : vector<16xf32>
          %lt3A_438 = arith.cmpi slt, %get3A_425, %shift_left3A_254 : vector<16xi32>
          %jit3A_439 = arith.constant 0.000000e+00 : f32
          %broadcast_in_dim3A_440 = vector.broadcast %jit3A_439 : f32 to vector<16xf32>
          %select_n3A_441 = arith.select %lt3A_438, %bitcast3A_432, %broadcast_in_dim3A_440 : vector<16xi1>, vector<16xf32>
          %add3A_442 = arith.addf %add3A_390, %select_n3A_441 : vector<16xf32>
          %mul3A_443 = arith.constant 8 : i32
          %mul3A_444 = arith.muli %scan3A_309, %mul3A_443 : i32
          %add3A_445 = arith.constant 5 : i32
          %add3A_446 = arith.addi %mul3A_444, %add3A_445 : i32
          %mul3A_447 = arith.constant 49 : i32
          %mul3A_448 = arith.muli %add3A_446, %mul3A_447 : i32
          %add3A_449 = arith.addi %mul3A_448, %mul3A_105 : i32
          %get3A_450 = arith.index_cast %add3A_449 : i32 to index
          %get3A_451 = tpu.vector_load %arg6[%get3A_450] {strides = array<i32>} : memref<28224xi32, #tpu.memory_space<vmem>>, vector<16xi32>,
          %shift_right_arithmetic3A_452 = arith.constant 31 : i32
          %shift_right_arithmetic3A_453 = vector.broadcast %shift_right_arithmetic3A_452 : i32 to vector<16xi32>
          %shift_right_arithmetic3A_454 = arith.shrsi %get3A_451, %shift_right_arithmetic3A_453 : vector<16xi32>
          %and3A_455 = vector.broadcast %scan3A_30 : i32 to vector<16xi32>
          %and3A_456 = arith.andi %shift_right_arithmetic3A_454, %and3A_455 : vector<16xi32>
          %xor3A_457 = arith.xori %get3A_451, %and3A_456 : vector<16xi32>
          %bitcast3A_458 = vector.bitcast %xor3A_457 : vector<16xi32> to vector<16xf32>
          %gt3A_459 = arith.cmpi sgt, %get3A_451, %or3A_251 : vector<16xi32>
          %jit3A_460 = arith.constant 0.000000e+00 : f32
          %broadcast_in_dim3A_461 = vector.broadcast %jit3A_460 : f32 to vector<16xf32>
          %select_n3A_462 = arith.select %gt3A_459, %bitcast3A_458, %broadcast_in_dim3A_461 : vector<16xi1>, vector<16xf32>
          %add3A_463 = arith.addf %add3A_411, %select_n3A_462 : vector<16xf32>
          %lt3A_464 = arith.cmpi slt, %get3A_451, %shift_left3A_254 : vector<16xi32>
          %jit3A_465 = arith.constant 0.000000e+00 : f32
          %broadcast_in_dim3A_466 = vector.broadcast %jit3A_465 : f32 to vector<16xf32>
          %select_n3A_467 = arith.select %lt3A_464, %bitcast3A_458, %broadcast_in_dim3A_466 : vector<16xi1>, vector<16xf32>
          %add3A_468 = arith.addf %add3A_416, %select_n3A_467 : vector<16xf32>
          %mul3A_469 = arith.constant 8 : i32
          %mul3A_470 = arith.muli %scan3A_309, %mul3A_469 : i32
          %add3A_471 = arith.constant 6 : i32
          %add3A_472 = arith.addi %mul3A_470, %add3A_471 : i32
          %mul3A_473 = arith.constant 49 : i32
          %mul3A_474 = arith.muli %add3A_472, %mul3A_473 : i32
          %add3A_475 = arith.addi %mul3A_474, %mul3A_105 : i32
          %get3A_476 = arith.index_cast %add3A_475 : i32 to index
          %get3A_477 = tpu.vector_load %arg6[%get3A_476] {strides = array<i32>} : memref<28224xi32, #tpu.memory_space<vmem>>, vector<16xi32>,
          %shift_right_arithmetic3A_478 = arith.constant 31 : i32
          %shift_right_arithmetic3A_479 = vector.broadcast %shift_right_arithmetic3A_478 : i32 to vector<16xi32>
          %shift_right_arithmetic3A_480 = arith.shrsi %get3A_477, %shift_right_arithmetic3A_479 : vector<16xi32>
          %and3A_481 = vector.broadcast %scan3A_30 : i32 to vector<16xi32>
          %and3A_482 = arith.andi %shift_right_arithmetic3A_480, %and3A_481 : vector<16xi32>
          %xor3A_483 = arith.xori %get3A_477, %and3A_482 : vector<16xi32>
          %bitcast3A_484 = vector.bitcast %xor3A_483 : vector<16xi32> to vector<16xf32>
          %gt3A_485 = arith.cmpi sgt, %get3A_477, %or3A_251 : vector<16xi32>
          %jit3A_486 = arith.constant 0.000000e+00 : f32
          %broadcast_in_dim3A_487 = vector.broadcast %jit3A_486 : f32 to vector<16xf32>
          %select_n3A_488 = arith.select %gt3A_485, %bitcast3A_484, %broadcast_in_dim3A_487 : vector<16xi1>, vector<16xf32>
          %add3A_489 = arith.addf %add3A_437, %select_n3A_488 : vector<16xf32>
          %lt3A_490 = arith.cmpi slt, %get3A_477, %shift_left3A_254 : vector<16xi32>
          %jit3A_491 = arith.constant 0.000000e+00 : f32
          %broadcast_in_dim3A_492 = vector.broadcast %jit3A_491 : f32 to vector<16xf32>
          %select_n3A_493 = arith.select %lt3A_490, %bitcast3A_484, %broadcast_in_dim3A_492 : vector<16xi1>, vector<16xf32>
          %add3A_494 = arith.addf %add3A_442, %select_n3A_493 : vector<16xf32>
          %mul3A_495 = arith.constant 8 : i32
          %mul3A_496 = arith.muli %scan3A_309, %mul3A_495 : i32
          %add3A_497 = arith.constant 7 : i32
          %add3A_498 = arith.addi %mul3A_496, %add3A_497 : i32
          %mul3A_499 = arith.constant 49 : i32
          %mul3A_500 = arith.muli %add3A_498, %mul3A_499 : i32
          %add3A_501 = arith.addi %mul3A_500, %mul3A_105 : i32
          %get3A_502 = arith.index_cast %add3A_501 : i32 to index
          %get3A_503 = tpu.vector_load %arg6[%get3A_502] {strides = array<i32>} : memref<28224xi32, #tpu.memory_space<vmem>>, vector<16xi32>,
          %shift_right_arithmetic3A_504 = arith.constant 31 : i32
          %shift_right_arithmetic3A_505 = vector.broadcast %shift_right_arithmetic3A_504 : i32 to vector<16xi32>
          %shift_right_arithmetic3A_506 = arith.shrsi %get3A_503, %shift_right_arithmetic3A_505 : vector<16xi32>
          %and3A_507 = vector.broadcast %scan3A_30 : i32 to vector<16xi32>
          %and3A_508 = arith.andi %shift_right_arithmetic3A_506, %and3A_507 : vector<16xi32>
          %xor3A_509 = arith.xori %get3A_503, %and3A_508 : vector<16xi32>
          %bitcast3A_510 = vector.bitcast %xor3A_509 : vector<16xi32> to vector<16xf32>
          %gt3A_511 = arith.cmpi sgt, %get3A_503, %or3A_251 : vector<16xi32>
          %jit3A_512 = arith.constant 0.000000e+00 : f32
          %broadcast_in_dim3A_513 = vector.broadcast %jit3A_512 : f32 to vector<16xf32>
          %select_n3A_514 = arith.select %gt3A_511, %bitcast3A_510, %broadcast_in_dim3A_513 : vector<16xi1>, vector<16xf32>
          %add3A_515 = arith.addf %add3A_463, %select_n3A_514 : vector<16xf32>
          %lt3A_516 = arith.cmpi slt, %get3A_503, %shift_left3A_254 : vector<16xi32>
          %jit3A_517 = arith.constant 0.000000e+00 : f32
          %broadcast_in_dim3A_518 = vector.broadcast %jit3A_517 : f32 to vector<16xf32>
          %select_n3A_519 = arith.select %lt3A_516, %bitcast3A_510, %broadcast_in_dim3A_518 : vector<16xi1>, vector<16xf32>
          %add3A_520 = arith.addf %add3A_468, %select_n3A_519 : vector<16xf32>
          scf.yield %add3A_489, %add3A_494, %add3A_515, %add3A_520 : vector<16xf32>, vector<16xf32>, vector<16xf32>, vector<16xf32>
        }
        %scan3A_262 = arith.constant 72 : i32
        %shift_left3A_263 = arith.constant 16 : i32
        %shift_left3A_264 = vector.broadcast %shift_left3A_263 : i32 to vector<16xi32>
        %shift_left3A_265 = arith.shli %or3A, %shift_left3A_264 : vector<16xi32>
        %or3A_266 = arith.constant 32768 : i32
        %or3A_267 = vector.broadcast %or3A_266 : i32 to vector<16xi32>
        %or3A_268 = arith.ori %shift_left3A_265, %or3A_267 : vector<16xi32>
        %shift_left3A_269 = arith.constant 16 : i32
        %shift_left3A_270 = vector.broadcast %shift_left3A_269 : i32 to vector<16xi32>
        %shift_left3A_271 = arith.shli %or3A_245, %shift_left3A_270 : vector<16xi32>
        %or3A_272 = arith.constant 32768 : i32
        %or3A_273 = vector.broadcast %or3A_272 : i32 to vector<16xi32>
        %or3A_274 = arith.ori %shift_left3A_271, %or3A_273 : vector<16xi32>
        %shift_right_arithmetic3A_275 = arith.constant 31 : i32
        %shift_right_arithmetic3A_276 = vector.broadcast %shift_right_arithmetic3A_275 : i32 to vector<16xi32>
        %shift_right_arithmetic3A_277 = arith.shrsi %or3A_268, %shift_right_arithmetic3A_276 : vector<16xi32>
        %and3A = vector.broadcast %scan3A_30 : i32 to vector<16xi32>
        %and3A_278 = arith.andi %shift_right_arithmetic3A_277, %and3A : vector<16xi32>
        %xor3A_279 = arith.xori %or3A_268, %and3A_278 : vector<16xi32>
        %bitcast3A = vector.bitcast %xor3A_279 : vector<16xi32> to vector<16xf32>
        %shift_right_arithmetic3A_280 = arith.constant 31 : i32
        %shift_right_arithmetic3A_281 = vector.broadcast %shift_right_arithmetic3A_280 : i32 to vector<16xi32>
        %shift_right_arithmetic3A_282 = arith.shrsi %or3A_274, %shift_right_arithmetic3A_281 : vector<16xi32>
        %and3A_283 = vector.broadcast %scan3A_30 : i32 to vector<16xi32>
        %and3A_284 = arith.andi %shift_right_arithmetic3A_282, %and3A_283 : vector<16xi32>
        %xor3A_285 = arith.xori %or3A_274, %and3A_284 : vector<16xi32>
        %bitcast3A_286 = vector.bitcast %xor3A_285 : vector<16xi32> to vector<16xf32>
        %add3A_287 = arith.addf %scan3A_261#0, %scan3A_261#2 : vector<16xf32>
        %convert_element_type3A_288 = arith.sitofp %sub3A_235 : vector<16xi32> to vector<16xf32>
        %mul3A_289 = arith.mulf %convert_element_type3A_288, %bitcast3A : vector<16xf32>
        %add3A_290 = arith.addf %add3A_287, %mul3A_289 : vector<16xf32>
        %add3A_291 = arith.addf %scan3A_261#1, %scan3A_261#3 : vector<16xf32>
        %convert_element_type3A_292 = arith.sitofp %sub3A_237 : vector<16xi32> to vector<16xf32>
        %mul3A_293 = arith.mulf %convert_element_type3A_292, %bitcast3A_286 : vector<16xf32>
        %add3A_294 = arith.addf %add3A_291, %mul3A_293 : vector<16xf32>
        %div3A = vector.broadcast %scan3A_31 : f32 to vector<16xf32>
        %div3A_295 = arith.divf %add3A_290, %div3A : vector<16xf32>
        %div3A_296 = vector.broadcast %scan3A_31 : f32 to vector<16xf32>
        %div3A_297 = arith.divf %add3A_294, %div3A_296 : vector<16xf32>
        %add3A_298 = arith.addf %div3A_295, %div3A_297 : vector<16xf32>
        %mul3A_299 = arith.constant 5.000000e-01 : f32
        %mul3A_300 = vector.broadcast %mul3A_299 : f32 to vector<16xf32>
        %mul3A_301 = arith.mulf %add3A_298, %mul3A_300 : vector<16xf32>
        %mul3A_302 = arith.constant 48 : i32
        %mul3A_303 = arith.muli %add3A_72, %mul3A_302 : i32
        %mul3A_304 = arith.constant 16 : i32
        %mul3A_305 = arith.muli %scan3A_102, %mul3A_304 : i32
        %add3A_306 = arith.addi %mul3A_303, %mul3A_305 : i32
        %swap3A = arith.index_cast %add3A_306 : i32 to index
        %swap3A_307 = tpu.vector_load %arg11[%swap3A] {strides = array<i32>} : memref<768xf32, #tpu.memory_space<vmem>>, vector<16xf32>,
        tpu.vector_store %arg11[%swap3A], %mul3A_301 {strides = array<i32>} : memref<768xf32, #tpu.memory_space<vmem>>, vector<16xf32>,
        %scan3A_308 = arith.constant 0 : i32
        scf.yield %scan3A_308 : i32
      }
      %scan3A_100 = arith.constant 3 : i32
      %scan3A_101 = arith.constant 0 : i32
      scf.yield %scan3A_101 : i32
    }
    %scan3A_38 = arith.constant 8 : i32
    "tpu.region"() ({
      %run_scoped3A = tpu.sem_alloc : memref<!tpu.dma_semaphore, #tpu.memory_space<semaphore_mem>>
      %dma_start3A_39 = tpu.memref_slice %arg3[%mul3A_2] : memref<24576xf32, #tpu.memory_space<hbm>> -> memref<768xf32, #tpu.memory_space<hbm>>
      %dma_start3A_40 = tpu.memref_slice %arg3[%mul3A_2] : memref<24576xf32, #tpu.memory_space<hbm>> -> memref<768xf32, #tpu.memory_space<hbm>>
      tpu.enqueue_dma source(%arg11 : memref<768xf32, #tpu.memory_space<vmem>>) target(%dma_start3A_40 : memref<768xf32, #tpu.memory_space<hbm>>) target_semaphore(%run_scoped3A : memref<!tpu.dma_semaphore, #tpu.memory_space<semaphore_mem>>)
      %dma_wait3A = tpu.memref_slice %arg3[%mul3A_2] : memref<24576xf32, #tpu.memory_space<hbm>> -> memref<768xf32, #tpu.memory_space<hbm>>
      %dma_wait3A_41 = tpu.memref_slice %arg3[%mul3A_2] : memref<24576xf32, #tpu.memory_space<hbm>> -> memref<768xf32, #tpu.memory_space<hbm>>
      tpu.wait_dma2 semaphore(%run_scoped3A : memref<!tpu.dma_semaphore, #tpu.memory_space<semaphore_mem>>) src(%arg11 : memref<768xf32, #tpu.memory_space<vmem>>) dst(%dma_wait3A_41 : memref<768xf32, #tpu.memory_space<hbm>>)
      tpu.yield
    }) : () -> ()
    return
  }
}

</mosaic_0001>

<sc_bundles>
// kernel: _weldon_sc.3.cloned.1.call-start
scs
__scs_entry_jumppad:
0x0: {  	(pc) =	sbr.rel $0x88, $3  }
0x1: {  	(tag) =	ssettag $0x0;
	lr =	simm.s32 $0x1  }
0x2: {  	[smem:$0x3FA0] =	sst lr;
	_ =	strace $0xD0000000  }
0x3: {  	_ = 	snop  }
0x4: {  	_ = 	snop  }
0x5: {  	_ = 	snop  }
0x6: {  	_ = 	snop  }
0x7: {  	_ = 	snop  }
__scs_overlays_trampoline_lowered:
0x8: {  	[smem:$0x3FAF] =	sst s0  }
0x9: {  	[smem:$0x3FB0] =	sst s1  }
0xa: {  	[smem:$0x3FB1] =	sst s2  }
0xb: {  	[smem:$0x3FB2] =	sst s3  }
0xc: {  	[smem:$0x3FB3] =	sst s4  }
0xd: {  	[smem:$0x3FB4] =	sst s5  }
0xe: {  	[smem:$0x3FB5] =	sst s6  }
0xf: {  	[smem:$0x3FB6] =	sst s7  }
0x10: {  	[smem:$0x3FB7] =	sst s8  }
0x11: {  	[smem:$0x3FB8] =	sst s9;
	s0 =	simm.s32 @!p0 $0x0  }
0x12: {  	s1 =	sld [smem:$0x3F9E];
	s0 =	simm.s32 @p0 $0x1  }
0x13: {  	[smem:$0x3FB9] =	sst s0;
	s0 =	simm.s32 @!p1 $0x0  }
0x14: {  	s2 =	sld [smem:$0x3F9D];
	s0 =	simm.s32 @p1 $0x1  }
0x15: {  	[smem:$0x3FBA] =	sst s0;
	s0 =	simm.s32 @!p2 $0x0  }
0x16: {  	s3 =	sld [smem:$0x3FDB];
	s0 =	simm.s32 @p2 $0x1  }
0x17: {  	s4 =	simm.s32 $0x1BF5;
	[smem:$0x3FBC] =	sst s0  }
0x18: {  	s0 =	sld [smem:$0x3F9F];
	_ =	swait.ge [sflag:s4], $0x0  }
0x19: {  	s7 =	sld [smem:$0x3FA0]  }
0x1a: {  	s8 =	sadd.s32 $0xFFFFE003, lr  }
0x1b: {  	s9 =	sadd.s32 $0xFFFFFEF7, lr;
	s5 =	simm.s32 $0xFFFFFFFF;
	p2 =	slt.u32 s8, $0xFFFFF086  }
0x1c: {  	p1 =	slt.u32 s9, $0xF7A;
	s5 =	simm.s32 @!p2 $0x0  }
0x1d: {  	s5 =	simm.s32 @p1 $0x1;
	p0 =	seq.s32 s7, s2  }
0x1e: {  	s7 =	smul.u32 @!p0 $0xF7A, s2;
	p2 =	seq.s32 @!p0 s5, $0x0  }
0x1f: {  	s9 =	smul.u32 $0xF7A, s1;
	s8 =	simm.s32 @!p0 $0x1BF5;
	p2 =	por !p2, p0  }
0x20: {  	[sflag:s8] =	ssyncset.s32 @!p0 $0xFFFFF086;
	s6 =	sadd.s32 @!p0 s3, s7;
	s7 =	simm.s32 @!p0 $0x108  }
0x21: {  	s3 =	sadd.s32 s3, s9;
	s6 =	sadd.s32 @!p0 $0x88, s6;
	s7 =	simm.s32 @p2 $0x1082  }
0x22: {  	[simem:s7], [sflag:s8] =	dma.local @!p0 [hbm:s6], $0xF7A  }
0x23: {  	s9 =	sor.u32 $0xD0000000, s2;
	s6 =	simm.s32 $0x108;
	_ =	swait.ge @!p0 [sflag:s8], $0x0  }
0x24: {  	s3 =	sadd.s32 $0x88, s3;
	s6 =	simm.s32 @!p1 $0x1082;
	[sflag:s4] =	ssyncset.s32 $0xFFFFF086  }
0x25: {  	[simem:s6], [sflag:s4] =	dma.local [hbm:s3], $0xF7A  }
0x26: {  	[smem:$0x3FA0] =	sst s1;
	(tag) =	ssettag s2;
	_ =	strace s9  }
0x27: {  	s1 =	sld [smem:$0x3FB0]  }
0x28: {  	s2 =	sld [smem:$0x3FB1]  }
0x29: {  	s4 =	sld [smem:$0x3FB3]  }
0x2a: {  	p0 =	seq.s32 s5, $0x0;
	s5 =	sld [smem:$0x3FB4]  }
0x2b: {  	s6 =	sld [smem:$0x3FB5]  }
0x2c: {  	s7 =	sld [smem:$0x3FB6]  }
0x2d: {  	s3 =	simm.s32 $0x108;
	s8 =	sld [smem:$0x3FB7]  }
0x2e: {  	s3 =	simm.s32 @!p0 $0x1082;
	s9 =	sld [smem:$0x3FB8]  }
0x2f: {  	lr =	sadd.s32 s0, s3;
	s0 =	sld [smem:$0x3FAF]  }
0x30: {  	s3 =	sld [smem:$0x3FB2]  }
0x31: {  	[smem:$0x3FBB] =	sst s10  }
0x32: {  	s10 =	sld [smem:$0x3FB9];
	_ =	sdelay $0x3  }
0x33: {  	p0 =	seq.s32 s10, $0x1;
	s10 =	sld [smem:$0x3FBB];
	_ =	sdelay $0x3  }
0x34: {  	[smem:$0x3FBB] =	sst s10  }
0x35: {  	s10 =	sld [smem:$0x3FBA];
	_ =	sdelay $0x3  }
0x36: {  	p1 =	seq.s32 s10, $0x1;
	s10 =	sld [smem:$0x3FBB];
	_ =	sdelay $0x3  }
0x37: {  	[smem:$0x3FBB] =	sst s10  }
0x38: {  	s10 =	sld [smem:$0x3FBC]  }
0x39: {  	_ = 	snop;
	(pc) =	sbr.ind lr, $3  }
0x3a: {  	_ = 	snop  }
0x3b: {  	_ = 	snop  }
0x3c: {  	p2 =	seq.s32 s10, $0x1;
	s10 =	sld [smem:$0x3FBB]  }
0x3d: {  	_ =	shalt  }
0x3e: {  	_ =	shalt  }
0x3f: {  	_ =	shalt  }
0x40: {  	_ =	shalt  }
0x41: {  	_ =	shalt  }
0x42: {  	_ =	shalt  }
0x43: {  	_ =	shalt  }
0x44: {  	_ =	shalt  }
0x45: {  	_ =	shalt  }
0x46: {  	_ =	shalt  }
0x47: {  	_ =	shalt  }
0x48: {  	_ =	shalt  }
0x49: {  	_ =	shalt  }
0x4a: {  	_ =	shalt  }
0x4b: {  	_ =	shalt  }
0x4c: {  	_ =	shalt  }
0x4d: {  	_ =	shalt  }
0x4e: {  	_ =	shalt  }
0x4f: {  	_ =	shalt  }
0x50: {  	_ =	shalt  }
0x51: {  	_ =	shalt  }
0x52: {  	_ =	shalt  }
0x53: {  	_ =	shalt  }
0x54: {  	_ =	shalt  }
0x55: {  	_ =	shalt  }
0x56: {  	_ =	shalt  }
0x57: {  	_ =	shalt  }
0x58: {  	_ =	shalt  }
0x59: {  	_ =	shalt  }
0x5a: {  	_ =	shalt  }
0x5b: {  	_ =	shalt  }
0x5c: {  	_ =	shalt  }
0x5d: {  	_ =	shalt  }
0x5e: {  	_ =	shalt  }
0x5f: {  	_ =	shalt  }
0x60: {  	_ =	shalt  }
0x61: {  	_ =	shalt  }
0x62: {  	_ =	shalt  }
0x63: {  	_ =	shalt  }
0x64: {  	_ =	shalt  }
0x65: {  	_ =	shalt  }
0x66: {  	_ =	shalt  }
0x67: {  	_ =	shalt  }
0x68: {  	_ =	shalt  }
0x69: {  	_ =	shalt  }
0x6a: {  	_ =	shalt  }
0x6b: {  	_ =	shalt  }
0x6c: {  	_ =	shalt  }
0x6d: {  	_ =	shalt  }
0x6e: {  	_ =	shalt  }
0x6f: {  	_ =	shalt  }
0x70: {  	_ =	shalt  }
0x71: {  	_ =	shalt  }
0x72: {  	_ =	shalt  }
0x73: {  	_ =	shalt  }
0x74: {  	_ =	shalt  }
0x75: {  	_ =	shalt  }
0x76: {  	_ =	shalt  }
0x77: {  	_ =	shalt  }
0x78: {  	_ =	shalt  }
0x79: {  	_ =	shalt  }
0x7a: {  	_ =	shalt  }
0x7b: {  	_ =	shalt  }
0x7c: {  	_ =	shalt  }
0x7d: {  	_ =	shalt  }
0x7e: {  	_ =	shalt  }
0x7f: {  	_ =	shalt  }
0x80: {  	_ =	shalt  }
0x81: {  	_ =	shalt  }
0x82: {  	_ =	shalt  }
0x83: {  	_ =	shalt  }
0x84: {  	_ =	shalt  }
0x85: {  	_ =	shalt  }
0x86: {  	_ =	shalt  }
0x87: {  	_ =	shalt  }
.Lfunc_end0:
.L_simem_size_0:
called_computation_lowered:
.L_overlay_start_0:
0x88: {  	s2 =	sld [smem:$0x3FD9]  }
0x89: {  	s3 =	sld [smem:$0x3FFE];
	_ =	sdelay $0x1  }
0x8a: {  	s1 =	srdreg.scid  }
0x8b: {  	s0 =	sand.u32 $0x1, s1  }
0x8c: {  	s18 =	sshll.u32 s0, $0xA;
	s2 =	sadd.s32 s3, s2  }
0x8d: {  	s2 =	sadd.s32 s2, s18  }
0x8e: {  	[smem:$0x3FC7] =	sst s2  }
0x8f: {  	_ = 	snop  }
0x90: {  	s2 =	sld [smem:$0x3FC9]  }
0x91: {  	s19 =	sld [smem:$0x3FD0];
	(tm) =	ssettm $0x1  }
0x92: {  	s4 =	sld [smem:$0x3FFB];
	_ =	sdelay $0x3  }
0x93: {  	_ =	strace s4  }
0x94: {  	s4 =	sld [smem:$0x3FFC];
	_ =	sdelay $0x3  }
0x95: {  	_ =	strace s4  }
0x96: {  	s4 =	sld [smem:$0x3FFD];
	_ =	sdelay $0x3  }
0x97: {  	_ =	strace s4  }
0x98: {  	_ =	strace $0x8FFFFFFF  }
0x99: {  	s20 =	sld [smem:$0x3FDB];
	_ =	sdelay $0x1  }
0x9a: {  	s5 =	simm.s32 $_scs_section_size  }
0x9b: {  	s6 =	simm.s32 $_size__tile_overlayer_lowered;
	s7 =	simm.s32 $_tile_overlayer_lowered  }
0x9c: {  	s23 =	simm.s32 $0x1BFF;
	s22 =	sshll.u32 s7, $0x1;
	s4 =	sadd.s32 s5, s20  }
0x9d: {  	s8 =	simm.s32 $0x0;
	s21 =	sshll.u32 s6, $0x1;
	s6 =	sadd.s32 s22, s4  }
0x9e: {  	[timem:s8], [sflag:s23] =	dma.local [hbm:s6], s21  }
0x9f: {  	_ =	swait.ge [sflag:s23], s21  }
0xa0: {  	s5 =	ssub.s32 $0x0, s21;
	[sflag:s23] =	ssyncset.done $0x0  }
0xa1: {  	[sflag:s23] =	ssyncadd.s32 s5;
	_ =	sdelay $0x1  }
0xa2: {  	s24 =	simm.s32 $0x1B8B  }
0xa3: {  	_ =	swait.ge [sflag:s24], $0x1  }
0xa4: {  	[sflag:s24] =	ssyncset.done $0x0  }
0xa5: {  	s25 =	simm.s32 $0x1B8E;
	[sflag:s24] =	ssyncadd.s32 $0xFFFFFFFF  }
0xa6: {  	s26 =	simm.s32 $execute0_lowered;
	[smem:$0x3FD2] =	sst s25  }
0xa7: {  	s5 =	sshll.u32 s26, $0x1;
	_ =	strace $0x80000046;
	[dreg:$0x1] =	wrdreg $0xFFFFFFFF  }
0xa8: {  	s28 =	simm.s32 $_size_execute0_lowered;
	s4 =	sadd.s32 s4, s5;
	[dreg:$0x0] =	wrdreg $0x0  }
0xa9: {  	s5 =	sshll.u32 s28, $0x1;
	[dreg:$0x2] =	wrdreg s4  }
0xaa: {  	[dreg:$0x3] =	wrdreg s5  }
0xab: {  	[dreg:$0x4] =	wrdreg $0xC0  }
0xac: {  	_ =	task [dreg:s8], $0x5FFFF  }
0xad: {  	[dreg:$0x1] =	wrdreg $0xFFFFFFFF  }
0xae: {  	[dreg:$0x0] =	wrdreg $0x60  }
0xaf: {  	[dreg:$0x2] =	wrdreg s2  }
0xb0: {  	[dreg:$0x3] =	wrdreg s19  }
0xb1: {  	[dreg:$0x4] =	wrdreg $0x9  }
0xb2: {  	_ =	task.clear_ibuf [dreg:s8], $0x5FFFF;
	_ =	strace $0x90000046  }
0xb3: {  	s29 =	simm.s32 $0x9;
	_ =	strace $0x80000048  }
0xb4: {  	_ =	swait.ge [sflag:s29], $0x1  }
0xb5: {  	[sflag:s29] =	ssyncadd.s32 $0xFFFFFFFF  }
0xb6: {  	_ =	strace $0x90000048  }
0xb7: {  	_ =	sfence  }
0xb8: {  	s30 =	sld [smem:$0x0];
	_ =	sdelay $0x2  }
0xb9: {  	s31 =	sshll.u32 s1, $0xD;
	s1 =	sshrl.u32 s1, $0x2  }
0xba: {  	s3 =	sand.u32 $0x4000, s31;
	s1 =	sadd.s32 s1, s30  }
0xbb: {  	s0 =	sor.u32 s3, s0;
	s1 =	sshll.u32 s1, $0x11  }
0xbc: {  	s0 =	sor.u32 s1, s0  }
0xbd: {  	s0 =	sadd.s32 $0x8F2B, s0  }
0xbe: {  	[sflag:s0] =	ssyncadd.remote.s32 $0x1  }
0xbf: {  	_ =	sfence.sel $0xFFFF  }
0xc0: {  	[dreg:$0x0] =	wrdreg $0xFFFFFFFF;
	(pc) =	sbr.abs _section_cstart, $3  }
0xc1: {  	[dreg:$0x1] =	wrdreg $0xFFFFFFFF  }
0xc2: {  	_ =	task.clear_ibuf [dreg:s8], $0x2FFFF;
	_ =	strace $0x9FFFFFFF  }
0xc3: {  	(tm) =	ssettm $0x7FFFFFFF  }
tec
execute0_lowered:
.L_overlay_start_1:
0x0: {  	(tag) =	ssettag $0x1  }
0x1: {  	s1 =	rddreg [dreg:$0x0]  }
0x2: {  	s8 =	rddreg [dreg:$0x1];
	s3 =	simm.s32 $0x0  }
0x3: {  	[smem:$0x7FF] =	sst s3  }
0x4: {  	s0 =	rddreg [dreg:$0x2];
	s4 =	srdreg.scid;
	v0 =	vimm.f32 $5.800000000e+01;
	_ =	strace $0x80000047  }
0x5: {  	s2 =	stileid.u32;
	s11 =	simm.s32 $0x1;
	s12 =	simm.s32 $0xD800;
	(erf) = vrcp.f32 v0  }
0x6: {  	s13 =	simm.s32 $0x14680;
	s4 =	sand.u32 $0x1, s4;
	s5 =	sshll.u32 s2, $0x1  }
0x7: {  	s14 =	simm.s32 $0x16680;
	s15 =	simm.s32 $0x15680;
	s5 =	sor.u32 s4, s5  }
0x8: {  	s16 =	simm.s32 $0x17680;
	s17 =	simm.s32 $0x2;
	s6 =	smul.u32 $0x6C000, s5  }
0x9: {  	s18 =	simm.s32 $0x18680;
	s4 =	ssub.s32 $0x2, s4;
	s7 =	smul.u32 $0x300, s5  }
0xa: {  	s19 =	simm.s32 $0x3;
	s9 =	sshrl.u32 s4, $0x1;
	s5 =	smul.u32 $0xD800, s5  }
0xb: {  	s20 =	simm.s32 $0x0;
	s9 =	ssub.s32 s4, s9;
	s6 =	sshrl.u32 s6, $0x3  }
0xc: {  	s4 =	sadd.s32 s1, s5;
	s10 =	sshrl.u32 s7, $0x3;
	s9 =	smax.u32 s9, $0x1  }
0xd: {  	v1 =	vlaneseq.u32;
	v5 =	vimm.s32 $0x1;
	s6 =	sadd.s32 s1, s6;
	s8 =	sadd.s32 s8, s10;
	s10 =	simm.s32 $0x6C00  }
0xe: {  	v3 =	vmul.u32 $0x31, v1;
	v4 =	vor.u32 $0x800, v1;
	v0 =	vimm.s32 $0x0;
	s5 =	sadd.s32 $0xD80, s6;
	s6 =	sor.u32 $0x60, s7;
	s7 =	sor.u32 $0x90, s7;
	v2 =	vpop (erf)  }
.LBB2_1:
0xf: {  	s21 =	simm.s32 $0x40;
	s22 =	simm.s32 $0x0  }
.LBB2_2:
0x10: {  	p0 =	sne.s32 s21, $0x3FC0;
	[tilespmem:s22+$0x14680] =	vst v0;
	s23 =	smov.u32 s21;
	s21 =	sadd.s32 $0x40, s21  }
.Ltmp0:
0x11: {  	[tilespmem:s22+$0x15680] =	vst v0;
	(pc) =	sbr.rel @p0 .LBB2_2-.Ltmp0, $2  }
0x12: {  	_ =	sdelay $0x2  }
0x13: {  	s22 =	sshra.s32 s23, $0x2  }
0x14: {  	[tilespmem:s22+$0x14680] =	vst v0  }
0x15: {  	[tilespmem:s22+$0x15680] =	vst v0;
	s21 =	simm.s32 $0x0  }
0x16: {  	[tilespmem:s21], [sflag:$0x1] =	stream.linear.gather [hbm4b:s4+s21], $0x6C00, $0x38;
	[tilespmem:$0x18980] =	vst v63  }
0x17: {  	_ = 	snop  }
0x18: {  	[tilespmem:s10], [sflag:$0x2] =	stream.linear.gather [hbm4b:s5+s21], $0x6C00, $0x38;
	[tilespmem:$0x18980] =	vst v63  }
.LBB2_4:
0x19: {  	_ =	swait.ge [sflag:s11], $0x6C00  }
0x1a: {  	[sflag:s11] =	ssyncset.done $0x0  }
0x1b: {  	s22 =	simm.s32 $0x20;
	s23 =	simm.s32 $0x0;
	[sflag:s11] =	ssyncadd.s32 $0xFFFF9400  }
.LBB2_5:
0x1c: {  	v6 =	vmov s22;
	_ =	sdelay $0x3  }
0x1d: {  	s24 =	simm.s32 $0x0  }
0x1e: {  	v7 =	vld.idx.msk [tilespmem:v6+s24+$0xFFFFFFE0 ss:$0x1], $0xffff;
	_ =	sdelay $0x2  }
0x1f: {  	v8 =	vadd.s32 s23, v3;
	_ =	sdelay $0x1  }
0x20: {  	v9 =	vshra.s32 v7, $0x1F  }
0x21: {  	v9 =	vand.u32 $0x7FFFFFFF, v9  }
0x22: {  	v7 =	vxor.u32 v7, v9  }
0x23: {  	[tilespmem:v8+s12+$0x0] =	vst.idx.msk $0xffff, v7  }
0x24: {  	v7 =	vld.idx.msk [tilespmem:v6+s24+$0xFFFFFFF0 ss:$0x1], $0xffff;
	_ =	sdelay $0x1  }
0x25: {  	s25 =	sadd.s32 $0x310, s23  }
0x26: {  	v8 =	vadd.s32 s25, v3;
	_ =	sdelay $0x1  }
0x27: {  	v9 =	vshra.s32 v7, $0x1F  }
0x28: {  	v9 =	vand.u32 $0x7FFFFFFF, v9  }
0x29: {  	v7 =	vxor.u32 v7, v9  }
0x2a: {  	[tilespmem:v8+s12+$0x0] =	vst.idx.msk $0xffff, v7  }
0x2b: {  	v7 =	vld.idx.msk [tilespmem:v6+s24+$0x0 ss:$0x1], $0xffff;
	_ =	sdelay $0x1  }
0x2c: {  	s30 =	sadd.s32 $0x620, s23  }
0x2d: {  	v8 =	vadd.s32 s30, v3;
	_ =	sdelay $0x1  }
0x2e: {  	v9 =	vshra.s32 v7, $0x1F  }
0x2f: {  	v9 =	vand.u32 $0x7FFFFFFF, v9  }
0x30: {  	v7 =	vxor.u32 v7, v9  }
0x31: {  	[tilespmem:v8+s12+$0x0] =	vst.idx.msk $0xffff, v7  }
0x32: {  	v8 =	vld.idx.msk [tilespmem:v6+s24+$0x10 ss:$0x1], $0xffff;
	_ =	sdelay $0x4  }
0x33: {  	s31 =	sadd.s32 $0x930, s23;
	v7 =	vshra.s32 v8, $0x1F  }
0x34: {  	v9 =	vand.u32 $0x7FFFFFFF, v7;
	v7 =	vadd.s32 s31, v3;
	_ =	sdelay $0x2  }
0x35: {  	s28 =	simm.s32 $0x200;
	s25 =	simm.s32 $0x100;
	s24 =	smov.u32 s23;
	v8 =	vxor.u32 v8, v9  }
.LBB2_6:
0x36: {  	s29 =	sshra.s32 s25, $0x2  }
0x37: {  	[tilespmem:v7+s12+$0x0] =	vst.idx.msk $0xffff, v8;
	s24 =	sadd.s32 $0xC40, s24;
	s25 =	smov.u32 s28;
	s26 =	sadd.s32 $0x100, s28  }
0x38: {  	p0 =	sne.s32 s28, $0x800;
	v7 =	vld.idx.msk [tilespmem:v6+s29+$0xFFFFFFE0 ss:$0x1], $0xffff;
	_ =	sdelay $0x3  }
0x39: {  	v8 =	vadd.s32 s24, v3;
	_ =	sdelay $0x1  }
0x3a: {  	v9 =	vshra.s32 v7, $0x1F  }
0x3b: {  	v9 =	vand.u32 $0x7FFFFFFF, v9  }
0x3c: {  	v7 =	vxor.u32 v7, v9  }
0x3d: {  	[tilespmem:v8+s12+$0x0] =	vst.idx.msk $0xffff, v7  }
0x3e: {  	v7 =	vld.idx.msk [tilespmem:v6+s29+$0xFFFFFFF0 ss:$0x1], $0xffff;
	_ =	sdelay $0x2  }
0x3f: {  	s28 =	sadd.s32 $0x310, s24  }
0x40: {  	v8 =	vadd.s32 s28, v3;
	_ =	sdelay $0x1  }
0x41: {  	v9 =	vshra.s32 v7, $0x1F  }
0x42: {  	v9 =	vand.u32 $0x7FFFFFFF, v9  }
0x43: {  	v7 =	vxor.u32 v7, v9  }
0x44: {  	[tilespmem:v8+s12+$0x0] =	vst.idx.msk $0xffff, v7  }
0x45: {  	v7 =	vld.idx.msk [tilespmem:v6+s29+$0x0 ss:$0x1], $0xffff;
	_ =	sdelay $0x2  }
0x46: {  	s28 =	sadd.s32 $0x620, s24  }
0x47: {  	v8 =	vadd.s32 s28, v3;
	_ =	sdelay $0x1  }
0x48: {  	v9 =	vshra.s32 v7, $0x1F  }
0x49: {  	v9 =	vand.u32 $0x7FFFFFFF, v9  }
0x4a: {  	v7 =	vxor.u32 v7, v9  }
0x4b: {  	[tilespmem:v8+s12+$0x0] =	vst.idx.msk $0xffff, v7  }
0x4c: {  	v8 =	vld.idx.msk [tilespmem:v6+s29+$0x10 ss:$0x1], $0xffff;
	_ =	sdelay $0x2  }
0x4d: {  	s28 =	sadd.s32 $0x930, s24  }
.Ltmp1:
0x4e: {  	v7 =	vadd.s32 s28, v3;
	(pc) =	sbr.rel @p0 .LBB2_6-.Ltmp1, $4  }
0x4f: {  	_ = 	snop  }
0x50: {  	v9 =	vshra.s32 v8, $0x1F  }
0x51: {  	v9 =	vand.u32 $0x7FFFFFFF, v9  }
0x52: {  	s28 =	smov.u32 s26;
	v8 =	vxor.u32 v8, v9  }
0x53: {  	_ =	sdelay $0x3  }
0x54: {  	s25 =	sshra.s32 s25, $0x2;
	[tilespmem:v7+s12+$0x0] =	vst.idx.msk $0xffff, v8  }
0x55: {  	v7 =	vld.idx.msk [tilespmem:v6+s25+$0xFFFFFFE0 ss:$0x1], $0xffff;
	_ =	sdelay $0x1  }
0x56: {  	s24 =	sadd.s32 $0xC40, s24  }
0x57: {  	v58 =	vadd.s32 s24, v3;
	_ =	sdelay $0x1  }
0x58: {  	v9 =	vshra.s32 v7, $0x1F  }
0x59: {  	v9 =	vand.u32 $0x7FFFFFFF, v9  }
0x5a: {  	v7 =	vxor.u32 v7, v9  }
0x5b: {  	[tilespmem:v58+s12+$0x0] =	vst.idx.msk $0xffff, v7  }
0x5c: {  	v7 =	vld.idx.msk [tilespmem:v6+s25+$0xFFFFFFF0 ss:$0x1], $0xffff;
	_ =	sdelay $0x1  }
0x5d: {  	s26 =	sadd.s32 $0x310, s24  }
0x5e: {  	v59 =	vadd.s32 s26, v3;
	_ =	sdelay $0x1  }
0x5f: {  	v60 =	vshra.s32 v7, $0x1F  }
0x60: {  	v9 =	vand.u32 $0x7FFFFFFF, v60  }
0x61: {  	v7 =	vxor.u32 v7, v9  }
0x62: {  	[tilespmem:v59+s12+$0x0] =	vst.idx.msk $0xffff, v7  }
0x63: {  	v7 =	vld.idx.msk [tilespmem:v6+s25+$0x0 ss:$0x1], $0xffff;
	_ =	sdelay $0x1  }
0x64: {  	s31 =	sadd.s32 $0x620, s24  }
0x65: {  	v61 =	vadd.s32 s31, v3;
	_ =	sdelay $0x1  }
0x66: {  	v62 =	vshra.s32 v7, $0x1F  }
0x67: {  	v9 =	vand.u32 $0x7FFFFFFF, v62  }
0x68: {  	v7 =	vxor.u32 v7, v9  }
0x69: {  	[tilespmem:v61+s12+$0x0] =	vst.idx.msk $0xffff, v7  }
0x6a: {  	v6 =	vld.idx.msk [tilespmem:v6+s25+$0x10 ss:$0x1], $0xffff;
	_ =	sdelay $0x1  }
0x6b: {  	s23 =	sadd.s32 $0x1, s23;
	s24 =	sadd.s32 $0x930, s24  }
0x6c: {  	p0 =	sne.s32 s23, $0x30;
	v7 =	vadd.s32 s24, v3  }
.Ltmp2:
0x6d: {  	_ = 	snop;
	(pc) =	sbr.rel @p0 .LBB2_5-.Ltmp2, $4  }
0x6e: {  	v63 =	vshra.s32 v6, $0x1F  }
0x6f: {  	v8 =	vand.u32 $0x7FFFFFFF, v63  }
0x70: {  	v6 =	vxor.u32 v6, v8  }
0x71: {  	s22 =	sadd.s32 $0x240, s22;
	[tilespmem:v7+s12+$0x0] =	vst.idx.msk $0xffff, v6  }
0x72: {  	p0 =	seq.s32 s21, $0x7  }
0x73: {  	s22 =	smul.u32 @!p0 $0x60, s21;
	_ =	sdelay $0x1  }
0x74: {  	s23 =	sadd.s32 @!p0 s22, s6  }
0x75: {  	s23 =	smul.u32 @!p0 $0x48, s23;
	_ =	sdelay $0x1  }
0x76: {  	s25 =	smul.u32 $0x180, s21;
	s24 =	simm.s32 @!p0 $0x0;
	s23 =	sadd.s32 @!p0 s1, s23  }
0x77: {  	[tilespmem:s24], [sflag:$0x1] =	stream.linear.gather @!p0 [hbm4b:s23+s24], $0x6C00, $0x38;
	[tilespmem:$0x18980] =	vst v63  }
0x78: {  	s23 =	sshra.s32 s25, $0x2  }
0x79: {  	s26 =	sadd.s32 $0x18680, s23  }
0x7a: {  	s24 =	simm.s32 $0x0;
	s25 =	simm.s32 $0xD8C4;
	v6 =	vmov s26  }
.LBB2_9:
0x7b: {  	v7 =	vmov s25;
	_ =	sdelay $0x2  }
0x7c: {  	s26 =	sshll.u32 s24, $0x4;
	s28 =	simm.s32 $0x0  }
.LBB2_10:
0x7d: {  	s29 =	sshra.s32 s28, $0x2  }
0x7e: {  	v8 =	vld.idx.msk [tilespmem:v7+s29+$0xFFFFFF3C ss:$0x1], $0xffff;
	_ =	sdelay $0x4  }
0x7f: {  	v8 =	vshrl.u32 v8, $0x14  }
0x80: {  	v8 =	vand.u32 $0xFF0, v8  }
0x81: {  	v8 =	vxor.u32 v4, v8;
	_ =	sdelay $0x4  }
0x82: {  	[tilespmem:v8+s13+$0x0] =	vst.idx.add.s32.msk $0xffff, v5  }
0x83: {  	v8 =	vld.idx.msk [tilespmem:v7+s29+$0xFFFFFF6D ss:$0x1], $0xffff;
	_ =	sdelay $0x4  }
0x84: {  	v8 =	vshrl.u32 v8, $0x14  }
0x85: {  	v8 =	vand.u32 $0xFF0, v8  }
0x86: {  	v8 =	vxor.u32 v4, v8;
	_ =	sdelay $0x4  }
0x87: {  	[tilespmem:v8+s13+$0x0] =	vst.idx.add.s32.msk $0xffff, v5  }
0x88: {  	v8 =	vld.idx.msk [tilespmem:v7+s29+$0xFFFFFF9E ss:$0x1], $0xffff;
	_ =	sdelay $0x4  }
0x89: {  	v8 =	vshrl.u32 v8, $0x14  }
0x8a: {  	v8 =	vand.u32 $0xFF0, v8  }
0x8b: {  	v8 =	vxor.u32 v4, v8;
	_ =	sdelay $0x4  }
0x8c: {  	[tilespmem:v8+s13+$0x0] =	vst.idx.add.s32.msk $0xffff, v5  }
0x8d: {  	v8 =	vld.idx.msk [tilespmem:v7+s29+$0xFFFFFFCF ss:$0x1], $0xffff;
	_ =	sdelay $0x4  }
0x8e: {  	v8 =	vshrl.u32 v8, $0x14  }
0x8f: {  	v8 =	vand.u32 $0xFF0, v8  }
0x90: {  	v8 =	vxor.u32 v4, v8;
	_ =	sdelay $0x4  }
0x91: {  	[tilespmem:v8+s13+$0x0] =	vst.idx.add.s32.msk $0xffff, v5  }
0x92: {  	v8 =	vld.idx.msk [tilespmem:v7+s29+$0x0 ss:$0x1], $0xffff;
	_ =	sdelay $0x4  }
0x93: {  	v8 =	vshrl.u32 v8, $0x14  }
0x94: {  	v8 =	vand.u32 $0xFF0, v8  }
0x95: {  	v8 =	vxor.u32 v4, v8;
	_ =	sdelay $0x4  }
0x96: {  	[tilespmem:v8+s13+$0x0] =	vst.idx.add.s32.msk $0xffff, v5  }
0x97: {  	v8 =	vld.idx.msk [tilespmem:v7+s29+$0x31 ss:$0x1], $0xffff;
	_ =	sdelay $0x4  }
0x98: {  	v8 =	vshrl.u32 v8, $0x14  }
0x99: {  	v8 =	vand.u32 $0xFF0, v8  }
0x9a: {  	v8 =	vxor.u32 v4, v8;
	_ =	sdelay $0x4  }
0x9b: {  	[tilespmem:v8+s13+$0x0] =	vst.idx.add.s32.msk $0xffff, v5  }
0x9c: {  	v8 =	vld.idx.msk [tilespmem:v7+s29+$0x62 ss:$0x1], $0xffff;
	_ =	sdelay $0x4  }
0x9d: {  	v8 =	vshrl.u32 v8, $0x14  }
0x9e: {  	v8 =	vand.u32 $0xFF0, v8  }
0x9f: {  	v8 =	vxor.u32 v4, v8;
	_ =	sdelay $0x4  }
0xa0: {  	[tilespmem:v8+s13+$0x0] =	vst.idx.add.s32.msk $0xffff, v5  }
0xa1: {  	v8 =	vld.idx.msk [tilespmem:v7+s29+$0x93 ss:$0x1], $0xffff;
	_ =	sdelay $0x4  }
0xa2: {  	v8 =	vshrl.u32 v8, $0x14  }
0xa3: {  	v8 =	vand.u32 $0xFF0, v8  }
0xa4: {  	p1 =	sne.s32 s28, $0x1B2E0;
	v8 =	vxor.u32 v4, v8  }
.Ltmp3:
0xa5: {  	_ = 	snop;
	(pc) =	sbr.rel @p1 .LBB2_10-.Ltmp3, $2  }
0xa6: {  	_ =	sdelay $0x2  }
0xa7: {  	s28 =	sadd.s32 $0x620, s28;
	[tilespmem:v8+s13+$0x0] =	vst.idx.add.s32.msk $0xffff, v5  }
0xa8: {  	s28 =	simm.s32 $0x0  }
0xa9: {  	v8 =	vld [tilespmem:s28+$0x14680]  }
0xaa: {  	v9 =	vld [tilespmem:s28+$0x14690]  }
0xab: {  	[tilespmem:s28+$0x14680] =	vst v0;
	v10 =	vld [tilespmem:s28+$0x146A0]  }
0xac: {  	[tilespmem:s28+$0x14690] =	vst v0;
	v11 =	vld [tilespmem:s28+$0x146B0]  }
0xad: {  	v15 =	vimm.s32 $0x0;
	[tilespmem:s28+$0x146A0] =	vst v0  }
0xae: {  	[tilespmem:s28+$0x146B0] =	vst v0;
	v8 =	vadd.s32 v15, v8  }
0xaf: {  	[tilespmem:s28+$0x16680] =	vst v8;
	v9 =	vadd.s32 v8, v9  }
0xb0: {  	[tilespmem:s28+$0x16690] =	vst v9;
	v10 =	vadd.s32 v9, v10  }
0xb1: {  	[tilespmem:s28+$0x166A0] =	vst v10;
	v11 =	vadd.s32 v10, v11  }
0xb2: {  	[tilespmem:s28+$0x166B0] =	vst v11;
	s28 =	simm.s32 $0x40  }
0xb3: {  	v12 =	vld [tilespmem:s28+$0x14680]  }
0xb4: {  	v16 =	vadd.s32 $0xFFFFFDBF, v8;
	vm4 =	vlt.s32 v8, $0x3A;
	v18 =	vadd.s32 $0xFFFFFDBF, v9;
	v13 =	vld [tilespmem:s28+$0x14690]  }
0xb5: {  	vm3 =	vlt.s32 v16, $0xFFFFFFC6;
	v14 =	vadd.s32 $0xFFFFFDBF, v10;
	vm0 =	vlt.s32 v10, $0x3A;
	[tilespmem:s28+$0x14680] =	vst v0;
	v10 =	vld [tilespmem:s28+$0x146A0]  }
0xb6: {  	vm2 =	vlt.s32 v9, $0x3A;
	v20 =	vsel vm4, $0x1, v0;
	v16 =	vsel vm3, $0x1, v0;
	[tilespmem:s28+$0x14690] =	vst v0;
	v19 =	vld [tilespmem:s28+$0x146B0]  }
0xb7: {  	v21 =	vsel vm2, $0x1, v0;
	vm2 =	vlt.s32 v18, $0xFFFFFFC6;
	v17 =	vadd.s32 $0xFFFFFDBF, v11;
	[tilespmem:s28+$0x146A0] =	vst v0  }
0xb8: {  	vm1 =	vlt.s32 v11, $0x3A;
	v18 =	vsel vm2, $0x1, v0;
	[tilespmem:s28+$0x146B0] =	vst v0;
	v8 =	vadd.s32 v11, v12  }
0xb9: {  	v16 =	vadd.s32 v16, v15;
	v15 =	vadd.s32 v20, v15;
	[tilespmem:s28+$0x16680] =	vst v8;
	v9 =	vadd.s32 v8, v13  }
0xba: {  	v16 =	vadd.s32 v18, v16;
	v15 =	vadd.s32 v21, v15;
	[tilespmem:s28+$0x16690] =	vst v9;
	v11 =	vadd.s32 v9, v10  }
0xbb: {  	v12 =	vsel vm0, $0x1, v0;
	vm0 =	vlt.s32 v14, $0xFFFFFFC6;
	[tilespmem:s28+$0x166A0] =	vst v11;
	v10 =	vadd.s32 v11, v19  }
0xbc: {  	v14 =	vsel vm0, $0x1, v0;
	v13 =	vsel vm1, $0x1, v0;
	vm0 =	vlt.s32 v17, $0xFFFFFFC6;
	[tilespmem:s28+$0x166B0] =	vst v10;
	s28 =	simm.s32 $0x200  }
.LBB2_12:
0xbd: {  	s29 =	sshra.s32 s28, $0x2;
	p1 =	sne.s32 s28, $0x3F00;
	v14 =	vadd.s32 v14, v16;
	v12 =	vadd.s32 v12, v15;
	v15 =	vsel vm0, $0x1, v0  }
0xbe: {  	v17 =	vadd.s32 $0xFFFFFDBF, v10;
	v16 =	vld [tilespmem:s29+$0x14680];
	[tilespmem:s29+$0x14680] =	vst v0;
	v15 =	vadd.s32 v15, v14;
	v18 =	vadd.s32 v13, v12  }
0xbf: {  	vm0 =	vlt.s32 v11, $0x3A;
	vm1 =	vlt.s32 v10, $0x3A;
	v14 =	vadd.s32 $0xFFFFFDBF, v11;
	v13 =	vld [tilespmem:s29+$0x14690];
	[tilespmem:s29+$0x14690] =	vst v0  }
0xc0: {  	v19 =	vadd.s32 $0xFFFFFDBF, v9;
	vm2 =	vlt.s32 v9, $0x3A;
	v12 =	vadd.s32 $0xFFFFFDBF, v8;
	v11 =	vld [tilespmem:s29+$0x146A0];
	[tilespmem:s29+$0x146A0] =	vst v0  }
0xc1: {  	vm4 =	vlt.s32 v8, $0x3A;
	vm3 =	vlt.s32 v12, $0xFFFFFFC6;
	v20 =	vld [tilespmem:s29+$0x146B0];
	[tilespmem:s29+$0x146B0] =	vst v0  }
0xc2: {  	v22 =	vsel vm4, $0x1, v0;
	v23 =	vsel vm2, $0x1, v0;
	v21 =	vsel vm3, $0x1, v0  }
.Ltmp4:
0xc3: {  	vm2 =	vlt.s32 v19, $0xFFFFFFC6;
	v12 =	vsel vm0, $0x1, v0;
	v8 =	vadd.s32 v10, v16;
	(pc) =	sbr.rel @p1 .LBB2_12-.Ltmp4, $4  }
0xc4: {  	vm0 =	vlt.s32 v14, $0xFFFFFFC6;
	v16 =	vsel vm2, $0x1, v0;
	[tilespmem:s29+$0x16680] =	vst v8;
	v9 =	vadd.s32 v8, v13  }
0xc5: {  	v14 =	vsel vm0, $0x1, v0;
	v13 =	vsel vm1, $0x1, v0;
	[tilespmem:s29+$0x16690] =	vst v9;
	v11 =	vadd.s32 v9, v11  }
0xc6: {  	v18 =	vadd.s32 v22, v18;
	v15 =	vadd.s32 v21, v15;
	[tilespmem:s29+$0x166A0] =	vst v11;
	v10 =	vadd.s32 v11, v20  }
0xc7: {  	s28 =	sadd.s32 $0x100, s28;
	vm0 =	vlt.s32 v17, $0xFFFFFFC6;
	v16 =	vadd.s32 v16, v15;
	v15 =	vadd.s32 v23, v18;
	[tilespmem:s29+$0x166B0] =	vst v10  }
0xc8: {  	v14 =	vadd.s32 v14, v16;
	v16 =	vsel vm0, $0x1, v0  }
0xc9: {  	v12 =	vadd.s32 v12, v15;
	v15 =	vadd.s32 $0xFFFFFDBF, v10;
	vm10 =	vlt.s32 v11, $0x3A  }
0xca: {  	vm1 =	vlt.s32 v10, $0x3A;
	v10 =	vadd.s32 $0xFFFFFDBF, v8;
	vm2 =	vlt.s32 v9, $0x3A  }
0xcb: {  	vm4 =	vlt.s32 v8, $0x3A;
	v14 =	vadd.s32 v16, v14;
	v12 =	vadd.s32 v13, v12  }
0xcc: {  	v13 =	vadd.s32 $0xFFFFFDBF, v11;
	v11 =	vadd.s32 $0xFFFFFDBF, v9;
	vm3 =	vlt.s32 v10, $0xFFFFFFC6  }
0xcd: {  	v9 =	vsel vm4, $0x1, v0;
	v10 =	vsel vm2, $0x1, v0;
	vm13 =	vlt.s32 v15, $0xFFFFFFC6  }
0xce: {  	v8 =	vsel vm3, $0x1, v0;
	vm11 =	vlt.s32 v11, $0xFFFFFFC6;
	v11 =	vsel vm10, $0x1, v0  }
0xcf: {  	vm12 =	vlt.s32 v13, $0xFFFFFFC6;
	v13 =	vsel vm11, $0x1, v0;
	v8 =	vadd.s32 v8, v14  }
0xd0: {  	v9 =	vadd.s32 v9, v12;
	v16 =	vsel vm12, $0x1, v0;
	v8 =	vadd.s32 v13, v8  }
0xd1: {  	v9 =	vadd.s32 v10, v9;
	v10 =	vsel vm13, $0x1, v0;
	v8 =	vadd.s32 v16, v8  }
0xd2: {  	v12 =	vsel vm1, $0x1, v0;
	v11 =	vadd.s32 v11, v9;
	v9 =	vadd.s32 v10, v8  }
0xd3: {  	v8 =	vadd.s32 v12, v11;
	v10 =	vadd.s32 $0xFFFFFFFF, v9  }
0xd4: {  	v11 =	vadd.s32 $0xFFFFFFFF, v8;
	vm14 =	vgt.s32 v10, $0x0  }
0xd5: {  	v12 =	vshll.u32 v9, $0x4;
	vm15 =	vgt.s32 v11, $0x0;
	v10 =	vnsel vm14, $0x0, v10  }
0xd6: {  	v12 =	vor.u32 v1, v12;
	v11 =	vnsel vm15, $0x0, v11;
	v10 =	vshll.u32 v10, $0x4  }
0xd7: {  	v13 =	vor.u32 v1, v10;
	v10 =	vshll.u32 v11, $0x4  }
0xd8: {  	v11 =	vor.u32 v1, v10;
	_ =	sdelay $0x2  }
0xd9: {  	v14 =	vshll.u32 v8, $0x18;
	v10 =	vld.idx.msk [tilespmem:v12+s14+$0x0], $0xffff;
	v12 =	vshll.u32 v9, $0x18  }
0xda: {  	v12 =	vshra.s32 v12, $0x18;
	v16 =	vld.idx.msk [tilespmem:v13+s14+$0x0], $0xffff;
	v13 =	vshra.s32 v14, $0x18  }
0xdb: {  	s28 =	simm.s32 $0x0;
	v12 =	vxor.u32 $0xFFFFFF80, v12;
	v15 =	vld.idx.msk [tilespmem:v11+s14+$0x0], $0xffff;
	v11 =	vxor.u32 $0xFFFFFF80, v13  }
.LBB2_14:
0xdc: {  	s29 =	sshra.s32 s28, $0x2  }
0xdd: {  	v13 =	vld.idx.msk [tilespmem:v7+s29+$0xFFFFFF3C ss:$0x1], $0xffff;
	_ =	sdelay $0x4  }
0xde: {  	v14 =	vshrl.u32 v13, $0xC;
	v13 =	vshra.s32 v13, $0x18  }
0xdf: {  	vm0 =	veq.s32 v13, v12;
	v14 =	vand.u32 $0xFF0, v14  }
0xe0: {  	vm1 =	veq.s32 v13, v11;
	v14 =	vor.u32 v1, v14;
	_ =	sdelay $0x4  }
0xe1: {  	[tilespmem:v14+s13+$0x0] =	vst.idx.add.s32.msk vm0, v5  }
0xe2: {  	[tilespmem:v14+s15+$0x0] =	vst.idx.add.s32.msk vm1, v5  }
0xe3: {  	v13 =	vld.idx.msk [tilespmem:v7+s29+$0xFFFFFF6D ss:$0x1], $0xffff;
	_ =	sdelay $0x4  }
0xe4: {  	v14 =	vshrl.u32 v13, $0xC;
	v13 =	vshra.s32 v13, $0x18  }
0xe5: {  	vm14 =	veq.s32 v13, v12;
	v14 =	vand.u32 $0xFF0, v14  }
0xe6: {  	vm15 =	veq.s32 v13, v11;
	v14 =	vor.u32 v1, v14;
	_ =	sdelay $0x4  }
0xe7: {  	[tilespmem:v14+s13+$0x0] =	vst.idx.add.s32.msk vm14, v5  }
0xe8: {  	[tilespmem:v14+s15+$0x0] =	vst.idx.add.s32.msk vm15, v5  }
0xe9: {  	v13 =	vld.idx.msk [tilespmem:v7+s29+$0xFFFFFF9E ss:$0x1], $0xffff;
	_ =	sdelay $0x4  }
0xea: {  	v14 =	vshrl.u32 v13, $0xC;
	v13 =	vshra.s32 v13, $0x18  }
0xeb: {  	vm4 =	veq.s32 v13, v12;
	v14 =	vand.u32 $0xFF0, v14  }
0xec: {  	vm5 =	veq.s32 v13, v11;
	v14 =	vor.u32 v1, v14;
	_ =	sdelay $0x4  }
0xed: {  	[tilespmem:v14+s13+$0x0] =	vst.idx.add.s32.msk vm4, v5  }
0xee: {  	[tilespmem:v14+s15+$0x0] =	vst.idx.add.s32.msk vm5, v5  }
0xef: {  	v13 =	vld.idx.msk [tilespmem:v7+s29+$0xFFFFFFCF ss:$0x1], $0xffff;
	_ =	sdelay $0x4  }
0xf0: {  	v14 =	vshrl.u32 v13, $0xC;
	v13 =	vshra.s32 v13, $0x18  }
0xf1: {  	vm6 =	veq.s32 v13, v12;
	v14 =	vand.u32 $0xFF0, v14  }
0xf2: {  	vm7 =	veq.s32 v13, v11;
	v14 =	vor.u32 v1, v14;
	_ =	sdelay $0x4  }
0xf3: {  	[tilespmem:v14+s13+$0x0] =	vst.idx.add.s32.msk vm6, v5  }
0xf4: {  	[tilespmem:v14+s15+$0x0] =	vst.idx.add.s32.msk vm7, v5  }
0xf5: {  	v13 =	vld.idx.msk [tilespmem:v7+s29+$0x0 ss:$0x1], $0xffff;
	_ =	sdelay $0x4  }
0xf6: {  	v14 =	vshrl.u32 v13, $0xC;
	v13 =	vshra.s32 v13, $0x18  }
0xf7: {  	vm8 =	veq.s32 v13, v12;
	v14 =	vand.u32 $0xFF0, v14  }
0xf8: {  	vm9 =	veq.s32 v13, v11;
	v14 =	vor.u32 v1, v14;
	_ =	sdelay $0x4  }
0xf9: {  	[tilespmem:v14+s13+$0x0] =	vst.idx.add.s32.msk vm8, v5  }
0xfa: {  	[tilespmem:v14+s15+$0x0] =	vst.idx.add.s32.msk vm9, v5  }
0xfb: {  	v13 =	vld.idx.msk [tilespmem:v7+s29+$0x31 ss:$0x1], $0xffff;
	_ =	sdelay $0x4  }
0xfc: {  	v14 =	vshrl.u32 v13, $0xC;
	v13 =	vshra.s32 v13, $0x18  }
0xfd: {  	vm10 =	veq.s32 v13, v12;
	v14 =	vand.u32 $0xFF0, v14  }
0xfe: {  	vm11 =	veq.s32 v13, v11;
	v14 =	vor.u32 v1, v14;
	_ =	sdelay $0x4  }
0xff: {  	[tilespmem:v14+s13+$0x0] =	vst.idx.add.s32.msk vm10, v5  }
0x100: {  	[tilespmem:v14+s15+$0x0] =	vst.idx.add.s32.msk vm11, v5  }
0x101: {  	v13 =	vld.idx.msk [tilespmem:v7+s29+$0x62 ss:$0x1], $0xffff;
	_ =	sdelay $0x4  }
0x102: {  	v14 =	vshrl.u32 v13, $0xC;
	v13 =	vshra.s32 v13, $0x18  }
0x103: {  	vm12 =	veq.s32 v13, v12;
	v14 =	vand.u32 $0xFF0, v14  }
0x104: {  	vm13 =	veq.s32 v13, v11;
	v14 =	vor.u32 v1, v14;
	_ =	sdelay $0x4  }
0x105: {  	[tilespmem:v14+s13+$0x0] =	vst.idx.add.s32.msk vm12, v5  }
0x106: {  	[tilespmem:v14+s15+$0x0] =	vst.idx.add.s32.msk vm13, v5  }
0x107: {  	v13 =	vld.idx.msk [tilespmem:v7+s29+$0x93 ss:$0x1], $0xffff;
	_ =	sdelay $0x4  }
0x108: {  	v14 =	vshrl.u32 v13, $0xC;
	v13 =	vshra.s32 v13, $0x18  }
0x109: {  	vm14 =	veq.s32 v13, v12;
	v14 =	vand.u32 $0xFF0, v14  }
0x10a: {  	vm15 =	veq.s32 v13, v11;
	v14 =	vor.u32 v1, v14  }
0x10b: {  	p1 =	sne.s32 s28, $0x1B2E0  }
.Ltmp5:
0x10c: {  	_ = 	snop;
	(pc) =	sbr.rel @p1 .LBB2_14-.Ltmp5, $3  }
0x10d: {  	_ =	sdelay $0x1  }
0x10e: {  	[tilespmem:v14+s13+$0x0] =	vst.idx.add.s32.msk vm14, v5  }
0x10f: {  	s28 =	sadd.s32 $0x620, s28;
	[tilespmem:v14+s15+$0x0] =	vst.idx.add.s32.msk vm15, v5  }
0x110: {  	s28 =	simm.s32 $0x0  }
0x111: {  	v13 =	vld [tilespmem:s28+$0x146B0]  }
0x112: {  	v19 =	vld [tilespmem:s28+$0x156A0]  }
0x113: {  	v20 =	vld [tilespmem:s28+$0x14690]  }
0x114: {  	v18 =	vld [tilespmem:s28+$0x15690]  }
0x115: {  	v22 =	vld [tilespmem:s28+$0x15680];
	[tilespmem:s28+$0x156A0] =	vst v0  }
0x116: {  	v23 =	vld [tilespmem:s28+$0x14680];
	[tilespmem:s28+$0x14690] =	vst v0  }
0x117: {  	vm0 =	vgt.s32 v9, $0x0;
	v17 =	vld [tilespmem:s28+$0x156B0];
	[tilespmem:s28+$0x146B0] =	vst v0  }
0x118: {  	v14 =	vimm.s32 $0x0;
	v21 =	vld [tilespmem:s28+$0x146A0];
	v9 =	vnsel vm0, $0x0, v16;
	vm0 =	vgt.s32 v8, $0x0;
	[tilespmem:s28+$0x146A0] =	vst v0  }
0x119: {  	v8 =	vadd.s32 $0xFFFFFDFA, v10;
	[tilespmem:s28+$0x15690] =	vst v0;
	v10 =	vsub.s32 v10, v9;
	v9 =	vsub.s32 $0x3A, v15  }
0x11a: {  	[tilespmem:s28+$0x156B0] =	vst v0;
	v16 =	vimm.s32 $0x0;
	v9 =	vnsel vm0, $0x3A, v9;
	v22 =	vadd.s32 v14, v22  }
0x11b: {  	s29 =	simm.s32 $0x100;
	[tilespmem:s28+$0x15680] =	vst v0;
	v15 =	vadd.s32 v14, v23;
	vm0 =	vlt.s32 v22, v9;
	v18 =	vadd.s32 v22, v18  }
.LBB2_16:
0x11c: {  	p1 =	sne.s32 s29, $0x3F00;
	[tilespmem:s28+$0x17680] =	vst v22;
	v19 =	vadd.s32 v18, v19;
	s30 =	smov.u32 s29;
	s29 =	sadd.s32 $0x100, s29  }
0x11d: {  	v20 =	vadd.s32 v15, v20;
	[tilespmem:s28+$0x176A0] =	vst v19;
	vm1 =	vlt.s32 v19, v9;
	v22 =	vadd.s32 v19, v17  }
0x11e: {  	v17 =	vsub.s32 v10, v20;
	v19 =	vadd.s32 v20, v21;
	[tilespmem:s28+$0x176B0] =	vst v22;
	vm2 =	vlt.s32 v22, v9  }
0x11f: {  	s30 =	sshra.s32 s30, $0x2;
	vm3 =	vge.s32 v17, v8;
	v17 =	vsub.s32 v10, v19;
	v23 =	vadd.s32 v19, v13;
	[tilespmem:s28+$0x166A0] =	vst v19  }
0x120: {  	v21 =	vsel vm3, $0x1, v0;
	vm3 =	vge.s32 v17, v8;
	v19 =	vsub.s32 v10, v23;
	v13 =	vld [tilespmem:s30+$0x146B0];
	[tilespmem:s28+$0x166B0] =	vst v23  }
0x121: {  	v24 =	vsub.s32 v10, v15;
	v25 =	vsel vm3, $0x1, v0;
	vm3 =	vge.s32 v19, v8;
	v17 =	vld [tilespmem:s30+$0x156B0];
	[tilespmem:s28+$0x16690] =	vst v20  }
0x122: {  	vm4 =	vge.s32 v24, v8;
	v24 =	vsel vm2, $0x1, v0;
	v19 =	vld [tilespmem:s30+$0x156A0];
	[tilespmem:s28+$0x14680] =	vst v0  }
0x123: {  	v27 =	vsel vm0, $0x1, v0;
	vm0 =	vlt.s32 v18, v9;
	v26 =	vsel vm4, $0x1, v0;
	v20 =	vld [tilespmem:s30+$0x14690];
	[tilespmem:s28+$0x17690] =	vst v18  }
0x124: {  	v14 =	vadd.s32 v26, v14;
	v18 =	vld [tilespmem:s30+$0x15690];
	[tilespmem:s28+$0x16680] =	vst v15;
	v15 =	vadd.s32 v27, v16;
	v16 =	vsel vm0, $0x1, v0;
	s28 =	smov.u32 s30  }
0x125: {  	v14 =	vadd.s32 v21, v14;
	v26 =	vld [tilespmem:s28+$0x15680];
	[tilespmem:s28+$0x156A0] =	vst v0;
	v15 =	vadd.s32 v16, v15;
	v16 =	vsel vm1, $0x1, v0  }
0x126: {  	v14 =	vadd.s32 v25, v14;
	v27 =	vld [tilespmem:s28+$0x14680];
	[tilespmem:s28+$0x14690] =	vst v0;
	v15 =	vadd.s32 v16, v15;
	v16 =	vsel vm3, $0x1, v0  }
.Ltmp6:
0x127: {  	v21 =	vld [tilespmem:s28+$0x146A0];
	[tilespmem:s28+$0x146B0] =	vst v0;
	v14 =	vadd.s32 v16, v14;
	v16 =	vadd.s32 v24, v15;
	(pc) =	sbr.rel @p1 .LBB2_16-.Ltmp6, $4  }
0x128: {  	[tilespmem:s28+$0x146A0] =	vst v0  }
0x129: {  	[tilespmem:s28+$0x15690] =	vst v0  }
0x12a: {  	v22 =	vadd.s32 v22, v26;
	[tilespmem:s28+$0x156B0] =	vst v0  }
0x12b: {  	[tilespmem:s28+$0x15680] =	vst v0;
	v15 =	vadd.s32 v23, v27;
	vm0 =	vlt.s32 v22, v9;
	v18 =	vadd.s32 v22, v18  }
0x12c: {  	[tilespmem:s28+$0x17680] =	vst v22  }
0x12d: {  	[tilespmem:s28+$0x14680] =	vst v0  }
0x12e: {  	v19 =	vadd.s32 v18, v19;
	v20 =	vadd.s32 v15, v20;
	[tilespmem:s28+$0x17690] =	vst v18;
	v12 =	vshll.u32 v12, $0x18  }
0x12f: {  	[tilespmem:s28+$0x16680] =	vst v15;
	v11 =	vshll.u32 v11, $0x18;
	v25 =	vimm.f32 $0.0e+00;
	v26 =	vimm.f32 $0.0e+00  }
0x130: {  	vm1 =	vlt.s32 v19, v9;
	v17 =	vadd.s32 v19, v17;
	v22 =	vsub.s32 v10, v20;
	[tilespmem:s28+$0x176A0] =	vst v19  }
0x131: {  	v19 =	vadd.s32 v20, v21;
	vm2 =	vlt.s32 v17, v9;
	vm3 =	vge.s32 v22, v8;
	[tilespmem:s28+$0x176B0] =	vst v17  }
0x132: {  	v17 =	vsub.s32 v10, v19;
	v13 =	vadd.s32 v19, v13;
	[tilespmem:s28+$0x166A0] =	vst v19;
	v19 =	vsub.s32 v10, v15  }
0x133: {  	[tilespmem:s28+$0x16690] =	vst v20;
	v21 =	vsel vm3, $0x1, v0;
	vm3 =	vge.s32 v17, v8;
	v17 =	vsub.s32 v10, v13  }
0x134: {  	[tilespmem:s28+$0x166B0] =	vst v13;
	v13 =	vsel vm0, $0x1, v0;
	vm0 =	vlt.s32 v18, v9;
	s28 =	simm.s32 $0x0;
	v22 =	vsel vm3, $0x1, v0  }
0x135: {  	vm3 =	vge.s32 v19, v8;
	v13 =	vadd.s32 v13, v16;
	v16 =	vsel vm0, $0x1, v0;
	v18 =	vld.idx.msk [tilespmem:v7+s28+$0x93 ss:$0x1], $0xffff  }
0x136: {  	v23 =	vld.idx.msk [tilespmem:v7+s28+$0xFFFFFF9E ss:$0x1], $0xffff;
	v19 =	vsel vm3, $0x1, v0;
	v13 =	vadd.s32 v16, v13;
	v16 =	vsel vm1, $0x1, v0  }
0x137: {  	v20 =	vsel vm2, $0x1, v0;
	v14 =	vadd.s32 v19, v14;
	v13 =	vadd.s32 v16, v13  }
0x138: {  	vm0 =	vge.s32 v17, v8;
	v16 =	vld.idx.msk [tilespmem:v7+s28+$0x62 ss:$0x1], $0xffff;
	v14 =	vadd.s32 v21, v14;
	v13 =	vadd.s32 v20, v13  }
0x139: {  	v15 =	vsel vm0, $0x1, v0;
	v19 =	vld.idx.msk [tilespmem:v7+s28+$0x0 ss:$0x1], $0xffff;
	v14 =	vadd.s32 v22, v14;
	v17 =	vadd.s32 $0xFFFFFFFF, v13  }
0x13a: {  	v21 =	vld.idx.msk [tilespmem:v7+s28+$0x31 ss:$0x1], $0xffff;
	v20 =	vimm.f32 $0.0e+00;
	v14 =	vadd.s32 v15, v14;
	vm0 =	vgt.s32 v17, $0x0  }
0x13b: {  	v29 =	vshra.s32 v18, $0x1F;
	v33 =	vshra.s32 v23, $0x1F;
	v17 =	vnsel vm0, $0x0, v17  }
0x13c: {  	v15 =	vshll.u32 v14, $0x4;
	v14 =	vshll.u32 v14, $0x10;
	v17 =	vshll.u32 v17, $0x4  }
0x13d: {  	v27 =	vld.idx.msk [tilespmem:v7+s28+$0xFFFFFF3C ss:$0x1], $0xffff;
	v15 =	vor.u32 v1, v15;
	v12 =	vor.u32 v12, v14;
	v14 =	vshll.u32 v13, $0x10  }
0x13e: {  	v22 =	vld.idx.msk [tilespmem:v7+s28+$0xFFFFFFCF ss:$0x1], $0xffff;
	v30 =	vshra.s32 v16, $0x1F;
	v31 =	vshra.s32 v19, $0x1F;
	v24 =	vor.u32 v1, v17  }
0x13f: {  	v28 =	vld.idx.msk [tilespmem:v7+s28+$0xFFFFFF6D ss:$0x1], $0xffff;
	v17 =	vor.u32 $0xFFFF, v12;
	v11 =	vor.u32 v11, v14;
	v32 =	vshra.s32 v21, $0x1F  }
0x140: {  	vm6 =	vgt.s32 v16, v17;
	vm7 =	vlt.s32 v16, v11;
	vm1 =	vgt.s32 v18, v17  }
0x141: {  	vm0 =	vlt.s32 v18, v11;
	vm9 =	vgt.s32 v19, v17;
	vm8 =	vlt.s32 v19, v11  }
0x142: {  	vm3 =	vgt.s32 v21, v17;
	vm2 =	vlt.s32 v21, v11;
	vm10 =	vgt.s32 v23, v17  }
0x143: {  	vm11 =	vlt.s32 v23, v11;
	vm5 =	vgt.s32 v22, v17;
	vm4 =	vlt.s32 v22, v11  }
0x144: {  	vm13 =	vgt.s32 v27, v17;
	vm14 =	vlt.s32 v27, v11;
	vm15 =	vgt.s32 v28, v17;
	v14 =	vld.idx.msk [tilespmem:v15+s14+$0x0], $0xffff  }
0x145: {  	s28 =	simm.s32 $0x620;
	vm12 =	vlt.s32 v28, v11;
	v34 =	vshra.s32 v22, $0x1F;
	v15 =	vld.idx.msk [tilespmem:v24+s16+$0x0], $0xffff;
	v24 =	vimm.f32 $0.0e+00  }
.LBB2_18:
0x146: {  	p1 =	sne.s32 s28, $0x1B2E0;
	v35 =	vshra.s32 v27, $0x1F;
	v36 =	vshra.s32 v28, $0x1F;
	v30 =	vand.u32 $0x7FFFFFFF, v30  }
0x147: {  	v31 =	vand.u32 $0x7FFFFFFF, v31;
	v32 =	vand.u32 $0x7FFFFFFF, v32;
	v29 =	vand.u32 $0x7FFFFFFF, v29  }
0x148: {  	v33 =	vand.u32 $0x7FFFFFFF, v33;
	v34 =	vand.u32 $0x7FFFFFFF, v34;
	v35 =	vand.u32 $0x7FFFFFFF, v35  }
0x149: {  	v36 =	vand.u32 $0x7FFFFFFF, v36;
	v16 =	vxor.u32 v16, v30;
	v29 =	vxor.u32 v18, v29  }
0x14a: {  	v18 =	vxor.u32 v23, v33;
	v19 =	vxor.u32 v19, v31;
	v30 =	vxor.u32 v21, v32  }
0x14b: {  	v22 =	vxor.u32 v22, v34;
	v21 =	vxor.u32 v27, v35;
	v23 =	vxor.u32 v28, v36  }
0x14c: {  	v27 =	vnsel vm9, $0x0, v19;
	v28 =	vnsel vm6, $0x0, v16;
	v31 =	vnsel vm7, $0x0, v16  }
0x14d: {  	v32 =	vnsel vm10, $0x0, v18;
	v33 =	vnsel vm11, $0x0, v18;
	v34 =	vnsel vm8, $0x0, v19  }
0x14e: {  	s29 =	sshra.s32 s28, $0x2;
	v18 =	vnsel vm13, $0x0, v21;
	v19 =	vnsel vm14, $0x0, v21;
	v21 =	vnsel vm15, $0x0, v23  }
0x14f: {  	v20 =	vadd.f32 v18, v20;
	v24 =	vadd.f32 v19, v24;
	v19 =	vnsel vm12, $0x0, v23;
	v16 =	vld.idx.msk [tilespmem:v7+s29+$0x62 ss:$0x1], $0xffff  }
0x150: {  	v23 =	vadd.f32 v21, v25;
	v25 =	vadd.f32 v19, v26;
	v26 =	vnsel vm5, $0x0, v22;
	v18 =	vld.idx.msk [tilespmem:v7+s29+$0x93 ss:$0x1], $0xffff  }
0x151: {  	v22 =	vnsel vm4, $0x0, v22;
	v20 =	vadd.f32 v32, v20;
	v24 =	vadd.f32 v33, v24;
	v19 =	vld.idx.msk [tilespmem:v7+s29+$0x0 ss:$0x1], $0xffff  }
0x152: {  	v26 =	vadd.f32 v26, v23;
	v32 =	vnsel vm3, $0x0, v30;
	v25 =	vadd.f32 v22, v25;
	v21 =	vld.idx.msk [tilespmem:v7+s29+$0x31 ss:$0x1], $0xffff  }
0x153: {  	v20 =	vadd.f32 v27, v20;
	v24 =	vadd.f32 v34, v24;
	v27 =	vnsel vm2, $0x0, v30;
	v23 =	vld.idx.msk [tilespmem:v7+s29+$0xFFFFFF9E ss:$0x1], $0xffff  }
0x154: {  	v26 =	vadd.f32 v32, v26;
	v30 =	vadd.f32 v27, v25;
	v25 =	vnsel vm1, $0x0, v29;
	v22 =	vld.idx.msk [tilespmem:v7+s29+$0xFFFFFFCF ss:$0x1], $0xffff  }
0x155: {  	v29 =	vnsel vm0, $0x0, v29;
	v20 =	vadd.f32 v28, v20;
	v24 =	vadd.f32 v31, v24;
	v27 =	vld.idx.msk [tilespmem:v7+s29+$0xFFFFFF3C ss:$0x1], $0xffff  }
0x156: {  	v25 =	vadd.f32 v25, v26;
	v26 =	vadd.f32 v29, v30;
	vm6 =	vgt.s32 v16, v17;
	v28 =	vld.idx.msk [tilespmem:v7+s29+$0xFFFFFF6D ss:$0x1], $0xffff  }
0x157: {  	vm7 =	vlt.s32 v16, v11;
	vm1 =	vgt.s32 v18, v17;
	vm0 =	vlt.s32 v18, v11  }
0x158: {  	vm9 =	vgt.s32 v19, v17;
	vm8 =	vlt.s32 v19, v11;
	vm3 =	vgt.s32 v21, v17  }
.Ltmp7:
0x159: {  	v30 =	vshra.s32 v16, $0x1F;
	v29 =	vshra.s32 v18, $0x1F;
	vm2 =	vlt.s32 v21, v11;
	(pc) =	sbr.rel @p1 .LBB2_18-.Ltmp7, $4  }
0x15a: {  	vm10 =	vgt.s32 v23, v17;
	vm11 =	vlt.s32 v23, v11;
	vm5 =	vgt.s32 v22, v17  }
0x15b: {  	v31 =	vshra.s32 v19, $0x1F;
	v32 =	vshra.s32 v21, $0x1F;
	vm4 =	vlt.s32 v22, v11  }
0x15c: {  	vm13 =	vgt.s32 v27, v17;
	vm14 =	vlt.s32 v27, v11;
	vm15 =	vgt.s32 v28, v17  }
0x15d: {  	s28 =	sadd.s32 $0x620, s28;
	v33 =	vshra.s32 v23, $0x1F;
	v34 =	vshra.s32 v22, $0x1F;
	vm12 =	vlt.s32 v28, v11  }
0x15e: {  	v7 =	vshra.s32 v27, $0x1F  }
0x15f: {  	v17 =	vshra.s32 v28, $0x1F;
	v30 =	vand.u32 $0x7FFFFFFF, v30;
	v31 =	vand.u32 $0x7FFFFFFF, v31  }
0x160: {  	v32 =	vand.u32 $0x7FFFFFFF, v32;
	v29 =	vand.u32 $0x7FFFFFFF, v29;
	v33 =	vand.u32 $0x7FFFFFFF, v33  }
0x161: {  	v34 =	vand.u32 $0x7FFFFFFF, v34;
	v8 =	vsub.s32 v8, v10;
	v59 =	vor.u32 $0x8000, v12  }
0x162: {  	v60 =	vshra.s32 v12, $0x1F;
	v61 =	vor.u32 $0x8000, v11;
	v62 =	vshra.s32 v11, $0x1F  }
0x163: {  	v7 =	vand.u32 $0x7FFFFFFF, v7;
	v17 =	vand.u32 $0x7FFFFFFF, v17;
	v16 =	vxor.u32 v16, v30  }
0x164: {  	v18 =	vxor.u32 v18, v29;
	v23 =	vxor.u32 v23, v33;
	v19 =	vxor.u32 v19, v31  }
0x165: {  	v21 =	vxor.u32 v21, v32;
	v22 =	vxor.u32 v22, v34;
	v8 =	vadd.s32 v14, v8  }
0x166: {  	v12 =	vand.u32 $0x7FFFFFFF, v60;
	v11 =	vand.u32 $0x7FFFFFFF, v62;
	v7 =	vxor.u32 v27, v7  }
0x167: {  	v17 =	vxor.u32 v28, v17;
	v44 =	vnsel vm9, $0x0, v19;
	v45 =	vnsel vm6, $0x0, v16  }
0x168: {  	v16 =	vnsel vm7, $0x0, v16;
	v46 =	vnsel vm10, $0x0, v23;
	v23 =	vnsel vm11, $0x0, v23  }
0x169: {  	v19 =	vnsel vm8, $0x0, v19;
	v50 =	vnsel vm5, $0x0, v22;
	v22 =	vnsel vm4, $0x0, v22  }
0x16a: {  	v52 =	vnsel vm3, $0x0, v21;
	v53 =	vnsel vm2, $0x0, v21;
	v55 =	vnsel vm1, $0x0, v18  }
0x16b: {  	v47 =	vnsel vm13, $0x0, v7;
	v7 =	vnsel vm14, $0x0, v7;
	v48 =	vnsel vm15, $0x0, v17  }
0x16c: {  	v17 =	vnsel vm12, $0x0, v17;
	v20 =	vadd.f32 v47, v20;
	v7 =	vadd.f32 v7, v24  }
0x16d: {  	v56 =	vnsel vm0, $0x0, v18;
	v49 =	vadd.f32 v48, v25;
	v17 =	vadd.f32 v17, v26  }
0x16e: {  	v8 =	vcvt.s32.f32 v8;
	v20 =	vadd.f32 v46, v20;
	v7 =	vadd.f32 v23, v7  }
0x16f: {  	v12 =	vxor.u32 v59, v12;
	v51 =	vadd.f32 v50, v49;
	v17 =	vadd.f32 v22, v17  }
0x170: {  	vm15 =	vgt.s32 v13, $0x0;
	v20 =	vadd.f32 v44, v20;
	v7 =	vadd.f32 v19, v7  }
0x171: {  	v13 =	vnsel vm15, $0x0, v15;
	v54 =	vadd.f32 v52, v51;
	v17 =	vadd.f32 v53, v17  }
0x172: {  	v9 =	vsub.s32 v9, v13;
	v20 =	vadd.f32 v45, v20;
	v7 =	vadd.f32 v16, v7  }
0x173: {  	v9 =	vcvt.s32.f32 v9;
	v57 =	vadd.f32 v55, v54;
	v58 =	vadd.f32 v56, v17  }
0x174: {  	v11 =	vxor.u32 v61, v11;
	v8 =	vmul.f32 v8, v12  }
0x175: {  	v9 =	vmul.f32 v9, v11;
	v63 =	vadd.f32 v57, v20;
	v7 =	vadd.f32 v58, v7;
	_ =	sdelay $0x1  }
0x176: {  	v8 =	vadd.f32 v63, v8;
	v7 =	vadd.f32 v7, v9;
	_ =	sdelay $0x1  }
0x177: {  	s24 =	sadd.s32 $0x1, s24;
	v8 =	vmul.f32 v8, v2;
	v7 =	vmul.f32 v7, v2  }
0x178: {  	p1 =	sne.s32 s24, $0x3  }
.Ltmp8:
0x179: {  	v7 =	vadd.f32 v7, v8;
	(pc) =	sbr.rel @p1 .LBB2_9-.Ltmp8, $3  }
0x17a: {  	_ = 	snop  }
0x17b: {  	v7 =	vmul.f32 $5.000000000e-01, v7;
	_ =	sdelay $0x1  }
0x17c: {  	s25 =	sadd.s32 $0x10, s25;
	[tilespmem:v6+s26+$0x0 ss:$0x1] =	vst.idx.msk $0xffff, v7  }
0x17d: {  	_ =	swait.ge [sflag:s17], $0x6C00  }
0x17e: {  	[sflag:s17] =	ssyncset.done $0x0  }
0x17f: {  	s24 =	simm.s32 $0x0;
	s25 =	simm.s32 $0x6C20;
	[sflag:s17] =	ssyncadd.s32 $0xFFFF9400  }
.LBB2_21:
0x180: {  	v6 =	vmov s25;
	_ =	sdelay $0x3  }
0x181: {  	s26 =	simm.s32 $0x0  }
0x182: {  	v7 =	vld.idx.msk [tilespmem:v6+s26+$0xFFFFFFE0 ss:$0x1], $0xffff;
	_ =	sdelay $0x2  }
0x183: {  	v8 =	vadd.s32 s24, v3;
	_ =	sdelay $0x1  }
0x184: {  	v9 =	vshra.s32 v7, $0x1F  }
0x185: {  	v9 =	vand.u32 $0x7FFFFFFF, v9  }
0x186: {  	v7 =	vxor.u32 v7, v9  }
0x187: {  	[tilespmem:v8+s12+$0x0] =	vst.idx.msk $0xffff, v7  }
0x188: {  	v7 =	vld.idx.msk [tilespmem:v6+s26+$0xFFFFFFF0 ss:$0x1], $0xffff;
	_ =	sdelay $0x1  }
0x189: {  	s28 =	sadd.s32 $0x310, s24  }
0x18a: {  	v8 =	vadd.s32 s28, v3;
	_ =	sdelay $0x1  }
0x18b: {  	v9 =	vshra.s32 v7, $0x1F  }
0x18c: {  	v9 =	vand.u32 $0x7FFFFFFF, v9  }
0x18d: {  	v7 =	vxor.u32 v7, v9  }
0x18e: {  	[tilespmem:v8+s12+$0x0] =	vst.idx.msk $0xffff, v7  }
0x18f: {  	v7 =	vld.idx.msk [tilespmem:v6+s26+$0x0 ss:$0x1], $0xffff;
	_ =	sdelay $0x1  }
0x190: {  	s28 =	sadd.s32 $0x620, s24  }
0x191: {  	v8 =	vadd.s32 s28, v3;
	_ =	sdelay $0x1  }
0x192: {  	v9 =	vshra.s32 v7, $0x1F  }
0x193: {  	v9 =	vand.u32 $0x7FFFFFFF, v9  }
0x194: {  	v7 =	vxor.u32 v7, v9  }
0x195: {  	[tilespmem:v8+s12+$0x0] =	vst.idx.msk $0xffff, v7  }
0x196: {  	v8 =	vld.idx.msk [tilespmem:v6+s26+$0x10 ss:$0x1], $0xffff;
	_ =	sdelay $0x4  }
0x197: {  	s31 =	sadd.s32 $0x930, s24;
	v7 =	vshra.s32 v8, $0x1F  }
0x198: {  	v9 =	vand.u32 $0x7FFFFFFF, v7;
	v7 =	vadd.s32 s31, v3;
	_ =	sdelay $0x2  }
0x199: {  	s30 =	simm.s32 $0x200;
	s28 =	simm.s32 $0x100;
	s26 =	smov.u32 s24;
	v8 =	vxor.u32 v8, v9  }
.LBB2_22:
0x19a: {  	s31 =	sshra.s32 s28, $0x2  }
0x19b: {  	[tilespmem:v7+s12+$0x0] =	vst.idx.msk $0xffff, v8;
	s26 =	sadd.s32 $0xC40, s26;
	s28 =	smov.u32 s30;
	s29 =	sadd.s32 $0x100, s30  }
0x19c: {  	p1 =	sne.s32 s30, $0x800;
	v7 =	vld.idx.msk [tilespmem:v6+s31+$0xFFFFFFE0 ss:$0x1], $0xffff;
	_ =	sdelay $0x3  }
0x19d: {  	v8 =	vadd.s32 s26, v3;
	_ =	sdelay $0x1  }
0x19e: {  	v9 =	vshra.s32 v7, $0x1F  }
0x19f: {  	v9 =	vand.u32 $0x7FFFFFFF, v9  }
0x1a0: {  	v7 =	vxor.u32 v7, v9  }
0x1a1: {  	[tilespmem:v8+s12+$0x0] =	vst.idx.msk $0xffff, v7  }
0x1a2: {  	v7 =	vld.idx.msk [tilespmem:v6+s31+$0xFFFFFFF0 ss:$0x1], $0xffff;
	_ =	sdelay $0x2  }
0x1a3: {  	s30 =	sadd.s32 $0x310, s26  }
0x1a4: {  	v8 =	vadd.s32 s30, v3;
	_ =	sdelay $0x1  }
0x1a5: {  	v9 =	vshra.s32 v7, $0x1F  }
0x1a6: {  	v9 =	vand.u32 $0x7FFFFFFF, v9  }
0x1a7: {  	v7 =	vxor.u32 v7, v9  }
0x1a8: {  	[tilespmem:v8+s12+$0x0] =	vst.idx.msk $0xffff, v7  }
0x1a9: {  	v7 =	vld.idx.msk [tilespmem:v6+s31+$0x0 ss:$0x1], $0xffff;
	_ =	sdelay $0x2  }
0x1aa: {  	s30 =	sadd.s32 $0x620, s26  }
0x1ab: {  	v8 =	vadd.s32 s30, v3;
	_ =	sdelay $0x1  }
0x1ac: {  	v9 =	vshra.s32 v7, $0x1F  }
0x1ad: {  	v9 =	vand.u32 $0x7FFFFFFF, v9  }
0x1ae: {  	v7 =	vxor.u32 v7, v9  }
0x1af: {  	[tilespmem:v8+s12+$0x0] =	vst.idx.msk $0xffff, v7  }
0x1b0: {  	v8 =	vld.idx.msk [tilespmem:v6+s31+$0x10 ss:$0x1], $0xffff;
	_ =	sdelay $0x2  }
0x1b1: {  	s30 =	sadd.s32 $0x930, s26  }
.Ltmp9:
0x1b2: {  	v7 =	vadd.s32 s30, v3;
	(pc) =	sbr.rel @p1 .LBB2_22-.Ltmp9, $4  }
0x1b3: {  	_ = 	snop  }
0x1b4: {  	v9 =	vshra.s32 v8, $0x1F  }
0x1b5: {  	v9 =	vand.u32 $0x7FFFFFFF, v9  }
0x1b6: {  	s30 =	smov.u32 s29;
	v8 =	vxor.u32 v8, v9  }
0x1b7: {  	_ =	sdelay $0x3  }
0x1b8: {  	s28 =	sshra.s32 s28, $0x2;
	[tilespmem:v7+s12+$0x0] =	vst.idx.msk $0xffff, v8  }
0x1b9: {  	v7 =	vld.idx.msk [tilespmem:v6+s28+$0xFFFFFFE0 ss:$0x1], $0xffff;
	_ =	sdelay $0x1  }
0x1ba: {  	s26 =	sadd.s32 $0xC40, s26  }
0x1bb: {  	v58 =	vadd.s32 s26, v3;
	_ =	sdelay $0x1  }
0x1bc: {  	v9 =	vshra.s32 v7, $0x1F  }
0x1bd: {  	v9 =	vand.u32 $0x7FFFFFFF, v9  }
0x1be: {  	v7 =	vxor.u32 v7, v9  }
0x1bf: {  	[tilespmem:v58+s12+$0x0] =	vst.idx.msk $0xffff, v7  }
0x1c0: {  	v7 =	vld.idx.msk [tilespmem:v6+s28+$0xFFFFFFF0 ss:$0x1], $0xffff;
	_ =	sdelay $0x1  }
0x1c1: {  	s29 =	sadd.s32 $0x310, s26  }
0x1c2: {  	v59 =	vadd.s32 s29, v3;
	_ =	sdelay $0x1  }
0x1c3: {  	v60 =	vshra.s32 v7, $0x1F  }
0x1c4: {  	v9 =	vand.u32 $0x7FFFFFFF, v60  }
0x1c5: {  	v7 =	vxor.u32 v7, v9  }
0x1c6: {  	[tilespmem:v59+s12+$0x0] =	vst.idx.msk $0xffff, v7  }
0x1c7: {  	v7 =	vld.idx.msk [tilespmem:v6+s28+$0x0 ss:$0x1], $0xffff;
	_ =	sdelay $0x1  }
0x1c8: {  	s31 =	sadd.s32 $0x620, s26  }
0x1c9: {  	v61 =	vadd.s32 s31, v3;
	_ =	sdelay $0x1  }
0x1ca: {  	v62 =	vshra.s32 v7, $0x1F  }
0x1cb: {  	v9 =	vand.u32 $0x7FFFFFFF, v62  }
0x1cc: {  	v7 =	vxor.u32 v7, v9  }
0x1cd: {  	[tilespmem:v61+s12+$0x0] =	vst.idx.msk $0xffff, v7  }
0x1ce: {  	v6 =	vld.idx.msk [tilespmem:v6+s28+$0x10 ss:$0x1], $0xffff;
	_ =	sdelay $0x1  }
0x1cf: {  	s24 =	sadd.s32 $0x1, s24;
	s26 =	sadd.s32 $0x930, s26  }
0x1d0: {  	p1 =	sne.s32 s24, $0x30;
	v7 =	vadd.s32 s26, v3  }
.Ltmp10:
0x1d1: {  	_ = 	snop;
	(pc) =	sbr.rel @p1 .LBB2_21-.Ltmp10, $4  }
0x1d2: {  	v63 =	vshra.s32 v6, $0x1F  }
0x1d3: {  	v8 =	vand.u32 $0x7FFFFFFF, v63  }
0x1d4: {  	v6 =	vxor.u32 v6, v8  }
0x1d5: {  	s25 =	sadd.s32 $0x240, s25;
	[tilespmem:v7+s12+$0x0] =	vst.idx.msk $0xffff, v6  }
0x1d6: {  	s22 =	sadd.s32 @!p0 s22, s7  }
0x1d7: {  	s22 =	smul.u32 @!p0 $0x48, s22  }
0x1d8: {  	s24 =	simm.s32 @!p0 $0x0  }
0x1d9: {  	s25 =	simm.s32 @!p0 $0x6C00;
	s31 =	sadd.s32 $0x186B0, s23;
	s22 =	sadd.s32 @!p0 s1, s22  }
0x1da: {  	[tilespmem:s25], [sflag:$0x2] =	stream.linear.gather @!p0 [hbm4b:s22+s24], $0x6C00, $0x38;
	[tilespmem:$0x18980] =	vst v63  }
0x1db: {  	s23 =	simm.s32 $0xD8C4;
	v6 =	vmov s31;
	s22 =	simm.s32 $0x0  }
.LBB2_25:
0x1dc: {  	v7 =	vmov s23;
	_ =	sdelay $0x2  }
0x1dd: {  	s24 =	sshll.u32 s22, $0x4;
	s25 =	simm.s32 $0x0  }
.LBB2_26:
0x1de: {  	s26 =	sshra.s32 s25, $0x2  }
0x1df: {  	v8 =	vld.idx.msk [tilespmem:v7+s26+$0xFFFFFF3C ss:$0x1], $0xffff;
	_ =	sdelay $0x4  }
0x1e0: {  	v8 =	vshrl.u32 v8, $0x14  }
0x1e1: {  	v8 =	vand.u32 $0xFF0, v8  }
0x1e2: {  	v8 =	vxor.u32 v4, v8;
	_ =	sdelay $0x4  }
0x1e3: {  	[tilespmem:v8+s13+$0x0] =	vst.idx.add.s32.msk $0xffff, v5  }
0x1e4: {  	v8 =	vld.idx.msk [tilespmem:v7+s26+$0xFFFFFF6D ss:$0x1], $0xffff;
	_ =	sdelay $0x4  }
0x1e5: {  	v8 =	vshrl.u32 v8, $0x14  }
0x1e6: {  	v8 =	vand.u32 $0xFF0, v8  }
0x1e7: {  	v8 =	vxor.u32 v4, v8;
	_ =	sdelay $0x4  }
0x1e8: {  	[tilespmem:v8+s13+$0x0] =	vst.idx.add.s32.msk $0xffff, v5  }
0x1e9: {  	v8 =	vld.idx.msk [tilespmem:v7+s26+$0xFFFFFF9E ss:$0x1], $0xffff;
	_ =	sdelay $0x4  }
0x1ea: {  	v8 =	vshrl.u32 v8, $0x14  }
0x1eb: {  	v8 =	vand.u32 $0xFF0, v8  }
0x1ec: {  	v8 =	vxor.u32 v4, v8;
	_ =	sdelay $0x4  }
0x1ed: {  	[tilespmem:v8+s13+$0x0] =	vst.idx.add.s32.msk $0xffff, v5  }
0x1ee: {  	v8 =	vld.idx.msk [tilespmem:v7+s26+$0xFFFFFFCF ss:$0x1], $0xffff;
	_ =	sdelay $0x4  }
0x1ef: {  	v8 =	vshrl.u32 v8, $0x14  }
0x1f0: {  	v8 =	vand.u32 $0xFF0, v8  }
0x1f1: {  	v8 =	vxor.u32 v4, v8;
	_ =	sdelay $0x4  }
0x1f2: {  	[tilespmem:v8+s13+$0x0] =	vst.idx.add.s32.msk $0xffff, v5  }
0x1f3: {  	v8 =	vld.idx.msk [tilespmem:v7+s26+$0x0 ss:$0x1], $0xffff;
	_ =	sdelay $0x4  }
0x1f4: {  	v8 =	vshrl.u32 v8, $0x14  }
0x1f5: {  	v8 =	vand.u32 $0xFF0, v8  }
0x1f6: {  	v8 =	vxor.u32 v4, v8;
	_ =	sdelay $0x4  }
0x1f7: {  	[tilespmem:v8+s13+$0x0] =	vst.idx.add.s32.msk $0xffff, v5  }
0x1f8: {  	v8 =	vld.idx.msk [tilespmem:v7+s26+$0x31 ss:$0x1], $0xffff;
	_ =	sdelay $0x4  }
0x1f9: {  	v8 =	vshrl.u32 v8, $0x14  }
0x1fa: {  	v8 =	vand.u32 $0xFF0, v8  }
0x1fb: {  	v8 =	vxor.u32 v4, v8;
	_ =	sdelay $0x4  }
0x1fc: {  	[tilespmem:v8+s13+$0x0] =	vst.idx.add.s32.msk $0xffff, v5  }
0x1fd: {  	v8 =	vld.idx.msk [tilespmem:v7+s26+$0x62 ss:$0x1], $0xffff;
	_ =	sdelay $0x4  }
0x1fe: {  	v8 =	vshrl.u32 v8, $0x14  }
0x1ff: {  	v8 =	vand.u32 $0xFF0, v8  }
0x200: {  	v8 =	vxor.u32 v4, v8;
	_ =	sdelay $0x4  }
0x201: {  	[tilespmem:v8+s13+$0x0] =	vst.idx.add.s32.msk $0xffff, v5  }
0x202: {  	v8 =	vld.idx.msk [tilespmem:v7+s26+$0x93 ss:$0x1], $0xffff;
	_ =	sdelay $0x4  }
0x203: {  	v8 =	vshrl.u32 v8, $0x14  }
0x204: {  	v8 =	vand.u32 $0xFF0, v8  }
0x205: {  	p0 =	sne.s32 s25, $0x1B2E0;
	v8 =	vxor.u32 v4, v8  }
.Ltmp11:
0x206: {  	_ = 	snop;
	(pc) =	sbr.rel @p0 .LBB2_26-.Ltmp11, $2  }
0x207: {  	_ =	sdelay $0x2  }
0x208: {  	s25 =	sadd.s32 $0x620, s25;
	[tilespmem:v8+s13+$0x0] =	vst.idx.add.s32.msk $0xffff, v5  }
0x209: {  	s25 =	simm.s32 $0x0  }
0x20a: {  	v8 =	vld [tilespmem:s25+$0x14680]  }
0x20b: {  	v9 =	vld [tilespmem:s25+$0x14690]  }
0x20c: {  	[tilespmem:s25+$0x14680] =	vst v0;
	v10 =	vld [tilespmem:s25+$0x146A0]  }
0x20d: {  	[tilespmem:s25+$0x14690] =	vst v0;
	v11 =	vld [tilespmem:s25+$0x146B0]  }
0x20e: {  	v15 =	vimm.s32 $0x0;
	[tilespmem:s25+$0x146A0] =	vst v0  }
0x20f: {  	[tilespmem:s25+$0x146B0] =	vst v0;
	v8 =	vadd.s32 v15, v8  }
0x210: {  	[tilespmem:s25+$0x16680] =	vst v8;
	v9 =	vadd.s32 v8, v9  }
0x211: {  	[tilespmem:s25+$0x16690] =	vst v9;
	v10 =	vadd.s32 v9, v10  }
0x212: {  	[tilespmem:s25+$0x166A0] =	vst v10;
	v11 =	vadd.s32 v10, v11  }
0x213: {  	s31 =	simm.s32 $0x40;
	[tilespmem:s25+$0x166B0] =	vst v11  }
0x214: {  	v12 =	vld [tilespmem:s31+$0x14680]  }
0x215: {  	v16 =	vadd.s32 $0xFFFFFDBF, v8;
	vm4 =	vlt.s32 v8, $0x3A;
	v18 =	vadd.s32 $0xFFFFFDBF, v9;
	v13 =	vld [tilespmem:s31+$0x14690]  }
0x216: {  	vm3 =	vlt.s32 v16, $0xFFFFFFC6;
	v14 =	vadd.s32 $0xFFFFFDBF, v10;
	vm0 =	vlt.s32 v10, $0x3A;
	[tilespmem:s31+$0x14680] =	vst v0;
	v10 =	vld [tilespmem:s31+$0x146A0]  }
0x217: {  	vm2 =	vlt.s32 v9, $0x3A;
	v20 =	vsel vm4, $0x1, v0;
	v16 =	vsel vm3, $0x1, v0;
	[tilespmem:s31+$0x14690] =	vst v0;
	v19 =	vld [tilespmem:s31+$0x146B0]  }
0x218: {  	v21 =	vsel vm2, $0x1, v0;
	vm2 =	vlt.s32 v18, $0xFFFFFFC6;
	v17 =	vadd.s32 $0xFFFFFDBF, v11;
	[tilespmem:s31+$0x146A0] =	vst v0  }
0x219: {  	vm1 =	vlt.s32 v11, $0x3A;
	v18 =	vsel vm2, $0x1, v0;
	[tilespmem:s31+$0x146B0] =	vst v0;
	v8 =	vadd.s32 v11, v12  }
0x21a: {  	v16 =	vadd.s32 v16, v15;
	v15 =	vadd.s32 v20, v15;
	[tilespmem:s31+$0x16680] =	vst v8;
	v9 =	vadd.s32 v8, v13  }
0x21b: {  	v16 =	vadd.s32 v18, v16;
	v15 =	vadd.s32 v21, v15;
	[tilespmem:s31+$0x16690] =	vst v9;
	v11 =	vadd.s32 v9, v10  }
0x21c: {  	v12 =	vsel vm0, $0x1, v0;
	vm0 =	vlt.s32 v14, $0xFFFFFFC6;
	[tilespmem:s31+$0x166A0] =	vst v11;
	v10 =	vadd.s32 v11, v19  }
0x21d: {  	s25 =	simm.s32 $0x200;
	v14 =	vsel vm0, $0x1, v0;
	v13 =	vsel vm1, $0x1, v0;
	vm0 =	vlt.s32 v17, $0xFFFFFFC6;
	[tilespmem:s31+$0x166B0] =	vst v10  }
.LBB2_28:
0x21e: {  	s26 =	sshra.s32 s25, $0x2;
	p0 =	sne.s32 s25, $0x3F00;
	v14 =	vadd.s32 v14, v16;
	v12 =	vadd.s32 v12, v15;
	v15 =	vsel vm0, $0x1, v0  }
0x21f: {  	v17 =	vadd.s32 $0xFFFFFDBF, v10;
	v16 =	vld [tilespmem:s26+$0x14680];
	[tilespmem:s26+$0x14680] =	vst v0;
	v15 =	vadd.s32 v15, v14;
	v18 =	vadd.s32 v13, v12  }
0x220: {  	vm0 =	vlt.s32 v11, $0x3A;
	vm1 =	vlt.s32 v10, $0x3A;
	v14 =	vadd.s32 $0xFFFFFDBF, v11;
	v13 =	vld [tilespmem:s26+$0x14690];
	[tilespmem:s26+$0x14690] =	vst v0  }
0x221: {  	v19 =	vadd.s32 $0xFFFFFDBF, v9;
	vm2 =	vlt.s32 v9, $0x3A;
	v12 =	vadd.s32 $0xFFFFFDBF, v8;
	v11 =	vld [tilespmem:s26+$0x146A0];
	[tilespmem:s26+$0x146A0] =	vst v0  }
0x222: {  	vm4 =	vlt.s32 v8, $0x3A;
	vm3 =	vlt.s32 v12, $0xFFFFFFC6;
	v20 =	vld [tilespmem:s26+$0x146B0];
	[tilespmem:s26+$0x146B0] =	vst v0  }
0x223: {  	v22 =	vsel vm4, $0x1, v0;
	v23 =	vsel vm2, $0x1, v0;
	v21 =	vsel vm3, $0x1, v0  }
.Ltmp12:
0x224: {  	vm2 =	vlt.s32 v19, $0xFFFFFFC6;
	v12 =	vsel vm0, $0x1, v0;
	v8 =	vadd.s32 v10, v16;
	(pc) =	sbr.rel @p0 .LBB2_28-.Ltmp12, $4  }
0x225: {  	vm0 =	vlt.s32 v14, $0xFFFFFFC6;
	v16 =	vsel vm2, $0x1, v0;
	[tilespmem:s26+$0x16680] =	vst v8;
	v9 =	vadd.s32 v8, v13  }
0x226: {  	v14 =	vsel vm0, $0x1, v0;
	v13 =	vsel vm1, $0x1, v0;
	[tilespmem:s26+$0x16690] =	vst v9;
	v11 =	vadd.s32 v9, v11  }
0x227: {  	v18 =	vadd.s32 v22, v18;
	v15 =	vadd.s32 v21, v15;
	[tilespmem:s26+$0x166A0] =	vst v11;
	v10 =	vadd.s32 v11, v20  }
0x228: {  	s25 =	sadd.s32 $0x100, s25;
	vm0 =	vlt.s32 v17, $0xFFFFFFC6;
	v16 =	vadd.s32 v16, v15;
	v15 =	vadd.s32 v23, v18;
	[tilespmem:s26+$0x166B0] =	vst v10  }
0x229: {  	v14 =	vadd.s32 v14, v16;
	v16 =	vsel vm0, $0x1, v0  }
0x22a: {  	v12 =	vadd.s32 v12, v15;
	v15 =	vadd.s32 $0xFFFFFDBF, v10;
	vm10 =	vlt.s32 v11, $0x3A  }
0x22b: {  	vm1 =	vlt.s32 v10, $0x3A;
	v10 =	vadd.s32 $0xFFFFFDBF, v8;
	vm2 =	vlt.s32 v9, $0x3A  }
0x22c: {  	vm4 =	vlt.s32 v8, $0x3A;
	v14 =	vadd.s32 v16, v14;
	v12 =	vadd.s32 v13, v12  }
0x22d: {  	v13 =	vadd.s32 $0xFFFFFDBF, v11;
	v11 =	vadd.s32 $0xFFFFFDBF, v9;
	vm3 =	vlt.s32 v10, $0xFFFFFFC6  }
0x22e: {  	v9 =	vsel vm4, $0x1, v0;
	v10 =	vsel vm2, $0x1, v0;
	vm13 =	vlt.s32 v15, $0xFFFFFFC6  }
0x22f: {  	v8 =	vsel vm3, $0x1, v0;
	vm11 =	vlt.s32 v11, $0xFFFFFFC6;
	v11 =	vsel vm10, $0x1, v0  }
0x230: {  	vm12 =	vlt.s32 v13, $0xFFFFFFC6;
	v13 =	vsel vm11, $0x1, v0;
	v8 =	vadd.s32 v8, v14  }
0x231: {  	v9 =	vadd.s32 v9, v12;
	v16 =	vsel vm12, $0x1, v0;
	v8 =	vadd.s32 v13, v8  }
0x232: {  	v9 =	vadd.s32 v10, v9;
	v10 =	vsel vm13, $0x1, v0;
	v8 =	vadd.s32 v16, v8  }
0x233: {  	v12 =	vsel vm1, $0x1, v0;
	v11 =	vadd.s32 v11, v9;
	v9 =	vadd.s32 v10, v8  }
0x234: {  	v8 =	vadd.s32 v12, v11;
	v10 =	vadd.s32 $0xFFFFFFFF, v9  }
0x235: {  	v11 =	vadd.s32 $0xFFFFFFFF, v8;
	vm14 =	vgt.s32 v10, $0x0  }
0x236: {  	v12 =	vshll.u32 v9, $0x4;
	vm15 =	vgt.s32 v11, $0x0;
	v10 =	vnsel vm14, $0x0, v10  }
0x237: {  	v12 =	vor.u32 v1, v12;
	v11 =	vnsel vm15, $0x0, v11;
	v10 =	vshll.u32 v10, $0x4  }
0x238: {  	v13 =	vor.u32 v1, v10;
	v10 =	vshll.u32 v11, $0x4  }
0x239: {  	v11 =	vor.u32 v1, v10;
	_ =	sdelay $0x2  }
0x23a: {  	v14 =	vshll.u32 v8, $0x18;
	v10 =	vld.idx.msk [tilespmem:v12+s14+$0x0], $0xffff;
	v12 =	vshll.u32 v9, $0x18  }
0x23b: {  	v12 =	vshra.s32 v12, $0x18;
	v16 =	vld.idx.msk [tilespmem:v13+s14+$0x0], $0xffff;
	v13 =	vshra.s32 v14, $0x18  }
0x23c: {  	s25 =	simm.s32 $0x0;
	v12 =	vxor.u32 $0xFFFFFF80, v12;
	v15 =	vld.idx.msk [tilespmem:v11+s14+$0x0], $0xffff;
	v11 =	vxor.u32 $0xFFFFFF80, v13  }
.LBB2_30:
0x23d: {  	s26 =	sshra.s32 s25, $0x2  }
0x23e: {  	v13 =	vld.idx.msk [tilespmem:v7+s26+$0xFFFFFF3C ss:$0x1], $0xffff;
	_ =	sdelay $0x4  }
0x23f: {  	v14 =	vshrl.u32 v13, $0xC;
	v13 =	vshra.s32 v13, $0x18  }
0x240: {  	vm0 =	veq.s32 v13, v12;
	v14 =	vand.u32 $0xFF0, v14  }
0x241: {  	vm1 =	veq.s32 v13, v11;
	v14 =	vor.u32 v1, v14;
	_ =	sdelay $0x4  }
0x242: {  	[tilespmem:v14+s13+$0x0] =	vst.idx.add.s32.msk vm0, v5  }
0x243: {  	[tilespmem:v14+s15+$0x0] =	vst.idx.add.s32.msk vm1, v5  }
0x244: {  	v13 =	vld.idx.msk [tilespmem:v7+s26+$0xFFFFFF6D ss:$0x1], $0xffff;
	_ =	sdelay $0x4  }
0x245: {  	v14 =	vshrl.u32 v13, $0xC;
	v13 =	vshra.s32 v13, $0x18  }
0x246: {  	vm14 =	veq.s32 v13, v12;
	v14 =	vand.u32 $0xFF0, v14  }
0x247: {  	vm15 =	veq.s32 v13, v11;
	v14 =	vor.u32 v1, v14;
	_ =	sdelay $0x4  }
0x248: {  	[tilespmem:v14+s13+$0x0] =	vst.idx.add.s32.msk vm14, v5  }
0x249: {  	[tilespmem:v14+s15+$0x0] =	vst.idx.add.s32.msk vm15, v5  }
0x24a: {  	v13 =	vld.idx.msk [tilespmem:v7+s26+$0xFFFFFF9E ss:$0x1], $0xffff;
	_ =	sdelay $0x4  }
0x24b: {  	v14 =	vshrl.u32 v13, $0xC;
	v13 =	vshra.s32 v13, $0x18  }
0x24c: {  	vm4 =	veq.s32 v13, v12;
	v14 =	vand.u32 $0xFF0, v14  }
0x24d: {  	vm5 =	veq.s32 v13, v11;
	v14 =	vor.u32 v1, v14;
	_ =	sdelay $0x4  }
0x24e: {  	[tilespmem:v14+s13+$0x0] =	vst.idx.add.s32.msk vm4, v5  }
0x24f: {  	[tilespmem:v14+s15+$0x0] =	vst.idx.add.s32.msk vm5, v5  }
0x250: {  	v13 =	vld.idx.msk [tilespmem:v7+s26+$0xFFFFFFCF ss:$0x1], $0xffff;
	_ =	sdelay $0x4  }
0x251: {  	v14 =	vshrl.u32 v13, $0xC;
	v13 =	vshra.s32 v13, $0x18  }
0x252: {  	vm6 =	veq.s32 v13, v12;
	v14 =	vand.u32 $0xFF0, v14  }
0x253: {  	vm7 =	veq.s32 v13, v11;
	v14 =	vor.u32 v1, v14;
	_ =	sdelay $0x4  }
0x254: {  	[tilespmem:v14+s13+$0x0] =	vst.idx.add.s32.msk vm6, v5  }
0x255: {  	[tilespmem:v14+s15+$0x0] =	vst.idx.add.s32.msk vm7, v5  }
0x256: {  	v13 =	vld.idx.msk [tilespmem:v7+s26+$0x0 ss:$0x1], $0xffff;
	_ =	sdelay $0x4  }
0x257: {  	v14 =	vshrl.u32 v13, $0xC;
	v13 =	vshra.s32 v13, $0x18  }
0x258: {  	vm8 =	veq.s32 v13, v12;
	v14 =	vand.u32 $0xFF0, v14  }
0x259: {  	vm9 =	veq.s32 v13, v11;
	v14 =	vor.u32 v1, v14;
	_ =	sdelay $0x4  }
0x25a: {  	[tilespmem:v14+s13+$0x0] =	vst.idx.add.s32.msk vm8, v5  }
0x25b: {  	[tilespmem:v14+s15+$0x0] =	vst.idx.add.s32.msk vm9, v5  }
0x25c: {  	v13 =	vld.idx.msk [tilespmem:v7+s26+$0x31 ss:$0x1], $0xffff;
	_ =	sdelay $0x4  }
0x25d: {  	v14 =	vshrl.u32 v13, $0xC;
	v13 =	vshra.s32 v13, $0x18  }
0x25e: {  	vm10 =	veq.s32 v13, v12;
	v14 =	vand.u32 $0xFF0, v14  }
0x25f: {  	vm11 =	veq.s32 v13, v11;
	v14 =	vor.u32 v1, v14;
	_ =	sdelay $0x4  }
0x260: {  	[tilespmem:v14+s13+$0x0] =	vst.idx.add.s32.msk vm10, v5  }
0x261: {  	[tilespmem:v14+s15+$0x0] =	vst.idx.add.s32.msk vm11, v5  }
0x262: {  	v13 =	vld.idx.msk [tilespmem:v7+s26+$0x62 ss:$0x1], $0xffff;
	_ =	sdelay $0x4  }
0x263: {  	v14 =	vshrl.u32 v13, $0xC;
	v13 =	vshra.s32 v13, $0x18  }
0x264: {  	vm12 =	veq.s32 v13, v12;
	v14 =	vand.u32 $0xFF0, v14  }
0x265: {  	vm13 =	veq.s32 v13, v11;
	v14 =	vor.u32 v1, v14;
	_ =	sdelay $0x4  }
0x266: {  	[tilespmem:v14+s13+$0x0] =	vst.idx.add.s32.msk vm12, v5  }
0x267: {  	[tilespmem:v14+s15+$0x0] =	vst.idx.add.s32.msk vm13, v5  }
0x268: {  	v13 =	vld.idx.msk [tilespmem:v7+s26+$0x93 ss:$0x1], $0xffff;
	_ =	sdelay $0x4  }
0x269: {  	v14 =	vshrl.u32 v13, $0xC;
	v13 =	vshra.s32 v13, $0x18  }
0x26a: {  	vm14 =	veq.s32 v13, v12;
	v14 =	vand.u32 $0xFF0, v14  }
0x26b: {  	vm15 =	veq.s32 v13, v11;
	v14 =	vor.u32 v1, v14  }
0x26c: {  	p0 =	sne.s32 s25, $0x1B2E0  }
.Ltmp13:
0x26d: {  	_ = 	snop;
	(pc) =	sbr.rel @p0 .LBB2_30-.Ltmp13, $3  }
0x26e: {  	_ =	sdelay $0x1  }
0x26f: {  	[tilespmem:v14+s13+$0x0] =	vst.idx.add.s32.msk vm14, v5  }
0x270: {  	s25 =	sadd.s32 $0x620, s25;
	[tilespmem:v14+s15+$0x0] =	vst.idx.add.s32.msk vm15, v5  }
0x271: {  	s25 =	simm.s32 $0x0  }
0x272: {  	v13 =	vld [tilespmem:s25+$0x146B0]  }
0x273: {  	v19 =	vld [tilespmem:s25+$0x156A0]  }
0x274: {  	v20 =	vld [tilespmem:s25+$0x14690]  }
0x275: {  	v18 =	vld [tilespmem:s25+$0x15690]  }
0x276: {  	v22 =	vld [tilespmem:s25+$0x15680];
	[tilespmem:s25+$0x156A0] =	vst v0  }
0x277: {  	v23 =	vld [tilespmem:s25+$0x14680];
	[tilespmem:s25+$0x14690] =	vst v0  }
0x278: {  	vm0 =	vgt.s32 v9, $0x0;
	v17 =	vld [tilespmem:s25+$0x156B0];
	[tilespmem:s25+$0x146B0] =	vst v0  }
0x279: {  	v14 =	vimm.s32 $0x0;
	v21 =	vld [tilespmem:s25+$0x146A0];
	v9 =	vnsel vm0, $0x0, v16;
	vm0 =	vgt.s32 v8, $0x0;
	[tilespmem:s25+$0x146A0] =	vst v0  }
0x27a: {  	v8 =	vadd.s32 $0xFFFFFDFA, v10;
	[tilespmem:s25+$0x15690] =	vst v0;
	v10 =	vsub.s32 v10, v9;
	v9 =	vsub.s32 $0x3A, v15  }
0x27b: {  	[tilespmem:s25+$0x156B0] =	vst v0;
	v16 =	vimm.s32 $0x0;
	v9 =	vnsel vm0, $0x3A, v9;
	v22 =	vadd.s32 v14, v22  }
0x27c: {  	s26 =	simm.s32 $0x100;
	[tilespmem:s25+$0x15680] =	vst v0;
	v15 =	vadd.s32 v14, v23;
	vm0 =	vlt.s32 v22, v9;
	v18 =	vadd.s32 v22, v18  }
.LBB2_32:
0x27d: {  	p0 =	sne.s32 s26, $0x3F00;
	[tilespmem:s25+$0x17680] =	vst v22;
	v19 =	vadd.s32 v18, v19;
	s28 =	smov.u32 s26;
	s26 =	sadd.s32 $0x100, s26  }
0x27e: {  	v20 =	vadd.s32 v15, v20;
	[tilespmem:s25+$0x176A0] =	vst v19;
	vm1 =	vlt.s32 v19, v9;
	v22 =	vadd.s32 v19, v17  }
0x27f: {  	v17 =	vsub.s32 v10, v20;
	v19 =	vadd.s32 v20, v21;
	[tilespmem:s25+$0x176B0] =	vst v22;
	vm2 =	vlt.s32 v22, v9  }
0x280: {  	s28 =	sshra.s32 s28, $0x2;
	vm3 =	vge.s32 v17, v8;
	v17 =	vsub.s32 v10, v19;
	v23 =	vadd.s32 v19, v13;
	[tilespmem:s25+$0x166A0] =	vst v19  }
0x281: {  	v21 =	vsel vm3, $0x1, v0;
	vm3 =	vge.s32 v17, v8;
	v19 =	vsub.s32 v10, v23;
	v13 =	vld [tilespmem:s28+$0x146B0];
	[tilespmem:s25+$0x166B0] =	vst v23  }
0x282: {  	v24 =	vsub.s32 v10, v15;
	v25 =	vsel vm3, $0x1, v0;
	vm3 =	vge.s32 v19, v8;
	v17 =	vld [tilespmem:s28+$0x156B0];
	[tilespmem:s25+$0x16690] =	vst v20  }
0x283: {  	vm4 =	vge.s32 v24, v8;
	v24 =	vsel vm2, $0x1, v0;
	v19 =	vld [tilespmem:s28+$0x156A0];
	[tilespmem:s25+$0x14680] =	vst v0  }
0x284: {  	v27 =	vsel vm0, $0x1, v0;
	vm0 =	vlt.s32 v18, v9;
	v26 =	vsel vm4, $0x1, v0;
	v20 =	vld [tilespmem:s28+$0x14690];
	[tilespmem:s25+$0x17690] =	vst v18  }
0x285: {  	v14 =	vadd.s32 v26, v14;
	v18 =	vld [tilespmem:s28+$0x15690];
	[tilespmem:s25+$0x16680] =	vst v15;
	v15 =	vadd.s32 v27, v16;
	v16 =	vsel vm0, $0x1, v0;
	s25 =	smov.u32 s28  }
0x286: {  	v14 =	vadd.s32 v21, v14;
	v26 =	vld [tilespmem:s25+$0x15680];
	[tilespmem:s25+$0x156A0] =	vst v0;
	v15 =	vadd.s32 v16, v15;
	v16 =	vsel vm1, $0x1, v0  }
0x287: {  	v14 =	vadd.s32 v25, v14;
	v27 =	vld [tilespmem:s25+$0x14680];
	[tilespmem:s25+$0x14690] =	vst v0;
	v15 =	vadd.s32 v16, v15;
	v16 =	vsel vm3, $0x1, v0  }
.Ltmp14:
0x288: {  	v21 =	vld [tilespmem:s25+$0x146A0];
	[tilespmem:s25+$0x146B0] =	vst v0;
	v14 =	vadd.s32 v16, v14;
	v16 =	vadd.s32 v24, v15;
	(pc) =	sbr.rel @p0 .LBB2_32-.Ltmp14, $4  }
0x289: {  	[tilespmem:s25+$0x146A0] =	vst v0  }
0x28a: {  	[tilespmem:s25+$0x15690] =	vst v0  }
0x28b: {  	v22 =	vadd.s32 v22, v26;
	[tilespmem:s25+$0x156B0] =	vst v0  }
0x28c: {  	[tilespmem:s25+$0x15680] =	vst v0;
	v15 =	vadd.s32 v23, v27;
	vm0 =	vlt.s32 v22, v9;
	v18 =	vadd.s32 v22, v18  }
0x28d: {  	[tilespmem:s25+$0x17680] =	vst v22  }
0x28e: {  	[tilespmem:s25+$0x14680] =	vst v0  }
0x28f: {  	v19 =	vadd.s32 v18, v19;
	v20 =	vadd.s32 v15, v20;
	[tilespmem:s25+$0x17690] =	vst v18;
	v12 =	vshll.u32 v12, $0x18  }
0x290: {  	[tilespmem:s25+$0x16680] =	vst v15;
	v11 =	vshll.u32 v11, $0x18;
	v25 =	vimm.f32 $0.0e+00;
	v26 =	vimm.f32 $0.0e+00  }
0x291: {  	vm1 =	vlt.s32 v19, v9;
	v17 =	vadd.s32 v19, v17;
	v22 =	vsub.s32 v10, v20;
	[tilespmem:s25+$0x176A0] =	vst v19  }
0x292: {  	v19 =	vadd.s32 v20, v21;
	vm2 =	vlt.s32 v17, v9;
	vm3 =	vge.s32 v22, v8;
	[tilespmem:s25+$0x176B0] =	vst v17  }
0x293: {  	v17 =	vsub.s32 v10, v19;
	v13 =	vadd.s32 v19, v13;
	[tilespmem:s25+$0x166A0] =	vst v19;
	v19 =	vsub.s32 v10, v15  }
0x294: {  	[tilespmem:s25+$0x16690] =	vst v20;
	v21 =	vsel vm3, $0x1, v0;
	vm3 =	vge.s32 v17, v8;
	v17 =	vsub.s32 v10, v13  }
0x295: {  	s31 =	simm.s32 $0x0;
	[tilespmem:s25+$0x166B0] =	vst v13;
	v13 =	vsel vm0, $0x1, v0;
	vm0 =	vlt.s32 v18, v9;
	v22 =	vsel vm3, $0x1, v0  }
0x296: {  	vm3 =	vge.s32 v19, v8;
	v13 =	vadd.s32 v13, v16;
	v16 =	vsel vm0, $0x1, v0;
	v18 =	vld.idx.msk [tilespmem:v7+s31+$0x93 ss:$0x1], $0xffff  }
0x297: {  	v23 =	vld.idx.msk [tilespmem:v7+s31+$0xFFFFFF9E ss:$0x1], $0xffff;
	v19 =	vsel vm3, $0x1, v0;
	v13 =	vadd.s32 v16, v13;
	v16 =	vsel vm1, $0x1, v0  }
0x298: {  	v20 =	vsel vm2, $0x1, v0;
	v14 =	vadd.s32 v19, v14;
	v13 =	vadd.s32 v16, v13  }
0x299: {  	vm0 =	vge.s32 v17, v8;
	v16 =	vld.idx.msk [tilespmem:v7+s31+$0x62 ss:$0x1], $0xffff;
	v14 =	vadd.s32 v21, v14;
	v13 =	vadd.s32 v20, v13  }
0x29a: {  	v15 =	vsel vm0, $0x1, v0;
	v19 =	vld.idx.msk [tilespmem:v7+s31+$0x0 ss:$0x1], $0xffff;
	v14 =	vadd.s32 v22, v14;
	v17 =	vadd.s32 $0xFFFFFFFF, v13  }
0x29b: {  	v21 =	vld.idx.msk [tilespmem:v7+s31+$0x31 ss:$0x1], $0xffff;
	v20 =	vimm.f32 $0.0e+00;
	v14 =	vadd.s32 v15, v14;
	vm0 =	vgt.s32 v17, $0x0  }
0x29c: {  	v29 =	vshra.s32 v18, $0x1F;
	v33 =	vshra.s32 v23, $0x1F;
	v17 =	vnsel vm0, $0x0, v17  }
0x29d: {  	v15 =	vshll.u32 v14, $0x4;
	v14 =	vshll.u32 v14, $0x10;
	v17 =	vshll.u32 v17, $0x4  }
0x29e: {  	v27 =	vld.idx.msk [tilespmem:v7+s31+$0xFFFFFF3C ss:$0x1], $0xffff;
	v15 =	vor.u32 v1, v15;
	v12 =	vor.u32 v12, v14;
	v14 =	vshll.u32 v13, $0x10  }
0x29f: {  	v22 =	vld.idx.msk [tilespmem:v7+s31+$0xFFFFFFCF ss:$0x1], $0xffff;
	v30 =	vshra.s32 v16, $0x1F;
	v31 =	vshra.s32 v19, $0x1F;
	v24 =	vor.u32 v1, v17  }
0x2a0: {  	v28 =	vld.idx.msk [tilespmem:v7+s31+$0xFFFFFF6D ss:$0x1], $0xffff;
	v17 =	vor.u32 $0xFFFF, v12;
	v11 =	vor.u32 v11, v14;
	v32 =	vshra.s32 v21, $0x1F  }
0x2a1: {  	vm6 =	vgt.s32 v16, v17;
	vm7 =	vlt.s32 v16, v11;
	vm1 =	vgt.s32 v18, v17  }
0x2a2: {  	vm0 =	vlt.s32 v18, v11;
	vm9 =	vgt.s32 v19, v17;
	vm8 =	vlt.s32 v19, v11  }
0x2a3: {  	vm3 =	vgt.s32 v21, v17;
	vm2 =	vlt.s32 v21, v11;
	vm10 =	vgt.s32 v23, v17  }
0x2a4: {  	vm11 =	vlt.s32 v23, v11;
	vm5 =	vgt.s32 v22, v17;
	vm4 =	vlt.s32 v22, v11  }
0x2a5: {  	vm13 =	vgt.s32 v27, v17;
	vm14 =	vlt.s32 v27, v11;
	vm15 =	vgt.s32 v28, v17;
	v14 =	vld.idx.msk [tilespmem:v15+s14+$0x0], $0xffff  }
0x2a6: {  	s25 =	simm.s32 $0x620;
	vm12 =	vlt.s32 v28, v11;
	v34 =	vshra.s32 v22, $0x1F;
	v15 =	vld.idx.msk [tilespmem:v24+s16+$0x0], $0xffff;
	v24 =	vimm.f32 $0.0e+00  }
.LBB2_34:
0x2a7: {  	p0 =	sne.s32 s25, $0x1B2E0;
	v35 =	vshra.s32 v27, $0x1F;
	v36 =	vshra.s32 v28, $0x1F;
	v30 =	vand.u32 $0x7FFFFFFF, v30  }
0x2a8: {  	v31 =	vand.u32 $0x7FFFFFFF, v31;
	v32 =	vand.u32 $0x7FFFFFFF, v32;
	v29 =	vand.u32 $0x7FFFFFFF, v29  }
0x2a9: {  	v33 =	vand.u32 $0x7FFFFFFF, v33;
	v34 =	vand.u32 $0x7FFFFFFF, v34;
	v35 =	vand.u32 $0x7FFFFFFF, v35  }
0x2aa: {  	v36 =	vand.u32 $0x7FFFFFFF, v36;
	v16 =	vxor.u32 v16, v30;
	v29 =	vxor.u32 v18, v29  }
0x2ab: {  	v18 =	vxor.u32 v23, v33;
	v19 =	vxor.u32 v19, v31;
	v30 =	vxor.u32 v21, v32  }
0x2ac: {  	v22 =	vxor.u32 v22, v34;
	v21 =	vxor.u32 v27, v35;
	v23 =	vxor.u32 v28, v36  }
0x2ad: {  	v27 =	vnsel vm9, $0x0, v19;
	v28 =	vnsel vm6, $0x0, v16;
	v31 =	vnsel vm7, $0x0, v16  }
0x2ae: {  	v32 =	vnsel vm10, $0x0, v18;
	v33 =	vnsel vm11, $0x0, v18;
	v34 =	vnsel vm8, $0x0, v19  }
0x2af: {  	s26 =	sshra.s32 s25, $0x2;
	v18 =	vnsel vm13, $0x0, v21;
	v19 =	vnsel vm14, $0x0, v21;
	v21 =	vnsel vm15, $0x0, v23  }
0x2b0: {  	v20 =	vadd.f32 v18, v20;
	v24 =	vadd.f32 v19, v24;
	v19 =	vnsel vm12, $0x0, v23;
	v16 =	vld.idx.msk [tilespmem:v7+s26+$0x62 ss:$0x1], $0xffff  }
0x2b1: {  	v23 =	vadd.f32 v21, v25;
	v25 =	vadd.f32 v19, v26;
	v26 =	vnsel vm5, $0x0, v22;
	v18 =	vld.idx.msk [tilespmem:v7+s26+$0x93 ss:$0x1], $0xffff  }
0x2b2: {  	v22 =	vnsel vm4, $0x0, v22;
	v20 =	vadd.f32 v32, v20;
	v24 =	vadd.f32 v33, v24;
	v19 =	vld.idx.msk [tilespmem:v7+s26+$0x0 ss:$0x1], $0xffff  }
0x2b3: {  	v26 =	vadd.f32 v26, v23;
	v32 =	vnsel vm3, $0x0, v30;
	v25 =	vadd.f32 v22, v25;
	v21 =	vld.idx.msk [tilespmem:v7+s26+$0x31 ss:$0x1], $0xffff  }
0x2b4: {  	v20 =	vadd.f32 v27, v20;
	v24 =	vadd.f32 v34, v24;
	v27 =	vnsel vm2, $0x0, v30;
	v23 =	vld.idx.msk [tilespmem:v7+s26+$0xFFFFFF9E ss:$0x1], $0xffff  }
0x2b5: {  	v26 =	vadd.f32 v32, v26;
	v30 =	vadd.f32 v27, v25;
	v25 =	vnsel vm1, $0x0, v29;
	v22 =	vld.idx.msk [tilespmem:v7+s26+$0xFFFFFFCF ss:$0x1], $0xffff  }
0x2b6: {  	v29 =	vnsel vm0, $0x0, v29;
	v20 =	vadd.f32 v28, v20;
	v24 =	vadd.f32 v31, v24;
	v27 =	vld.idx.msk [tilespmem:v7+s26+$0xFFFFFF3C ss:$0x1], $0xffff  }
0x2b7: {  	v25 =	vadd.f32 v25, v26;
	v26 =	vadd.f32 v29, v30;
	vm6 =	vgt.s32 v16, v17;
	v28 =	vld.idx.msk [tilespmem:v7+s26+$0xFFFFFF6D ss:$0x1], $0xffff  }
0x2b8: {  	vm7 =	vlt.s32 v16, v11;
	vm1 =	vgt.s32 v18, v17;
	vm0 =	vlt.s32 v18, v11  }
0x2b9: {  	vm9 =	vgt.s32 v19, v17;
	vm8 =	vlt.s32 v19, v11;
	vm3 =	vgt.s32 v21, v17  }
.Ltmp15:
0x2ba: {  	v30 =	vshra.s32 v16, $0x1F;
	v29 =	vshra.s32 v18, $0x1F;
	vm2 =	vlt.s32 v21, v11;
	(pc) =	sbr.rel @p0 .LBB2_34-.Ltmp15, $4  }
0x2bb: {  	vm10 =	vgt.s32 v23, v17;
	vm11 =	vlt.s32 v23, v11;
	vm5 =	vgt.s32 v22, v17  }
0x2bc: {  	v31 =	vshra.s32 v19, $0x1F;
	v32 =	vshra.s32 v21, $0x1F;
	vm4 =	vlt.s32 v22, v11  }
0x2bd: {  	vm13 =	vgt.s32 v27, v17;
	vm14 =	vlt.s32 v27, v11;
	vm15 =	vgt.s32 v28, v17  }
0x2be: {  	s25 =	sadd.s32 $0x620, s25;
	v33 =	vshra.s32 v23, $0x1F;
	v34 =	vshra.s32 v22, $0x1F;
	vm12 =	vlt.s32 v28, v11  }
0x2bf: {  	v7 =	vshra.s32 v27, $0x1F  }
0x2c0: {  	v17 =	vshra.s32 v28, $0x1F;
	v30 =	vand.u32 $0x7FFFFFFF, v30;
	v31 =	vand.u32 $0x7FFFFFFF, v31  }
0x2c1: {  	v32 =	vand.u32 $0x7FFFFFFF, v32;
	v29 =	vand.u32 $0x7FFFFFFF, v29;
	v33 =	vand.u32 $0x7FFFFFFF, v33  }
0x2c2: {  	v34 =	vand.u32 $0x7FFFFFFF, v34;
	v8 =	vsub.s32 v8, v10;
	v59 =	vor.u32 $0x8000, v12  }
0x2c3: {  	v60 =	vshra.s32 v12, $0x1F;
	v61 =	vor.u32 $0x8000, v11;
	v62 =	vshra.s32 v11, $0x1F  }
0x2c4: {  	v7 =	vand.u32 $0x7FFFFFFF, v7;
	v17 =	vand.u32 $0x7FFFFFFF, v17;
	v16 =	vxor.u32 v16, v30  }
0x2c5: {  	v18 =	vxor.u32 v18, v29;
	v23 =	vxor.u32 v23, v33;
	v19 =	vxor.u32 v19, v31  }
0x2c6: {  	v21 =	vxor.u32 v21, v32;
	v22 =	vxor.u32 v22, v34;
	v8 =	vadd.s32 v14, v8  }
0x2c7: {  	v12 =	vand.u32 $0x7FFFFFFF, v60;
	v11 =	vand.u32 $0x7FFFFFFF, v62;
	v7 =	vxor.u32 v27, v7  }
0x2c8: {  	v17 =	vxor.u32 v28, v17;
	v44 =	vnsel vm9, $0x0, v19;
	v45 =	vnsel vm6, $0x0, v16  }
0x2c9: {  	v16 =	vnsel vm7, $0x0, v16;
	v46 =	vnsel vm10, $0x0, v23;
	v23 =	vnsel vm11, $0x0, v23  }
0x2ca: {  	v19 =	vnsel vm8, $0x0, v19;
	v50 =	vnsel vm5, $0x0, v22;
	v22 =	vnsel vm4, $0x0, v22  }
0x2cb: {  	v52 =	vnsel vm3, $0x0, v21;
	v53 =	vnsel vm2, $0x0, v21;
	v55 =	vnsel vm1, $0x0, v18  }
0x2cc: {  	v47 =	vnsel vm13, $0x0, v7;
	v7 =	vnsel vm14, $0x0, v7;
	v48 =	vnsel vm15, $0x0, v17  }
0x2cd: {  	v17 =	vnsel vm12, $0x0, v17;
	v20 =	vadd.f32 v47, v20;
	v7 =	vadd.f32 v7, v24  }
0x2ce: {  	v56 =	vnsel vm0, $0x0, v18;
	v49 =	vadd.f32 v48, v25;
	v17 =	vadd.f32 v17, v26  }
0x2cf: {  	v8 =	vcvt.s32.f32 v8;
	v20 =	vadd.f32 v46, v20;
	v7 =	vadd.f32 v23, v7  }
0x2d0: {  	v12 =	vxor.u32 v59, v12;
	v51 =	vadd.f32 v50, v49;
	v17 =	vadd.f32 v22, v17  }
0x2d1: {  	vm15 =	vgt.s32 v13, $0x0;
	v20 =	vadd.f32 v44, v20;
	v7 =	vadd.f32 v19, v7  }
0x2d2: {  	v13 =	vnsel vm15, $0x0, v15;
	v54 =	vadd.f32 v52, v51;
	v17 =	vadd.f32 v53, v17  }
0x2d3: {  	v9 =	vsub.s32 v9, v13;
	v20 =	vadd.f32 v45, v20;
	v7 =	vadd.f32 v16, v7  }
0x2d4: {  	v9 =	vcvt.s32.f32 v9;
	v57 =	vadd.f32 v55, v54;
	v58 =	vadd.f32 v56, v17  }
0x2d5: {  	v11 =	vxor.u32 v61, v11;
	v8 =	vmul.f32 v8, v12  }
0x2d6: {  	v9 =	vmul.f32 v9, v11;
	v63 =	vadd.f32 v57, v20;
	v7 =	vadd.f32 v58, v7;
	_ =	sdelay $0x1  }
0x2d7: {  	v8 =	vadd.f32 v63, v8;
	v7 =	vadd.f32 v7, v9;
	_ =	sdelay $0x1  }
0x2d8: {  	s22 =	sadd.s32 $0x1, s22;
	v8 =	vmul.f32 v8, v2;
	v7 =	vmul.f32 v7, v2  }
0x2d9: {  	p0 =	sne.s32 s22, $0x3  }
.Ltmp16:
0x2da: {  	v7 =	vadd.f32 v7, v8;
	(pc) =	sbr.rel @p0 .LBB2_25-.Ltmp16, $3  }
0x2db: {  	_ = 	snop  }
0x2dc: {  	v7 =	vmul.f32 $5.000000000e-01, v7;
	_ =	sdelay $0x1  }
0x2dd: {  	s23 =	sadd.s32 $0x10, s23;
	[tilespmem:v6+s24+$0x0 ss:$0x1] =	vst.idx.msk $0xffff, v7  }
0x2de: {  	s21 =	sadd.s32 $0x1, s21  }
0x2df: {  	p0 =	sne.s32 s21, $0x8  }
.Ltmp17:
0x2e0: {  	_ = 	snop;
	(pc) =	sbr.rel @p0 .LBB2_4-.Ltmp17, $1  }
0x2e1: {  	_ =	sdelay $0x3  }
0x2e2: {  	s20 =	sadd.s32 $0x1, s20  }
0x2e3: {  	p0 =	sne.s32 s20, s9  }
.Ltmp18:
0x2e4: {  	_ = 	snop;
	(pc) =	sbr.rel @p0 .LBB2_1-.Ltmp18, $4  }
0x2e5: {  	[hbm4b:s8+s3] =	stream.linear.scatter [tilespmem:s18], [sflag:$0x3], $0x300, $0x38;
	[tilespmem:$0x18980] =	vst v63  }
0x2e6: {  	_ =	swait.ge [sflag:s19], $0x300  }
0x2e7: {  	[sflag:s19] =	ssyncset.done $0x0  }
0x2e8: {  	[sflag:s19] =	ssyncadd.s32 $0xFFFFFD00  }
0x2e9: {  	_ =	sfence.sel $0x180000  }
0x2ea: {  	[bflag:$0x0] =	sbarrier.arrive $0xFFFF  }
0x2eb: {  	p0 =	sne.s32 s2, $0x0;
	_ =	strace $0x90000047  }
0x2ec: {  	s0 =	sadd.s32 @!p0 $0x100000, s0;
	[bflag:$0x2] =	sbarrier.arrive $0xFFFF  }
0x2ed: {  	[sflag:s0] =	ssyncadd.tile.s32 @!p0 $0x1;
	_ =	shalt  }
.Lfunc_end2:
_tile_overlayer_lowered:
.L_overlay_start_2:
0x2ee: {  	(tag) =	ssettag $0x2  }
0x2ef: {  	s0 =	rddreg [dreg:$0x0];
	s2 =	stileid.u32  }
0x2f0: {  	s1 =	rddreg [dreg:$0x1];
	p0 =	sne.s32 s2, $0x0  }
0x2f1: {  	s3 =	rddreg [dreg:$0x2];
	[bflag:$0x3] =	sbarrier.arrive $0xFFFF;
	s2 =	simm.s32 @!p0 $0x1C03  }
0x2f2: {  	[timem:s3], [sflag:s2] =	dma.local @!p0 [hbm:s0], s1  }
0x2f3: {  	s0 =	simm.s32 @!p0 $0x3  }
0x2f4: {  	_ =	swait.ge @!p0 [sflag:s0], s1  }
0x2f5: {  	s1 =	ssub.s32 @!p0 $0x0, s1;
	[sflag:s0] =	ssyncset.done @!p0 $0x0  }
0x2f6: {  	[sflag:s0] =	ssyncadd.s32 @!p0 s1  }
0x2f7: {  	[bflag:$0x3] =	sbarrier.arrive $0xFFFF  }
0x2f8: {  	_ =	shalt  }

</sc_bundles>
